<compile_context>
chip_gen: v7x
topology: tpu7x:2x2x1
jax: 0.10.2.dev20260603
libtpu: 0.0.44.dev20260713+nightly
codegen_flags: <defaults>
</compile_context>

<pallas_src>
import functools

import jax
import jax.numpy as jnp
from jax import lax
from jax.experimental import pallas as pl
from jax.experimental.pallas import tpu as pltpu
from jax.experimental.pallas import tpu_sc as plsc

B = 16
P = 131072
RES = 50
NVOX = RES * RES * RES
GRID_PAD = 125008

NC, NS, L = 2, 16, 16

BB = 8


def _enc_body(pts_ref, valid_ref, enc_ref):
    def coord(c):
        t = (pts_ref[c] + 2.0) * 0.25 * 49.0
        ti = jnp.floor(t).astype(jnp.int32)
        return jnp.clip(ti, 0, 49)

    i, j, k = coord(0), coord(1), coord(2)
    lin = (i * 50 + j) * 50 + k
    enc_ref[...] = jnp.where(valid_ref[...], lin, -1).reshape(BB * P)


def _encode(pts_t, valid):
    return pl.pallas_call(
        _enc_body,
        grid=(B // BB,),
        in_specs=[
            pl.BlockSpec((3, BB, P), lambda b: (0, b, 0)),
            pl.BlockSpec((BB, P), lambda b: (b, 0)),
        ],
        out_specs=pl.BlockSpec((BB * P,), lambda b: (b,)),
        out_shape=jax.ShapeDtypeStruct((B * P,), jnp.int32),
    )(pts_t, valid)


ECHUNK = 2048
NECH = P // ECHUNK
OCHUNK = 2048
NOFULL = NVOX // OCHUNK
OTAIL = NVOX - NOFULL * OCHUNK

_mesh = plsc.VectorSubcoreMesh(
    core_axis_name="c", subcore_axis_name="s", num_cores=NC, num_subcores=NS)


@functools.partial(
    pl.kernel,
    out_type=jax.ShapeDtypeStruct((B * NVOX,), jnp.float32),
    mesh=_mesh,
    compiler_params=pltpu.CompilerParams(needs_layout_passes=False),
    scratch_types=[
        pltpu.VMEM((GRID_PAD,), jnp.float32),
        pltpu.VMEM((2 * ECHUNK,), jnp.int32),
        pltpu.SemaphoreType.DMA,
        pltpu.SemaphoreType.DMA,
        pltpu.SemaphoreType.DMA,
    ],
)
def _voxelize(enc_hbm, out_hbm, grid_v, buf_v, insem0, insem1, outsem):
    cid = lax.axis_index("c")
    sid = lax.axis_index("s")
    wid = sid * NC + cid

    @pl.when(wid < B)
    def _work():
        b = wid
        zeros16 = jnp.zeros((L,), jnp.float32)
        ones16 = jnp.ones((L,), jnp.float32)
        insems = (insem0, insem1)

        def in_copy(c, bu):
            return pltpu.make_async_copy(
                enc_hbm.at[pl.ds(b * P + c * ECHUNK, ECHUNK)],
                buf_v.at[pl.ds(bu * ECHUNK, ECHUNK)],
                insems[bu])

        def out_copy(c, n):
            return pltpu.make_async_copy(
                grid_v.at[pl.ds(c * OCHUNK, n)],
                out_hbm.at[pl.ds(b * NVOX + c * OCHUNK, n)],
                outsem)

        in_copy(0, 0).start()
        in_copy(1, 1).start()

        def zbody(i, carry):
            grid_v[pl.ds(i * L, L)] = zeros16
            return carry
        lax.fori_loop(0, GRID_PAD // L, zbody, 0, unroll=8)

        def scpair(g, carry):
            for bu in (0, 1):
                c = g * 2 + bu
                in_copy(c, bu).wait()

                def vbody(v, carry2, bu=bu):
                    ev = buf_v[pl.ds(bu * ECHUNK + v * L, L)]
                    plsc.store_scatter(grid_v, [ev], ones16, mask=ev >= 0)
                    return carry2
                lax.fori_loop(0, ECHUNK // L, vbody, 0, unroll=8)

                @pl.when(c + 2 < NECH)
                def _(c=c, bu=bu):
                    in_copy(c + 2, bu).start()
            return carry
        lax.fori_loop(0, NECH // 2, scpair, 0)

        for c in range(NOFULL):
            out_copy(c, OCHUNK).start()
        out_copy(NOFULL, OTAIL).start()
        for c in range(NOFULL):
            out_copy(c, OCHUNK).wait()
        out_copy(NOFULL, OTAIL).wait()


def kernel(pointclouds, valid_points):
    pts_t = pointclouds.transpose(2, 0, 1)
    enc = _encode(pts_t, valid_points)
    occ = _voxelize(enc)
    occ5 = occ.reshape(B, RES, RES, RES, 1)
    return jnp.pad(occ5, ((0, 0), (0, 0), (0, 0), (0, 0), (0, 3)))

# --- scband reference (transcript-rebuilt; emitter-appended) ---
"""Pipeline reference for scband-cnnencoder-23983097381271 (READ-ONLY COPY).

The authoritative reference and input builder live on the scoring server;
editing this copy changes nothing except your own understanding.
"""

import jax, jax.numpy as jnp
import numpy as np

RADIUS = 2.0
RESOLUTION = 50
_MAX = RADIUS * np.ones(3)
_MIN = -_MAX


def setup_inputs(seed: int = 0) -> dict:
    key = jax.random.key(seed)
    k1, k2 = jax.random.split(key)
    pointclouds = jax.random.normal(k1, (16, 131072, 6), dtype=jnp.float32)
    valid_points = jax.random.randint(k2, (16, 131072), 0, 2).astype(bool)
    return {"pointclouds": pointclouds, "valid_points": valid_points}


def reference(pointclouds, valid_points):
    batch_size, num_points, _ = pointclouds.shape
    # grid index computation (floor/clamp -> integer voxel coords)
    grid_indices = jnp.floor((pointclouds[:, :, :3] - _MIN) / (_MAX - _MIN) * (RESOLUTION - 1))
    grid_indices = jnp.clip(grid_indices.astype(jnp.int32), 0, RESOLUTION - 1)
    batch_indices = jnp.broadcast_to(jnp.arange(batch_size)[:, None], (batch_size, num_points))
    voxel_grid = jnp.zeros((batch_size, RESOLUTION, RESOLUTION, RESOLUTION, 4), dtype=jnp.float32)
    # torch: voxel_grid[b, i, j, k, 0] = 1 for valid points only.
    # Equivalent trace-friendly form: scatter-max of the validity flag (invalid points write 0 = no-op on a zero-initialized grid).
    vals = valid_points.astype(jnp.float32)
    voxel_grid = voxel_grid.at[batch_indices, grid_indices[..., 0], grid_indices[..., 1], grid_indices[..., 2], 0].max(vals)
    return voxel_grid

if __name__ == "__main__":
    import jax
    _d = setup_inputs()
    print(jax.jit(kernel)(*tuple(_d.values())))

</pallas_src>

<mosaic_0001>
#map = affine_map<(d0, d1) -> (0)>
module attributes {stable_mosaic.version = 14 : i64} {
  func.func @_voxelize(%arg0: i32, %arg1: i32, %arg2: memref<2097152xi32, #tpu.memory_space<hbm>>, %arg3: memref<2000000xf32, #tpu.memory_space<hbm>>, %arg4: memref<125008xf32, #tpu.memory_space<vmem>>, %arg5: memref<4096xi32, #tpu.memory_space<vmem>>, %arg6: memref<!tpu.dma_semaphore, #tpu.memory_space<semaphore_mem>>, %arg7: memref<!tpu.dma_semaphore, #tpu.memory_space<semaphore_mem>>, %arg8: memref<!tpu.dma_semaphore, #tpu.memory_space<semaphore_mem>>) attributes {dimension_semantics = [#tpu.dimension_semantics<core_parallel>, #tpu.dimension_semantics<subcore_parallel>], iteration_bounds = array<i64: 2, 16>, scalar_prefetch = 0 : i64, scratch_operands = 5 : i64, tpu.core_type = #tpu.core_type<sc_vector_subcore>, window_params = [{transform_indices = #map}, {transform_indices = #map}]} {
    %mul3A = arith.constant 2 : i32
    %mul3A_0 = arith.muli %arg1, %mul3A : i32
    %add3A = arith.addi %mul3A_0, %arg0 : i32
    %lt3A = arith.constant 16 : i32
    %lt3A_1 = arith.cmpi slt, %add3A, %lt3A : i32
    %convert_element_type3A = arith.extui %lt3A_1 : i1 to i32
    %cond3A = arith.constant 0 : i32
    %cond3A_2 = arith.cmpi ne, %convert_element_type3A, %cond3A : i32
    scf.if %cond3A_2 {
      %broadcast_in_dim3A = arith.constant 0.000000e+00 : f32
      %broadcast_in_dim3A_3 = vector.broadcast %broadcast_in_dim3A : f32 to vector<16xf32>
      %broadcast_in_dim3A_4 = arith.constant 1.000000e+00 : f32
      %broadcast_in_dim3A_5 = vector.broadcast %broadcast_in_dim3A_4 : f32 to vector<16xf32>
      %mul3A_6 = arith.constant 131072 : i32
      %mul3A_7 = arith.muli %add3A, %mul3A_6 : i32
      %add3A_8 = arith.constant 0 : i32
      %add3A_9 = arith.addi %mul3A_7, %add3A_8 : i32
      %dma_start3A = arith.constant 0 : i32
      %dma_start3A_10 = tpu.memref_slice %arg5[%dma_start3A] : memref<4096xi32, #tpu.memory_space<vmem>> -> memref<2048xi32, #tpu.memory_space<vmem>>
      %dma_start3A_11 = tpu.memref_slice %arg2[%add3A_9] : memref<2097152xi32, #tpu.memory_space<hbm>> -> memref<2048xi32, #tpu.memory_space<hbm>>
      %dma_start3A_12 = arith.constant 0 : i32
      %dma_start3A_13 = tpu.memref_slice %arg5[%dma_start3A_12] : memref<4096xi32, #tpu.memory_space<vmem>> -> memref<2048xi32, #tpu.memory_space<vmem>>
      %dma_start3A_14 = tpu.memref_slice %arg2[%add3A_9] : memref<2097152xi32, #tpu.memory_space<hbm>> -> memref<2048xi32, #tpu.memory_space<hbm>>
      tpu.enqueue_dma source(%dma_start3A_14 : memref<2048xi32, #tpu.memory_space<hbm>>) target(%dma_start3A_13 : memref<2048xi32, #tpu.memory_space<vmem>>) target_semaphore(%arg6 : memref<!tpu.dma_semaphore, #tpu.memory_space<semaphore_mem>>)
      %mul3A_15 = arith.constant 131072 : i32
      %mul3A_16 = arith.muli %add3A, %mul3A_15 : i32
      %add3A_17 = arith.constant 2048 : i32
      %add3A_18 = arith.addi %mul3A_16, %add3A_17 : i32
      %dma_start3A_19 = arith.constant 2048 : i32
      %dma_start3A_20 = tpu.memref_slice %arg5[%dma_start3A_19] : memref<4096xi32, #tpu.memory_space<vmem>> -> memref<2048xi32, #tpu.memory_space<vmem>>
      %dma_start3A_21 = tpu.memref_slice %arg2[%add3A_18] : memref<2097152xi32, #tpu.memory_space<hbm>> -> memref<2048xi32, #tpu.memory_space<hbm>>
      %dma_start3A_22 = arith.constant 2048 : i32
      %dma_start3A_23 = tpu.memref_slice %arg5[%dma_start3A_22] : memref<4096xi32, #tpu.memory_space<vmem>> -> memref<2048xi32, #tpu.memory_space<vmem>>
      %dma_start3A_24 = tpu.memref_slice %arg2[%add3A_18] : memref<2097152xi32, #tpu.memory_space<hbm>> -> memref<2048xi32, #tpu.memory_space<hbm>>
      tpu.enqueue_dma source(%dma_start3A_24 : memref<2048xi32, #tpu.memory_space<hbm>>) target(%dma_start3A_23 : memref<2048xi32, #tpu.memory_space<vmem>>) target_semaphore(%arg7 : memref<!tpu.dma_semaphore, #tpu.memory_space<semaphore_mem>>)
      %scan3A = arith.constant 0 : i32
      %scan3A_25 = arith.constant 0 : i32
      %scan3A_26 = arith.constant 7808 : i32
      %scan3A_27 = arith.addi %scan3A_25, %scan3A_26 : i32
      %scan3A_28 = arith.constant 8 : i32
      scf.for %scan3A_1304 = %scan3A_25 to %scan3A_27 step %scan3A_28  : i32 {
        %mul3A_1305 = arith.constant 16 : i32
        %mul3A_1306 = arith.muli %scan3A_1304, %mul3A_1305 : i32
        %swap3A_1307 = arith.index_cast %mul3A_1306 : i32 to index
        %swap3A_1308 = tpu.vector_load %arg4[%swap3A_1307] {strides = array<i32>} : memref<125008xf32, #tpu.memory_space<vmem>>, vector<16xf32>,
        tpu.vector_store %arg4[%swap3A_1307], %broadcast_in_dim3A_3 {strides = array<i32>} : memref<125008xf32, #tpu.memory_space<vmem>>, vector<16xf32>,
        %scan3A_1309 = arith.constant 1 : i32
        %scan3A_1310 = arith.addi %scan3A_1304, %scan3A_1309 : i32
        %mul3A_1311 = arith.constant 16 : i32
        %mul3A_1312 = arith.muli %scan3A_1310, %mul3A_1311 : i32
        %swap3A_1313 = arith.index_cast %mul3A_1312 : i32 to index
        %swap3A_1314 = tpu.vector_load %arg4[%swap3A_1313] {strides = array<i32>} : memref<125008xf32, #tpu.memory_space<vmem>>, vector<16xf32>,
        tpu.vector_store %arg4[%swap3A_1313], %broadcast_in_dim3A_3 {strides = array<i32>} : memref<125008xf32, #tpu.memory_space<vmem>>, vector<16xf32>,
        %scan3A_1315 = arith.constant 2 : i32
        %scan3A_1316 = arith.addi %scan3A_1304, %scan3A_1315 : i32
        %mul3A_1317 = arith.constant 16 : i32
        %mul3A_1318 = arith.muli %scan3A_1316, %mul3A_1317 : i32
        %swap3A_1319 = arith.index_cast %mul3A_1318 : i32 to index
        %swap3A_1320 = tpu.vector_load %arg4[%swap3A_1319] {strides = array<i32>} : memref<125008xf32, #tpu.memory_space<vmem>>, vector<16xf32>,
        tpu.vector_store %arg4[%swap3A_1319], %broadcast_in_dim3A_3 {strides = array<i32>} : memref<125008xf32, #tpu.memory_space<vmem>>, vector<16xf32>,
        %scan3A_1321 = arith.constant 3 : i32
        %scan3A_1322 = arith.addi %scan3A_1304, %scan3A_1321 : i32
        %mul3A_1323 = arith.constant 16 : i32
        %mul3A_1324 = arith.muli %scan3A_1322, %mul3A_1323 : i32
        %swap3A_1325 = arith.index_cast %mul3A_1324 : i32 to index
        %swap3A_1326 = tpu.vector_load %arg4[%swap3A_1325] {strides = array<i32>} : memref<125008xf32, #tpu.memory_space<vmem>>, vector<16xf32>,
        tpu.vector_store %arg4[%swap3A_1325], %broadcast_in_dim3A_3 {strides = array<i32>} : memref<125008xf32, #tpu.memory_space<vmem>>, vector<16xf32>,
        %scan3A_1327 = arith.constant 4 : i32
        %scan3A_1328 = arith.addi %scan3A_1304, %scan3A_1327 : i32
        %mul3A_1329 = arith.constant 16 : i32
        %mul3A_1330 = arith.muli %scan3A_1328, %mul3A_1329 : i32
        %swap3A_1331 = arith.index_cast %mul3A_1330 : i32 to index
        %swap3A_1332 = tpu.vector_load %arg4[%swap3A_1331] {strides = array<i32>} : memref<125008xf32, #tpu.memory_space<vmem>>, vector<16xf32>,
        tpu.vector_store %arg4[%swap3A_1331], %broadcast_in_dim3A_3 {strides = array<i32>} : memref<125008xf32, #tpu.memory_space<vmem>>, vector<16xf32>,
        %scan3A_1333 = arith.constant 5 : i32
        %scan3A_1334 = arith.addi %scan3A_1304, %scan3A_1333 : i32
        %mul3A_1335 = arith.constant 16 : i32
        %mul3A_1336 = arith.muli %scan3A_1334, %mul3A_1335 : i32
        %swap3A_1337 = arith.index_cast %mul3A_1336 : i32 to index
        %swap3A_1338 = tpu.vector_load %arg4[%swap3A_1337] {strides = array<i32>} : memref<125008xf32, #tpu.memory_space<vmem>>, vector<16xf32>,
        tpu.vector_store %arg4[%swap3A_1337], %broadcast_in_dim3A_3 {strides = array<i32>} : memref<125008xf32, #tpu.memory_space<vmem>>, vector<16xf32>,
        %scan3A_1339 = arith.constant 6 : i32
        %scan3A_1340 = arith.addi %scan3A_1304, %scan3A_1339 : i32
        %mul3A_1341 = arith.constant 16 : i32
        %mul3A_1342 = arith.muli %scan3A_1340, %mul3A_1341 : i32
        %swap3A_1343 = arith.index_cast %mul3A_1342 : i32 to index
        %swap3A_1344 = tpu.vector_load %arg4[%swap3A_1343] {strides = array<i32>} : memref<125008xf32, #tpu.memory_space<vmem>>, vector<16xf32>,
        tpu.vector_store %arg4[%swap3A_1343], %broadcast_in_dim3A_3 {strides = array<i32>} : memref<125008xf32, #tpu.memory_space<vmem>>, vector<16xf32>,
        %scan3A_1345 = arith.constant 7 : i32
        %scan3A_1346 = arith.addi %scan3A_1304, %scan3A_1345 : i32
        %mul3A_1347 = arith.constant 16 : i32
        %mul3A_1348 = arith.muli %scan3A_1346, %mul3A_1347 : i32
        %swap3A_1349 = arith.index_cast %mul3A_1348 : i32 to index
        %swap3A_1350 = tpu.vector_load %arg4[%swap3A_1349] {strides = array<i32>} : memref<125008xf32, #tpu.memory_space<vmem>>, vector<16xf32>,
        tpu.vector_store %arg4[%swap3A_1349], %broadcast_in_dim3A_3 {strides = array<i32>} : memref<125008xf32, #tpu.memory_space<vmem>>, vector<16xf32>,
      }
      %scan3A_29 = arith.constant 7808 : i32
      %scan3A_30 = arith.addi %scan3A_25, %scan3A_29 : i32
      %mul3A_31 = arith.constant 16 : i32
      %mul3A_32 = arith.muli %scan3A_30, %mul3A_31 : i32
      %swap3A = arith.index_cast %mul3A_32 : i32 to index
      %swap3A_33 = tpu.vector_load %arg4[%swap3A] {strides = array<i32>} : memref<125008xf32, #tpu.memory_space<vmem>>, vector<16xf32>,
      tpu.vector_store %arg4[%swap3A], %broadcast_in_dim3A_3 {strides = array<i32>} : memref<125008xf32, #tpu.memory_space<vmem>>, vector<16xf32>,
      %scan3A_34 = arith.constant 7809 : i32
      %scan3A_35 = arith.addi %scan3A_25, %scan3A_34 : i32
      %mul3A_36 = arith.constant 16 : i32
      %mul3A_37 = arith.muli %scan3A_35, %mul3A_36 : i32
      %swap3A_38 = arith.index_cast %mul3A_37 : i32 to index
      %swap3A_39 = tpu.vector_load %arg4[%swap3A_38] {strides = array<i32>} : memref<125008xf32, #tpu.memory_space<vmem>>, vector<16xf32>,
      tpu.vector_store %arg4[%swap3A_38], %broadcast_in_dim3A_3 {strides = array<i32>} : memref<125008xf32, #tpu.memory_space<vmem>>, vector<16xf32>,
      %scan3A_40 = arith.constant 7810 : i32
      %scan3A_41 = arith.addi %scan3A_25, %scan3A_40 : i32
      %mul3A_42 = arith.constant 16 : i32
      %mul3A_43 = arith.muli %scan3A_41, %mul3A_42 : i32
      %swap3A_44 = arith.index_cast %mul3A_43 : i32 to index
      %swap3A_45 = tpu.vector_load %arg4[%swap3A_44] {strides = array<i32>} : memref<125008xf32, #tpu.memory_space<vmem>>, vector<16xf32>,
      tpu.vector_store %arg4[%swap3A_44], %broadcast_in_dim3A_3 {strides = array<i32>} : memref<125008xf32, #tpu.memory_space<vmem>>, vector<16xf32>,
      %scan3A_46 = arith.constant 7811 : i32
      %scan3A_47 = arith.addi %scan3A_25, %scan3A_46 : i32
      %mul3A_48 = arith.constant 16 : i32
      %mul3A_49 = arith.muli %scan3A_47, %mul3A_48 : i32
      %swap3A_50 = arith.index_cast %mul3A_49 : i32 to index
      %swap3A_51 = tpu.vector_load %arg4[%swap3A_50] {strides = array<i32>} : memref<125008xf32, #tpu.memory_space<vmem>>, vector<16xf32>,
      tpu.vector_store %arg4[%swap3A_50], %broadcast_in_dim3A_3 {strides = array<i32>} : memref<125008xf32, #tpu.memory_space<vmem>>, vector<16xf32>,
      %scan3A_52 = arith.constant 7812 : i32
      %scan3A_53 = arith.addi %scan3A_25, %scan3A_52 : i32
      %mul3A_54 = arith.constant 16 : i32
      %mul3A_55 = arith.muli %scan3A_53, %mul3A_54 : i32
      %swap3A_56 = arith.index_cast %mul3A_55 : i32 to index
      %swap3A_57 = tpu.vector_load %arg4[%swap3A_56] {strides = array<i32>} : memref<125008xf32, #tpu.memory_space<vmem>>, vector<16xf32>,
      tpu.vector_store %arg4[%swap3A_56], %broadcast_in_dim3A_3 {strides = array<i32>} : memref<125008xf32, #tpu.memory_space<vmem>>, vector<16xf32>,
      %scan3A_58 = arith.constant 7813 : i32
      %scan3A_59 = arith.constant 0 : i32
      %scan3A_60 = arith.constant 0 : i32
      %scan3A_61 = arith.constant 32 : i32
      %scan3A_62 = arith.addi %scan3A_60, %scan3A_61 : i32
      %scan3A_63 = arith.constant 1 : i32
      scf.for %scan3A_1304 = %scan3A_60 to %scan3A_62 step %scan3A_63  : i32 {
        %mul3A_1305 = arith.constant 2 : i32
        %mul3A_1306 = arith.muli %scan3A_1304, %mul3A_1305 : i32
        %add3A_1307 = arith.constant 0 : i32
        %add3A_1308 = arith.addi %mul3A_1306, %add3A_1307 : i32
        %mul3A_1309 = arith.constant 131072 : i32
        %mul3A_1310 = arith.muli %add3A, %mul3A_1309 : i32
        %mul3A_1311 = arith.constant 2048 : i32
        %mul3A_1312 = arith.muli %add3A_1308, %mul3A_1311 : i32
        %add3A_1313 = arith.addi %mul3A_1310, %mul3A_1312 : i32
        %dma_wait3A_1314 = arith.constant 0 : i32
        %dma_wait3A_1315 = tpu.memref_slice %arg5[%dma_wait3A_1314] : memref<4096xi32, #tpu.memory_space<vmem>> -> memref<2048xi32, #tpu.memory_space<vmem>>
        %dma_wait3A_1316 = tpu.memref_slice %arg2[%add3A_1313] : memref<2097152xi32, #tpu.memory_space<hbm>> -> memref<2048xi32, #tpu.memory_space<hbm>>
        %dma_wait3A_1317 = arith.constant 0 : i32
        %dma_wait3A_1318 = tpu.memref_slice %arg5[%dma_wait3A_1317] : memref<4096xi32, #tpu.memory_space<vmem>> -> memref<2048xi32, #tpu.memory_space<vmem>>
        %dma_wait3A_1319 = tpu.memref_slice %arg2[%add3A_1313] : memref<2097152xi32, #tpu.memory_space<hbm>> -> memref<2048xi32, #tpu.memory_space<hbm>>
        tpu.wait_dma2 semaphore(%arg6 : memref<!tpu.dma_semaphore, #tpu.memory_space<semaphore_mem>>) src(%dma_wait3A_1319 : memref<2048xi32, #tpu.memory_space<hbm>>) dst(%dma_wait3A_1318 : memref<2048xi32, #tpu.memory_space<vmem>>)
        %scan3A_1320 = arith.constant 0 : i32
        %scan3A_1321 = arith.constant 0 : i32
        %scan3A_1322 = arith.constant 128 : i32
        %scan3A_1323 = arith.addi %scan3A_1321, %scan3A_1322 : i32
        %scan3A_1324 = arith.constant 8 : i32
        scf.for %scan3A_1361 = %scan3A_1321 to %scan3A_1323 step %scan3A_1324  : i32 {
          %mul3A_1362 = arith.constant 16 : i32
          %mul3A_1363 = arith.muli %scan3A_1361, %mul3A_1362 : i32
          %add3A_1364 = arith.constant 0 : i32
          %add3A_1365 = arith.addi %add3A_1364, %mul3A_1363 : i32
          %get3A = arith.index_cast %add3A_1365 : i32 to index
          %get3A_1366 = tpu.vector_load %arg5[%get3A] {strides = array<i32>} : memref<4096xi32, #tpu.memory_space<vmem>>, vector<16xi32>,
          %ge3A = arith.constant 0 : i32
          %ge3A_1367 = vector.broadcast %ge3A : i32 to vector<16xi32>
          %ge3A_1368 = arith.cmpi sge, %get3A_1366, %ge3A_1367 : vector<16xi32>
          tpu.vector_store_idx %arg4[%get3A_1366], %broadcast_in_dim3A_5 masked %ge3A_1368 : memref<125008xf32, #tpu.memory_space<vmem>>[vector<16xi32>], vector<16xf32>, vector<16xi1>
          %scan3A_1369 = arith.constant 1 : i32
          %scan3A_1370 = arith.addi %scan3A_1361, %scan3A_1369 : i32
          %mul3A_1371 = arith.constant 16 : i32
          %mul3A_1372 = arith.muli %scan3A_1370, %mul3A_1371 : i32
          %add3A_1373 = arith.constant 0 : i32
          %add3A_1374 = arith.addi %add3A_1373, %mul3A_1372 : i32
          %get3A_1375 = arith.index_cast %add3A_1374 : i32 to index
          %get3A_1376 = tpu.vector_load %arg5[%get3A_1375] {strides = array<i32>} : memref<4096xi32, #tpu.memory_space<vmem>>, vector<16xi32>,
          %ge3A_1377 = arith.constant 0 : i32
          %ge3A_1378 = vector.broadcast %ge3A_1377 : i32 to vector<16xi32>
          %ge3A_1379 = arith.cmpi sge, %get3A_1376, %ge3A_1378 : vector<16xi32>
          tpu.vector_store_idx %arg4[%get3A_1376], %broadcast_in_dim3A_5 masked %ge3A_1379 : memref<125008xf32, #tpu.memory_space<vmem>>[vector<16xi32>], vector<16xf32>, vector<16xi1>
          %scan3A_1380 = arith.constant 2 : i32
          %scan3A_1381 = arith.addi %scan3A_1361, %scan3A_1380 : i32
          %mul3A_1382 = arith.constant 16 : i32
          %mul3A_1383 = arith.muli %scan3A_1381, %mul3A_1382 : i32
          %add3A_1384 = arith.constant 0 : i32
          %add3A_1385 = arith.addi %add3A_1384, %mul3A_1383 : i32
          %get3A_1386 = arith.index_cast %add3A_1385 : i32 to index
          %get3A_1387 = tpu.vector_load %arg5[%get3A_1386] {strides = array<i32>} : memref<4096xi32, #tpu.memory_space<vmem>>, vector<16xi32>,
          %ge3A_1388 = arith.constant 0 : i32
          %ge3A_1389 = vector.broadcast %ge3A_1388 : i32 to vector<16xi32>
          %ge3A_1390 = arith.cmpi sge, %get3A_1387, %ge3A_1389 : vector<16xi32>
          tpu.vector_store_idx %arg4[%get3A_1387], %broadcast_in_dim3A_5 masked %ge3A_1390 : memref<125008xf32, #tpu.memory_space<vmem>>[vector<16xi32>], vector<16xf32>, vector<16xi1>
          %scan3A_1391 = arith.constant 3 : i32
          %scan3A_1392 = arith.addi %scan3A_1361, %scan3A_1391 : i32
          %mul3A_1393 = arith.constant 16 : i32
          %mul3A_1394 = arith.muli %scan3A_1392, %mul3A_1393 : i32
          %add3A_1395 = arith.constant 0 : i32
          %add3A_1396 = arith.addi %add3A_1395, %mul3A_1394 : i32
          %get3A_1397 = arith.index_cast %add3A_1396 : i32 to index
          %get3A_1398 = tpu.vector_load %arg5[%get3A_1397] {strides = array<i32>} : memref<4096xi32, #tpu.memory_space<vmem>>, vector<16xi32>,
          %ge3A_1399 = arith.constant 0 : i32
          %ge3A_1400 = vector.broadcast %ge3A_1399 : i32 to vector<16xi32>
          %ge3A_1401 = arith.cmpi sge, %get3A_1398, %ge3A_1400 : vector<16xi32>
          tpu.vector_store_idx %arg4[%get3A_1398], %broadcast_in_dim3A_5 masked %ge3A_1401 : memref<125008xf32, #tpu.memory_space<vmem>>[vector<16xi32>], vector<16xf32>, vector<16xi1>
          %scan3A_1402 = arith.constant 4 : i32
          %scan3A_1403 = arith.addi %scan3A_1361, %scan3A_1402 : i32
          %mul3A_1404 = arith.constant 16 : i32
          %mul3A_1405 = arith.muli %scan3A_1403, %mul3A_1404 : i32
          %add3A_1406 = arith.constant 0 : i32
          %add3A_1407 = arith.addi %add3A_1406, %mul3A_1405 : i32
          %get3A_1408 = arith.index_cast %add3A_1407 : i32 to index
          %get3A_1409 = tpu.vector_load %arg5[%get3A_1408] {strides = array<i32>} : memref<4096xi32, #tpu.memory_space<vmem>>, vector<16xi32>,
          %ge3A_1410 = arith.constant 0 : i32
          %ge3A_1411 = vector.broadcast %ge3A_1410 : i32 to vector<16xi32>
          %ge3A_1412 = arith.cmpi sge, %get3A_1409, %ge3A_1411 : vector<16xi32>
          tpu.vector_store_idx %arg4[%get3A_1409], %broadcast_in_dim3A_5 masked %ge3A_1412 : memref<125008xf32, #tpu.memory_space<vmem>>[vector<16xi32>], vector<16xf32>, vector<16xi1>
          %scan3A_1413 = arith.constant 5 : i32
          %scan3A_1414 = arith.addi %scan3A_1361, %scan3A_1413 : i32
          %mul3A_1415 = arith.constant 16 : i32
          %mul3A_1416 = arith.muli %scan3A_1414, %mul3A_1415 : i32
          %add3A_1417 = arith.constant 0 : i32
          %add3A_1418 = arith.addi %add3A_1417, %mul3A_1416 : i32
          %get3A_1419 = arith.index_cast %add3A_1418 : i32 to index
          %get3A_1420 = tpu.vector_load %arg5[%get3A_1419] {strides = array<i32>} : memref<4096xi32, #tpu.memory_space<vmem>>, vector<16xi32>,
          %ge3A_1421 = arith.constant 0 : i32
          %ge3A_1422 = vector.broadcast %ge3A_1421 : i32 to vector<16xi32>
          %ge3A_1423 = arith.cmpi sge, %get3A_1420, %ge3A_1422 : vector<16xi32>
          tpu.vector_store_idx %arg4[%get3A_1420], %broadcast_in_dim3A_5 masked %ge3A_1423 : memref<125008xf32, #tpu.memory_space<vmem>>[vector<16xi32>], vector<16xf32>, vector<16xi1>
          %scan3A_1424 = arith.constant 6 : i32
          %scan3A_1425 = arith.addi %scan3A_1361, %scan3A_1424 : i32
          %mul3A_1426 = arith.constant 16 : i32
          %mul3A_1427 = arith.muli %scan3A_1425, %mul3A_1426 : i32
          %add3A_1428 = arith.constant 0 : i32
          %add3A_1429 = arith.addi %add3A_1428, %mul3A_1427 : i32
          %get3A_1430 = arith.index_cast %add3A_1429 : i32 to index
          %get3A_1431 = tpu.vector_load %arg5[%get3A_1430] {strides = array<i32>} : memref<4096xi32, #tpu.memory_space<vmem>>, vector<16xi32>,
          %ge3A_1432 = arith.constant 0 : i32
          %ge3A_1433 = vector.broadcast %ge3A_1432 : i32 to vector<16xi32>
          %ge3A_1434 = arith.cmpi sge, %get3A_1431, %ge3A_1433 : vector<16xi32>
          tpu.vector_store_idx %arg4[%get3A_1431], %broadcast_in_dim3A_5 masked %ge3A_1434 : memref<125008xf32, #tpu.memory_space<vmem>>[vector<16xi32>], vector<16xf32>, vector<16xi1>
          %scan3A_1435 = arith.constant 7 : i32
          %scan3A_1436 = arith.addi %scan3A_1361, %scan3A_1435 : i32
          %mul3A_1437 = arith.constant 16 : i32
          %mul3A_1438 = arith.muli %scan3A_1436, %mul3A_1437 : i32
          %add3A_1439 = arith.constant 0 : i32
          %add3A_1440 = arith.addi %add3A_1439, %mul3A_1438 : i32
          %get3A_1441 = arith.index_cast %add3A_1440 : i32 to index
          %get3A_1442 = tpu.vector_load %arg5[%get3A_1441] {strides = array<i32>} : memref<4096xi32, #tpu.memory_space<vmem>>, vector<16xi32>,
          %ge3A_1443 = arith.constant 0 : i32
          %ge3A_1444 = vector.broadcast %ge3A_1443 : i32 to vector<16xi32>
          %ge3A_1445 = arith.cmpi sge, %get3A_1442, %ge3A_1444 : vector<16xi32>
          tpu.vector_store_idx %arg4[%get3A_1442], %broadcast_in_dim3A_5 masked %ge3A_1445 : memref<125008xf32, #tpu.memory_space<vmem>>[vector<16xi32>], vector<16xf32>, vector<16xi1>
        }
        %scan3A_1325 = arith.constant 128 : i32
        %add3A_1326 = arith.constant 2 : i32
        %add3A_1327 = arith.addi %add3A_1308, %add3A_1326 : i32
        %lt3A_1328 = arith.constant 64 : i32
        %lt3A_1329 = arith.cmpi slt, %add3A_1327, %lt3A_1328 : i32
        %convert_element_type3A_1330 = arith.extui %lt3A_1329 : i1 to i32
        %cond3A_1331 = arith.constant 0 : i32
        %cond3A_1332 = arith.cmpi ne, %convert_element_type3A_1330, %cond3A_1331 : i32
        scf.if %cond3A_1332 {
          %add3A_1361 = arith.constant 2 : i32
          %add3A_1362 = arith.addi %add3A_1308, %add3A_1361 : i32
          %mul3A_1363 = arith.constant 131072 : i32
          %mul3A_1364 = arith.muli %add3A, %mul3A_1363 : i32
          %mul3A_1365 = arith.constant 2048 : i32
          %mul3A_1366 = arith.muli %add3A_1362, %mul3A_1365 : i32
          %add3A_1367 = arith.addi %mul3A_1364, %mul3A_1366 : i32
          %dma_start3A_1368 = arith.constant 0 : i32
          %dma_start3A_1369 = tpu.memref_slice %arg5[%dma_start3A_1368] : memref<4096xi32, #tpu.memory_space<vmem>> -> memref<2048xi32, #tpu.memory_space<vmem>>
          %dma_start3A_1370 = tpu.memref_slice %arg2[%add3A_1367] : memref<2097152xi32, #tpu.memory_space<hbm>> -> memref<2048xi32, #tpu.memory_space<hbm>>
          %dma_start3A_1371 = arith.constant 0 : i32
          %dma_start3A_1372 = tpu.memref_slice %arg5[%dma_start3A_1371] : memref<4096xi32, #tpu.memory_space<vmem>> -> memref<2048xi32, #tpu.memory_space<vmem>>
          %dma_start3A_1373 = tpu.memref_slice %arg2[%add3A_1367] : memref<2097152xi32, #tpu.memory_space<hbm>> -> memref<2048xi32, #tpu.memory_space<hbm>>
          tpu.enqueue_dma source(%dma_start3A_1373 : memref<2048xi32, #tpu.memory_space<hbm>>) target(%dma_start3A_1372 : memref<2048xi32, #tpu.memory_space<vmem>>) target_semaphore(%arg6 : memref<!tpu.dma_semaphore, #tpu.memory_space<semaphore_mem>>)
        } else {
        }
        %mul3A_1333 = arith.constant 2 : i32
        %mul3A_1334 = arith.muli %scan3A_1304, %mul3A_1333 : i32
        %add3A_1335 = arith.constant 1 : i32
        %add3A_1336 = arith.addi %mul3A_1334, %add3A_1335 : i32
        %mul3A_1337 = arith.constant 131072 : i32
        %mul3A_1338 = arith.muli %add3A, %mul3A_1337 : i32
        %mul3A_1339 = arith.constant 2048 : i32
        %mul3A_1340 = arith.muli %add3A_1336, %mul3A_1339 : i32
        %add3A_1341 = arith.addi %mul3A_1338, %mul3A_1340 : i32
        %dma_wait3A_1342 = arith.constant 2048 : i32
        %dma_wait3A_1343 = tpu.memref_slice %arg5[%dma_wait3A_1342] : memref<4096xi32, #tpu.memory_space<vmem>> -> memref<2048xi32, #tpu.memory_space<vmem>>
        %dma_wait3A_1344 = tpu.memref_slice %arg2[%add3A_1341] : memref<2097152xi32, #tpu.memory_space<hbm>> -> memref<2048xi32, #tpu.memory_space<hbm>>
        %dma_wait3A_1345 = arith.constant 2048 : i32
        %dma_wait3A_1346 = tpu.memref_slice %arg5[%dma_wait3A_1345] : memref<4096xi32, #tpu.memory_space<vmem>> -> memref<2048xi32, #tpu.memory_space<vmem>>
        %dma_wait3A_1347 = tpu.memref_slice %arg2[%add3A_1341] : memref<2097152xi32, #tpu.memory_space<hbm>> -> memref<2048xi32, #tpu.memory_space<hbm>>
        tpu.wait_dma2 semaphore(%arg7 : memref<!tpu.dma_semaphore, #tpu.memory_space<semaphore_mem>>) src(%dma_wait3A_1347 : memref<2048xi32, #tpu.memory_space<hbm>>) dst(%dma_wait3A_1346 : memref<2048xi32, #tpu.memory_space<vmem>>)
        %scan3A_1348 = arith.constant 0 : i32
        %scan3A_1349 = arith.constant 0 : i32
        %scan3A_1350 = arith.constant 128 : i32
        %scan3A_1351 = arith.addi %scan3A_1349, %scan3A_1350 : i32
        %scan3A_1352 = arith.constant 8 : i32
        scf.for %scan3A_1361 = %scan3A_1349 to %scan3A_1351 step %scan3A_1352  : i32 {
          %mul3A_1362 = arith.constant 16 : i32
          %mul3A_1363 = arith.muli %scan3A_1361, %mul3A_1362 : i32
          %add3A_1364 = arith.constant 2048 : i32
          %add3A_1365 = arith.addi %add3A_1364, %mul3A_1363 : i32
          %get3A = arith.index_cast %add3A_1365 : i32 to index
          %get3A_1366 = tpu.vector_load %arg5[%get3A] {strides = array<i32>} : memref<4096xi32, #tpu.memory_space<vmem>>, vector<16xi32>,
          %ge3A = arith.constant 0 : i32
          %ge3A_1367 = vector.broadcast %ge3A : i32 to vector<16xi32>
          %ge3A_1368 = arith.cmpi sge, %get3A_1366, %ge3A_1367 : vector<16xi32>
          tpu.vector_store_idx %arg4[%get3A_1366], %broadcast_in_dim3A_5 masked %ge3A_1368 : memref<125008xf32, #tpu.memory_space<vmem>>[vector<16xi32>], vector<16xf32>, vector<16xi1>
          %scan3A_1369 = arith.constant 1 : i32
          %scan3A_1370 = arith.addi %scan3A_1361, %scan3A_1369 : i32
          %mul3A_1371 = arith.constant 16 : i32
          %mul3A_1372 = arith.muli %scan3A_1370, %mul3A_1371 : i32
          %add3A_1373 = arith.constant 2048 : i32
          %add3A_1374 = arith.addi %add3A_1373, %mul3A_1372 : i32
          %get3A_1375 = arith.index_cast %add3A_1374 : i32 to index
          %get3A_1376 = tpu.vector_load %arg5[%get3A_1375] {strides = array<i32>} : memref<4096xi32, #tpu.memory_space<vmem>>, vector<16xi32>,
          %ge3A_1377 = arith.constant 0 : i32
          %ge3A_1378 = vector.broadcast %ge3A_1377 : i32 to vector<16xi32>
          %ge3A_1379 = arith.cmpi sge, %get3A_1376, %ge3A_1378 : vector<16xi32>
          tpu.vector_store_idx %arg4[%get3A_1376], %broadcast_in_dim3A_5 masked %ge3A_1379 : memref<125008xf32, #tpu.memory_space<vmem>>[vector<16xi32>], vector<16xf32>, vector<16xi1>
          %scan3A_1380 = arith.constant 2 : i32
          %scan3A_1381 = arith.addi %scan3A_1361, %scan3A_1380 : i32
          %mul3A_1382 = arith.constant 16 : i32
          %mul3A_1383 = arith.muli %scan3A_1381, %mul3A_1382 : i32
          %add3A_1384 = arith.constant 2048 : i32
          %add3A_1385 = arith.addi %add3A_1384, %mul3A_1383 : i32
          %get3A_1386 = arith.index_cast %add3A_1385 : i32 to index
          %get3A_1387 = tpu.vector_load %arg5[%get3A_1386] {strides = array<i32>} : memref<4096xi32, #tpu.memory_space<vmem>>, vector<16xi32>,
          %ge3A_1388 = arith.constant 0 : i32
          %ge3A_1389 = vector.broadcast %ge3A_1388 : i32 to vector<16xi32>
          %ge3A_1390 = arith.cmpi sge, %get3A_1387, %ge3A_1389 : vector<16xi32>
          tpu.vector_store_idx %arg4[%get3A_1387], %broadcast_in_dim3A_5 masked %ge3A_1390 : memref<125008xf32, #tpu.memory_space<vmem>>[vector<16xi32>], vector<16xf32>, vector<16xi1>
          %scan3A_1391 = arith.constant 3 : i32
          %scan3A_1392 = arith.addi %scan3A_1361, %scan3A_1391 : i32
          %mul3A_1393 = arith.constant 16 : i32
          %mul3A_1394 = arith.muli %scan3A_1392, %mul3A_1393 : i32
          %add3A_1395 = arith.constant 2048 : i32
          %add3A_1396 = arith.addi %add3A_1395, %mul3A_1394 : i32
          %get3A_1397 = arith.index_cast %add3A_1396 : i32 to index
          %get3A_1398 = tpu.vector_load %arg5[%get3A_1397] {strides = array<i32>} : memref<4096xi32, #tpu.memory_space<vmem>>, vector<16xi32>,
          %ge3A_1399 = arith.constant 0 : i32
          %ge3A_1400 = vector.broadcast %ge3A_1399 : i32 to vector<16xi32>
          %ge3A_1401 = arith.cmpi sge, %get3A_1398, %ge3A_1400 : vector<16xi32>
          tpu.vector_store_idx %arg4[%get3A_1398], %broadcast_in_dim3A_5 masked %ge3A_1401 : memref<125008xf32, #tpu.memory_space<vmem>>[vector<16xi32>], vector<16xf32>, vector<16xi1>
          %scan3A_1402 = arith.constant 4 : i32
          %scan3A_1403 = arith.addi %scan3A_1361, %scan3A_1402 : i32
          %mul3A_1404 = arith.constant 16 : i32
          %mul3A_1405 = arith.muli %scan3A_1403, %mul3A_1404 : i32
          %add3A_1406 = arith.constant 2048 : i32
          %add3A_1407 = arith.addi %add3A_1406, %mul3A_1405 : i32
          %get3A_1408 = arith.index_cast %add3A_1407 : i32 to index
          %get3A_1409 = tpu.vector_load %arg5[%get3A_1408] {strides = array<i32>} : memref<4096xi32, #tpu.memory_space<vmem>>, vector<16xi32>,
          %ge3A_1410 = arith.constant 0 : i32
          %ge3A_1411 = vector.broadcast %ge3A_1410 : i32 to vector<16xi32>
          %ge3A_1412 = arith.cmpi sge, %get3A_1409, %ge3A_1411 : vector<16xi32>
          tpu.vector_store_idx %arg4[%get3A_1409], %broadcast_in_dim3A_5 masked %ge3A_1412 : memref<125008xf32, #tpu.memory_space<vmem>>[vector<16xi32>], vector<16xf32>, vector<16xi1>
          %scan3A_1413 = arith.constant 5 : i32
          %scan3A_1414 = arith.addi %scan3A_1361, %scan3A_1413 : i32
          %mul3A_1415 = arith.constant 16 : i32
          %mul3A_1416 = arith.muli %scan3A_1414, %mul3A_1415 : i32
          %add3A_1417 = arith.constant 2048 : i32
          %add3A_1418 = arith.addi %add3A_1417, %mul3A_1416 : i32
          %get3A_1419 = arith.index_cast %add3A_1418 : i32 to index
          %get3A_1420 = tpu.vector_load %arg5[%get3A_1419] {strides = array<i32>} : memref<4096xi32, #tpu.memory_space<vmem>>, vector<16xi32>,
          %ge3A_1421 = arith.constant 0 : i32
          %ge3A_1422 = vector.broadcast %ge3A_1421 : i32 to vector<16xi32>
          %ge3A_1423 = arith.cmpi sge, %get3A_1420, %ge3A_1422 : vector<16xi32>
          tpu.vector_store_idx %arg4[%get3A_1420], %broadcast_in_dim3A_5 masked %ge3A_1423 : memref<125008xf32, #tpu.memory_space<vmem>>[vector<16xi32>], vector<16xf32>, vector<16xi1>
          %scan3A_1424 = arith.constant 6 : i32
          %scan3A_1425 = arith.addi %scan3A_1361, %scan3A_1424 : i32
          %mul3A_1426 = arith.constant 16 : i32
          %mul3A_1427 = arith.muli %scan3A_1425, %mul3A_1426 : i32
          %add3A_1428 = arith.constant 2048 : i32
          %add3A_1429 = arith.addi %add3A_1428, %mul3A_1427 : i32
          %get3A_1430 = arith.index_cast %add3A_1429 : i32 to index
          %get3A_1431 = tpu.vector_load %arg5[%get3A_1430] {strides = array<i32>} : memref<4096xi32, #tpu.memory_space<vmem>>, vector<16xi32>,
          %ge3A_1432 = arith.constant 0 : i32
          %ge3A_1433 = vector.broadcast %ge3A_1432 : i32 to vector<16xi32>
          %ge3A_1434 = arith.cmpi sge, %get3A_1431, %ge3A_1433 : vector<16xi32>
          tpu.vector_store_idx %arg4[%get3A_1431], %broadcast_in_dim3A_5 masked %ge3A_1434 : memref<125008xf32, #tpu.memory_space<vmem>>[vector<16xi32>], vector<16xf32>, vector<16xi1>
          %scan3A_1435 = arith.constant 7 : i32
          %scan3A_1436 = arith.addi %scan3A_1361, %scan3A_1435 : i32
          %mul3A_1437 = arith.constant 16 : i32
          %mul3A_1438 = arith.muli %scan3A_1436, %mul3A_1437 : i32
          %add3A_1439 = arith.constant 2048 : i32
          %add3A_1440 = arith.addi %add3A_1439, %mul3A_1438 : i32
          %get3A_1441 = arith.index_cast %add3A_1440 : i32 to index
          %get3A_1442 = tpu.vector_load %arg5[%get3A_1441] {strides = array<i32>} : memref<4096xi32, #tpu.memory_space<vmem>>, vector<16xi32>,
          %ge3A_1443 = arith.constant 0 : i32
          %ge3A_1444 = vector.broadcast %ge3A_1443 : i32 to vector<16xi32>
          %ge3A_1445 = arith.cmpi sge, %get3A_1442, %ge3A_1444 : vector<16xi32>
          tpu.vector_store_idx %arg4[%get3A_1442], %broadcast_in_dim3A_5 masked %ge3A_1445 : memref<125008xf32, #tpu.memory_space<vmem>>[vector<16xi32>], vector<16xf32>, vector<16xi1>
        }
        %scan3A_1353 = arith.constant 128 : i32
        %add3A_1354 = arith.constant 2 : i32
        %add3A_1355 = arith.addi %add3A_1336, %add3A_1354 : i32
        %lt3A_1356 = arith.constant 64 : i32
        %lt3A_1357 = arith.cmpi slt, %add3A_1355, %lt3A_1356 : i32
        %convert_element_type3A_1358 = arith.extui %lt3A_1357 : i1 to i32
        %cond3A_1359 = arith.constant 0 : i32
        %cond3A_1360 = arith.cmpi ne, %convert_element_type3A_1358, %cond3A_1359 : i32
        scf.if %cond3A_1360 {
          %add3A_1361 = arith.constant 2 : i32
          %add3A_1362 = arith.addi %add3A_1336, %add3A_1361 : i32
          %mul3A_1363 = arith.constant 131072 : i32
          %mul3A_1364 = arith.muli %add3A, %mul3A_1363 : i32
          %mul3A_1365 = arith.constant 2048 : i32
          %mul3A_1366 = arith.muli %add3A_1362, %mul3A_1365 : i32
          %add3A_1367 = arith.addi %mul3A_1364, %mul3A_1366 : i32
          %dma_start3A_1368 = arith.constant 2048 : i32
          %dma_start3A_1369 = tpu.memref_slice %arg5[%dma_start3A_1368] : memref<4096xi32, #tpu.memory_space<vmem>> -> memref<2048xi32, #tpu.memory_space<vmem>>
          %dma_start3A_1370 = tpu.memref_slice %arg2[%add3A_1367] : memref<2097152xi32, #tpu.memory_space<hbm>> -> memref<2048xi32, #tpu.memory_space<hbm>>
          %dma_start3A_1371 = arith.constant 2048 : i32
          %dma_start3A_1372 = tpu.memref_slice %arg5[%dma_start3A_1371] : memref<4096xi32, #tpu.memory_space<vmem>> -> memref<2048xi32, #tpu.memory_space<vmem>>
          %dma_start3A_1373 = tpu.memref_slice %arg2[%add3A_1367] : memref<2097152xi32, #tpu.memory_space<hbm>> -> memref<2048xi32, #tpu.memory_space<hbm>>
          tpu.enqueue_dma source(%dma_start3A_1373 : memref<2048xi32, #tpu.memory_space<hbm>>) target(%dma_start3A_1372 : memref<2048xi32, #tpu.memory_space<vmem>>) target_semaphore(%arg7 : memref<!tpu.dma_semaphore, #tpu.memory_space<semaphore_mem>>)
        } else {
        }
      }
      %scan3A_64 = arith.constant 32 : i32
      %mul3A_65 = arith.constant 125000 : i32
      %mul3A_66 = arith.muli %add3A, %mul3A_65 : i32
      %add3A_67 = arith.constant 0 : i32
      %add3A_68 = arith.addi %mul3A_66, %add3A_67 : i32
      %dma_start3A_69 = arith.constant 0 : i32
      %dma_start3A_70 = tpu.memref_slice %arg4[%dma_start3A_69] : memref<125008xf32, #tpu.memory_space<vmem>> -> memref<2048xf32, #tpu.memory_space<vmem>>
      %dma_start3A_71 = tpu.memref_slice %arg3[%add3A_68] : memref<2000000xf32, #tpu.memory_space<hbm>> -> memref<2048xf32, #tpu.memory_space<hbm>>
      %dma_start3A_72 = tpu.memref_slice %arg3[%add3A_68] : memref<2000000xf32, #tpu.memory_space<hbm>> -> memref<2048xf32, #tpu.memory_space<hbm>>
      %dma_start3A_73 = arith.constant 0 : i32
      %dma_start3A_74 = tpu.memref_slice %arg4[%dma_start3A_73] : memref<125008xf32, #tpu.memory_space<vmem>> -> memref<2048xf32, #tpu.memory_space<vmem>>
      tpu.enqueue_dma source(%dma_start3A_74 : memref<2048xf32, #tpu.memory_space<vmem>>) target(%dma_start3A_72 : memref<2048xf32, #tpu.memory_space<hbm>>) target_semaphore(%arg8 : memref<!tpu.dma_semaphore, #tpu.memory_space<semaphore_mem>>)
      %mul3A_75 = arith.constant 125000 : i32
      %mul3A_76 = arith.muli %add3A, %mul3A_75 : i32
      %add3A_77 = arith.constant 2048 : i32
      %add3A_78 = arith.addi %mul3A_76, %add3A_77 : i32
      %dma_start3A_79 = arith.constant 2048 : i32
      %dma_start3A_80 = tpu.memref_slice %arg4[%dma_start3A_79] : memref<125008xf32, #tpu.memory_space<vmem>> -> memref<2048xf32, #tpu.memory_space<vmem>>
      %dma_start3A_81 = tpu.memref_slice %arg3[%add3A_78] : memref<2000000xf32, #tpu.memory_space<hbm>> -> memref<2048xf32, #tpu.memory_space<hbm>>
      %dma_start3A_82 = tpu.memref_slice %arg3[%add3A_78] : memref<2000000xf32, #tpu.memory_space<hbm>> -> memref<2048xf32, #tpu.memory_space<hbm>>
      %dma_start3A_83 = arith.constant 2048 : i32
      %dma_start3A_84 = tpu.memref_slice %arg4[%dma_start3A_83] : memref<125008xf32, #tpu.memory_space<vmem>> -> memref<2048xf32, #tpu.memory_space<vmem>>
      tpu.enqueue_dma source(%dma_start3A_84 : memref<2048xf32, #tpu.memory_space<vmem>>) target(%dma_start3A_82 : memref<2048xf32, #tpu.memory_space<hbm>>) target_semaphore(%arg8 : memref<!tpu.dma_semaphore, #tpu.memory_space<semaphore_mem>>)
      %mul3A_85 = arith.constant 125000 : i32
      %mul3A_86 = arith.muli %add3A, %mul3A_85 : i32
      %add3A_87 = arith.constant 4096 : i32
      %add3A_88 = arith.addi %mul3A_86, %add3A_87 : i32
      %dma_start3A_89 = arith.constant 4096 : i32
      %dma_start3A_90 = tpu.memref_slice %arg4[%dma_start3A_89] : memref<125008xf32, #tpu.memory_space<vmem>> -> memref<2048xf32, #tpu.memory_space<vmem>>
      %dma_start3A_91 = tpu.memref_slice %arg3[%add3A_88] : memref<2000000xf32, #tpu.memory_space<hbm>> -> memref<2048xf32, #tpu.memory_space<hbm>>
      %dma_start3A_92 = tpu.memref_slice %arg3[%add3A_88] : memref<2000000xf32, #tpu.memory_space<hbm>> -> memref<2048xf32, #tpu.memory_space<hbm>>
      %dma_start3A_93 = arith.constant 4096 : i32
      %dma_start3A_94 = tpu.memref_slice %arg4[%dma_start3A_93] : memref<125008xf32, #tpu.memory_space<vmem>> -> memref<2048xf32, #tpu.memory_space<vmem>>
      tpu.enqueue_dma source(%dma_start3A_94 : memref<2048xf32, #tpu.memory_space<vmem>>) target(%dma_start3A_92 : memref<2048xf32, #tpu.memory_space<hbm>>) target_semaphore(%arg8 : memref<!tpu.dma_semaphore, #tpu.memory_space<semaphore_mem>>)
      %mul3A_95 = arith.constant 125000 : i32
      %mul3A_96 = arith.muli %add3A, %mul3A_95 : i32
      %add3A_97 = arith.constant 6144 : i32
      %add3A_98 = arith.addi %mul3A_96, %add3A_97 : i32
      %dma_start3A_99 = arith.constant 6144 : i32
      %dma_start3A_100 = tpu.memref_slice %arg4[%dma_start3A_99] : memref<125008xf32, #tpu.memory_space<vmem>> -> memref<2048xf32, #tpu.memory_space<vmem>>
      %dma_start3A_101 = tpu.memref_slice %arg3[%add3A_98] : memref<2000000xf32, #tpu.memory_space<hbm>> -> memref<2048xf32, #tpu.memory_space<hbm>>
      %dma_start3A_102 = tpu.memref_slice %arg3[%add3A_98] : memref<2000000xf32, #tpu.memory_space<hbm>> -> memref<2048xf32, #tpu.memory_space<hbm>>
      %dma_start3A_103 = arith.constant 6144 : i32
      %dma_start3A_104 = tpu.memref_slice %arg4[%dma_start3A_103] : memref<125008xf32, #tpu.memory_space<vmem>> -> memref<2048xf32, #tpu.memory_space<vmem>>
      tpu.enqueue_dma source(%dma_start3A_104 : memref<2048xf32, #tpu.memory_space<vmem>>) target(%dma_start3A_102 : memref<2048xf32, #tpu.memory_space<hbm>>) target_semaphore(%arg8 : memref<!tpu.dma_semaphore, #tpu.memory_space<semaphore_mem>>)
      %mul3A_105 = arith.constant 125000 : i32
      %mul3A_106 = arith.muli %add3A, %mul3A_105 : i32
      %add3A_107 = arith.constant 8192 : i32
      %add3A_108 = arith.addi %mul3A_106, %add3A_107 : i32
      %dma_start3A_109 = arith.constant 8192 : i32
      %dma_start3A_110 = tpu.memref_slice %arg4[%dma_start3A_109] : memref<125008xf32, #tpu.memory_space<vmem>> -> memref<2048xf32, #tpu.memory_space<vmem>>
      %dma_start3A_111 = tpu.memref_slice %arg3[%add3A_108] : memref<2000000xf32, #tpu.memory_space<hbm>> -> memref<2048xf32, #tpu.memory_space<hbm>>
      %dma_start3A_112 = tpu.memref_slice %arg3[%add3A_108] : memref<2000000xf32, #tpu.memory_space<hbm>> -> memref<2048xf32, #tpu.memory_space<hbm>>
      %dma_start3A_113 = arith.constant 8192 : i32
      %dma_start3A_114 = tpu.memref_slice %arg4[%dma_start3A_113] : memref<125008xf32, #tpu.memory_space<vmem>> -> memref<2048xf32, #tpu.memory_space<vmem>>
      tpu.enqueue_dma source(%dma_start3A_114 : memref<2048xf32, #tpu.memory_space<vmem>>) target(%dma_start3A_112 : memref<2048xf32, #tpu.memory_space<hbm>>) target_semaphore(%arg8 : memref<!tpu.dma_semaphore, #tpu.memory_space<semaphore_mem>>)
      %mul3A_115 = arith.constant 125000 : i32
      %mul3A_116 = arith.muli %add3A, %mul3A_115 : i32
      %add3A_117 = arith.constant 10240 : i32
      %add3A_118 = arith.addi %mul3A_116, %add3A_117 : i32
      %dma_start3A_119 = arith.constant 10240 : i32
      %dma_start3A_120 = tpu.memref_slice %arg4[%dma_start3A_119] : memref<125008xf32, #tpu.memory_space<vmem>> -> memref<2048xf32, #tpu.memory_space<vmem>>
      %dma_start3A_121 = tpu.memref_slice %arg3[%add3A_118] : memref<2000000xf32, #tpu.memory_space<hbm>> -> memref<2048xf32, #tpu.memory_space<hbm>>
      %dma_start3A_122 = tpu.memref_slice %arg3[%add3A_118] : memref<2000000xf32, #tpu.memory_space<hbm>> -> memref<2048xf32, #tpu.memory_space<hbm>>
      %dma_start3A_123 = arith.constant 10240 : i32
      %dma_start3A_124 = tpu.memref_slice %arg4[%dma_start3A_123] : memref<125008xf32, #tpu.memory_space<vmem>> -> memref<2048xf32, #tpu.memory_space<vmem>>
      tpu.enqueue_dma source(%dma_start3A_124 : memref<2048xf32, #tpu.memory_space<vmem>>) target(%dma_start3A_122 : memref<2048xf32, #tpu.memory_space<hbm>>) target_semaphore(%arg8 : memref<!tpu.dma_semaphore, #tpu.memory_space<semaphore_mem>>)
      %mul3A_125 = arith.constant 125000 : i32
      %mul3A_126 = arith.muli %add3A, %mul3A_125 : i32
      %add3A_127 = arith.constant 12288 : i32
      %add3A_128 = arith.addi %mul3A_126, %add3A_127 : i32
      %dma_start3A_129 = arith.constant 12288 : i32
      %dma_start3A_130 = tpu.memref_slice %arg4[%dma_start3A_129] : memref<125008xf32, #tpu.memory_space<vmem>> -> memref<2048xf32, #tpu.memory_space<vmem>>
      %dma_start3A_131 = tpu.memref_slice %arg3[%add3A_128] : memref<2000000xf32, #tpu.memory_space<hbm>> -> memref<2048xf32, #tpu.memory_space<hbm>>
      %dma_start3A_132 = tpu.memref_slice %arg3[%add3A_128] : memref<2000000xf32, #tpu.memory_space<hbm>> -> memref<2048xf32, #tpu.memory_space<hbm>>
      %dma_start3A_133 = arith.constant 12288 : i32
      %dma_start3A_134 = tpu.memref_slice %arg4[%dma_start3A_133] : memref<125008xf32, #tpu.memory_space<vmem>> -> memref<2048xf32, #tpu.memory_space<vmem>>
      tpu.enqueue_dma source(%dma_start3A_134 : memref<2048xf32, #tpu.memory_space<vmem>>) target(%dma_start3A_132 : memref<2048xf32, #tpu.memory_space<hbm>>) target_semaphore(%arg8 : memref<!tpu.dma_semaphore, #tpu.memory_space<semaphore_mem>>)
      %mul3A_135 = arith.constant 125000 : i32
      %mul3A_136 = arith.muli %add3A, %mul3A_135 : i32
      %add3A_137 = arith.constant 14336 : i32
      %add3A_138 = arith.addi %mul3A_136, %add3A_137 : i32
      %dma_start3A_139 = arith.constant 14336 : i32
      %dma_start3A_140 = tpu.memref_slice %arg4[%dma_start3A_139] : memref<125008xf32, #tpu.memory_space<vmem>> -> memref<2048xf32, #tpu.memory_space<vmem>>
      %dma_start3A_141 = tpu.memref_slice %arg3[%add3A_138] : memref<2000000xf32, #tpu.memory_space<hbm>> -> memref<2048xf32, #tpu.memory_space<hbm>>
      %dma_start3A_142 = tpu.memref_slice %arg3[%add3A_138] : memref<2000000xf32, #tpu.memory_space<hbm>> -> memref<2048xf32, #tpu.memory_space<hbm>>
      %dma_start3A_143 = arith.constant 14336 : i32
      %dma_start3A_144 = tpu.memref_slice %arg4[%dma_start3A_143] : memref<125008xf32, #tpu.memory_space<vmem>> -> memref<2048xf32, #tpu.memory_space<vmem>>
      tpu.enqueue_dma source(%dma_start3A_144 : memref<2048xf32, #tpu.memory_space<vmem>>) target(%dma_start3A_142 : memref<2048xf32, #tpu.memory_space<hbm>>) target_semaphore(%arg8 : memref<!tpu.dma_semaphore, #tpu.memory_space<semaphore_mem>>)
      %mul3A_145 = arith.constant 125000 : i32
      %mul3A_146 = arith.muli %add3A, %mul3A_145 : i32
      %add3A_147 = arith.constant 16384 : i32
      %add3A_148 = arith.addi %mul3A_146, %add3A_147 : i32
      %dma_start3A_149 = arith.constant 16384 : i32
      %dma_start3A_150 = tpu.memref_slice %arg4[%dma_start3A_149] : memref<125008xf32, #tpu.memory_space<vmem>> -> memref<2048xf32, #tpu.memory_space<vmem>>
      %dma_start3A_151 = tpu.memref_slice %arg3[%add3A_148] : memref<2000000xf32, #tpu.memory_space<hbm>> -> memref<2048xf32, #tpu.memory_space<hbm>>
      %dma_start3A_152 = tpu.memref_slice %arg3[%add3A_148] : memref<2000000xf32, #tpu.memory_space<hbm>> -> memref<2048xf32, #tpu.memory_space<hbm>>
      %dma_start3A_153 = arith.constant 16384 : i32
      %dma_start3A_154 = tpu.memref_slice %arg4[%dma_start3A_153] : memref<125008xf32, #tpu.memory_space<vmem>> -> memref<2048xf32, #tpu.memory_space<vmem>>
      tpu.enqueue_dma source(%dma_start3A_154 : memref<2048xf32, #tpu.memory_space<vmem>>) target(%dma_start3A_152 : memref<2048xf32, #tpu.memory_space<hbm>>) target_semaphore(%arg8 : memref<!tpu.dma_semaphore, #tpu.memory_space<semaphore_mem>>)
      %mul3A_155 = arith.constant 125000 : i32
      %mul3A_156 = arith.muli %add3A, %mul3A_155 : i32
      %add3A_157 = arith.constant 18432 : i32
      %add3A_158 = arith.addi %mul3A_156, %add3A_157 : i32
      %dma_start3A_159 = arith.constant 18432 : i32
      %dma_start3A_160 = tpu.memref_slice %arg4[%dma_start3A_159] : memref<125008xf32, #tpu.memory_space<vmem>> -> memref<2048xf32, #tpu.memory_space<vmem>>
      %dma_start3A_161 = tpu.memref_slice %arg3[%add3A_158] : memref<2000000xf32, #tpu.memory_space<hbm>> -> memref<2048xf32, #tpu.memory_space<hbm>>
      %dma_start3A_162 = tpu.memref_slice %arg3[%add3A_158] : memref<2000000xf32, #tpu.memory_space<hbm>> -> memref<2048xf32, #tpu.memory_space<hbm>>
      %dma_start3A_163 = arith.constant 18432 : i32
      %dma_start3A_164 = tpu.memref_slice %arg4[%dma_start3A_163] : memref<125008xf32, #tpu.memory_space<vmem>> -> memref<2048xf32, #tpu.memory_space<vmem>>
      tpu.enqueue_dma source(%dma_start3A_164 : memref<2048xf32, #tpu.memory_space<vmem>>) target(%dma_start3A_162 : memref<2048xf32, #tpu.memory_space<hbm>>) target_semaphore(%arg8 : memref<!tpu.dma_semaphore, #tpu.memory_space<semaphore_mem>>)
      %mul3A_165 = arith.constant 125000 : i32
      %mul3A_166 = arith.muli %add3A, %mul3A_165 : i32
      %add3A_167 = arith.constant 20480 : i32
      %add3A_168 = arith.addi %mul3A_166, %add3A_167 : i32
      %dma_start3A_169 = arith.constant 20480 : i32
      %dma_start3A_170 = tpu.memref_slice %arg4[%dma_start3A_169] : memref<125008xf32, #tpu.memory_space<vmem>> -> memref<2048xf32, #tpu.memory_space<vmem>>
      %dma_start3A_171 = tpu.memref_slice %arg3[%add3A_168] : memref<2000000xf32, #tpu.memory_space<hbm>> -> memref<2048xf32, #tpu.memory_space<hbm>>
      %dma_start3A_172 = tpu.memref_slice %arg3[%add3A_168] : memref<2000000xf32, #tpu.memory_space<hbm>> -> memref<2048xf32, #tpu.memory_space<hbm>>
      %dma_start3A_173 = arith.constant 20480 : i32
      %dma_start3A_174 = tpu.memref_slice %arg4[%dma_start3A_173] : memref<125008xf32, #tpu.memory_space<vmem>> -> memref<2048xf32, #tpu.memory_space<vmem>>
      tpu.enqueue_dma source(%dma_start3A_174 : memref<2048xf32, #tpu.memory_space<vmem>>) target(%dma_start3A_172 : memref<2048xf32, #tpu.memory_space<hbm>>) target_semaphore(%arg8 : memref<!tpu.dma_semaphore, #tpu.memory_space<semaphore_mem>>)
      %mul3A_175 = arith.constant 125000 : i32
      %mul3A_176 = arith.muli %add3A, %mul3A_175 : i32
      %add3A_177 = arith.constant 22528 : i32
      %add3A_178 = arith.addi %mul3A_176, %add3A_177 : i32
      %dma_start3A_179 = arith.constant 22528 : i32
      %dma_start3A_180 = tpu.memref_slice %arg4[%dma_start3A_179] : memref<125008xf32, #tpu.memory_space<vmem>> -> memref<2048xf32, #tpu.memory_space<vmem>>
      %dma_start3A_181 = tpu.memref_slice %arg3[%add3A_178] : memref<2000000xf32, #tpu.memory_space<hbm>> -> memref<2048xf32, #tpu.memory_space<hbm>>
      %dma_start3A_182 = tpu.memref_slice %arg3[%add3A_178] : memref<2000000xf32, #tpu.memory_space<hbm>> -> memref<2048xf32, #tpu.memory_space<hbm>>
      %dma_start3A_183 = arith.constant 22528 : i32
      %dma_start3A_184 = tpu.memref_slice %arg4[%dma_start3A_183] : memref<125008xf32, #tpu.memory_space<vmem>> -> memref<2048xf32, #tpu.memory_space<vmem>>
      tpu.enqueue_dma source(%dma_start3A_184 : memref<2048xf32, #tpu.memory_space<vmem>>) target(%dma_start3A_182 : memref<2048xf32, #tpu.memory_space<hbm>>) target_semaphore(%arg8 : memref<!tpu.dma_semaphore, #tpu.memory_space<semaphore_mem>>)
      %mul3A_185 = arith.constant 125000 : i32
      %mul3A_186 = arith.muli %add3A, %mul3A_185 : i32
      %add3A_187 = arith.constant 24576 : i32
      %add3A_188 = arith.addi %mul3A_186, %add3A_187 : i32
      %dma_start3A_189 = arith.constant 24576 : i32
      %dma_start3A_190 = tpu.memref_slice %arg4[%dma_start3A_189] : memref<125008xf32, #tpu.memory_space<vmem>> -> memref<2048xf32, #tpu.memory_space<vmem>>
      %dma_start3A_191 = tpu.memref_slice %arg3[%add3A_188] : memref<2000000xf32, #tpu.memory_space<hbm>> -> memref<2048xf32, #tpu.memory_space<hbm>>
      %dma_start3A_192 = tpu.memref_slice %arg3[%add3A_188] : memref<2000000xf32, #tpu.memory_space<hbm>> -> memref<2048xf32, #tpu.memory_space<hbm>>
      %dma_start3A_193 = arith.constant 24576 : i32
      %dma_start3A_194 = tpu.memref_slice %arg4[%dma_start3A_193] : memref<125008xf32, #tpu.memory_space<vmem>> -> memref<2048xf32, #tpu.memory_space<vmem>>
      tpu.enqueue_dma source(%dma_start3A_194 : memref<2048xf32, #tpu.memory_space<vmem>>) target(%dma_start3A_192 : memref<2048xf32, #tpu.memory_space<hbm>>) target_semaphore(%arg8 : memref<!tpu.dma_semaphore, #tpu.memory_space<semaphore_mem>>)
      %mul3A_195 = arith.constant 125000 : i32
      %mul3A_196 = arith.muli %add3A, %mul3A_195 : i32
      %add3A_197 = arith.constant 26624 : i32
      %add3A_198 = arith.addi %mul3A_196, %add3A_197 : i32
      %dma_start3A_199 = arith.constant 26624 : i32
      %dma_start3A_200 = tpu.memref_slice %arg4[%dma_start3A_199] : memref<125008xf32, #tpu.memory_space<vmem>> -> memref<2048xf32, #tpu.memory_space<vmem>>
      %dma_start3A_201 = tpu.memref_slice %arg3[%add3A_198] : memref<2000000xf32, #tpu.memory_space<hbm>> -> memref<2048xf32, #tpu.memory_space<hbm>>
      %dma_start3A_202 = tpu.memref_slice %arg3[%add3A_198] : memref<2000000xf32, #tpu.memory_space<hbm>> -> memref<2048xf32, #tpu.memory_space<hbm>>
      %dma_start3A_203 = arith.constant 26624 : i32
      %dma_start3A_204 = tpu.memref_slice %arg4[%dma_start3A_203] : memref<125008xf32, #tpu.memory_space<vmem>> -> memref<2048xf32, #tpu.memory_space<vmem>>
      tpu.enqueue_dma source(%dma_start3A_204 : memref<2048xf32, #tpu.memory_space<vmem>>) target(%dma_start3A_202 : memref<2048xf32, #tpu.memory_space<hbm>>) target_semaphore(%arg8 : memref<!tpu.dma_semaphore, #tpu.memory_space<semaphore_mem>>)
      %mul3A_205 = arith.constant 125000 : i32
      %mul3A_206 = arith.muli %add3A, %mul3A_205 : i32
      %add3A_207 = arith.constant 28672 : i32
      %add3A_208 = arith.addi %mul3A_206, %add3A_207 : i32
      %dma_start3A_209 = arith.constant 28672 : i32
      %dma_start3A_210 = tpu.memref_slice %arg4[%dma_start3A_209] : memref<125008xf32, #tpu.memory_space<vmem>> -> memref<2048xf32, #tpu.memory_space<vmem>>
      %dma_start3A_211 = tpu.memref_slice %arg3[%add3A_208] : memref<2000000xf32, #tpu.memory_space<hbm>> -> memref<2048xf32, #tpu.memory_space<hbm>>
      %dma_start3A_212 = tpu.memref_slice %arg3[%add3A_208] : memref<2000000xf32, #tpu.memory_space<hbm>> -> memref<2048xf32, #tpu.memory_space<hbm>>
      %dma_start3A_213 = arith.constant 28672 : i32
      %dma_start3A_214 = tpu.memref_slice %arg4[%dma_start3A_213] : memref<125008xf32, #tpu.memory_space<vmem>> -> memref<2048xf32, #tpu.memory_space<vmem>>
      tpu.enqueue_dma source(%dma_start3A_214 : memref<2048xf32, #tpu.memory_space<vmem>>) target(%dma_start3A_212 : memref<2048xf32, #tpu.memory_space<hbm>>) target_semaphore(%arg8 : memref<!tpu.dma_semaphore, #tpu.memory_space<semaphore_mem>>)
      %mul3A_215 = arith.constant 125000 : i32
      %mul3A_216 = arith.muli %add3A, %mul3A_215 : i32
      %add3A_217 = arith.constant 30720 : i32
      %add3A_218 = arith.addi %mul3A_216, %add3A_217 : i32
      %dma_start3A_219 = arith.constant 30720 : i32
      %dma_start3A_220 = tpu.memref_slice %arg4[%dma_start3A_219] : memref<125008xf32, #tpu.memory_space<vmem>> -> memref<2048xf32, #tpu.memory_space<vmem>>
      %dma_start3A_221 = tpu.memref_slice %arg3[%add3A_218] : memref<2000000xf32, #tpu.memory_space<hbm>> -> memref<2048xf32, #tpu.memory_space<hbm>>
      %dma_start3A_222 = tpu.memref_slice %arg3[%add3A_218] : memref<2000000xf32, #tpu.memory_space<hbm>> -> memref<2048xf32, #tpu.memory_space<hbm>>
      %dma_start3A_223 = arith.constant 30720 : i32
      %dma_start3A_224 = tpu.memref_slice %arg4[%dma_start3A_223] : memref<125008xf32, #tpu.memory_space<vmem>> -> memref<2048xf32, #tpu.memory_space<vmem>>
      tpu.enqueue_dma source(%dma_start3A_224 : memref<2048xf32, #tpu.memory_space<vmem>>) target(%dma_start3A_222 : memref<2048xf32, #tpu.memory_space<hbm>>) target_semaphore(%arg8 : memref<!tpu.dma_semaphore, #tpu.memory_space<semaphore_mem>>)
      %mul3A_225 = arith.constant 125000 : i32
      %mul3A_226 = arith.muli %add3A, %mul3A_225 : i32
      %add3A_227 = arith.constant 32768 : i32
      %add3A_228 = arith.addi %mul3A_226, %add3A_227 : i32
      %dma_start3A_229 = arith.constant 32768 : i32
      %dma_start3A_230 = tpu.memref_slice %arg4[%dma_start3A_229] : memref<125008xf32, #tpu.memory_space<vmem>> -> memref<2048xf32, #tpu.memory_space<vmem>>
      %dma_start3A_231 = tpu.memref_slice %arg3[%add3A_228] : memref<2000000xf32, #tpu.memory_space<hbm>> -> memref<2048xf32, #tpu.memory_space<hbm>>
      %dma_start3A_232 = tpu.memref_slice %arg3[%add3A_228] : memref<2000000xf32, #tpu.memory_space<hbm>> -> memref<2048xf32, #tpu.memory_space<hbm>>
      %dma_start3A_233 = arith.constant 32768 : i32
      %dma_start3A_234 = tpu.memref_slice %arg4[%dma_start3A_233] : memref<125008xf32, #tpu.memory_space<vmem>> -> memref<2048xf32, #tpu.memory_space<vmem>>
      tpu.enqueue_dma source(%dma_start3A_234 : memref<2048xf32, #tpu.memory_space<vmem>>) target(%dma_start3A_232 : memref<2048xf32, #tpu.memory_space<hbm>>) target_semaphore(%arg8 : memref<!tpu.dma_semaphore, #tpu.memory_space<semaphore_mem>>)
      %mul3A_235 = arith.constant 125000 : i32
      %mul3A_236 = arith.muli %add3A, %mul3A_235 : i32
      %add3A_237 = arith.constant 34816 : i32
      %add3A_238 = arith.addi %mul3A_236, %add3A_237 : i32
      %dma_start3A_239 = arith.constant 34816 : i32
      %dma_start3A_240 = tpu.memref_slice %arg4[%dma_start3A_239] : memref<125008xf32, #tpu.memory_space<vmem>> -> memref<2048xf32, #tpu.memory_space<vmem>>
      %dma_start3A_241 = tpu.memref_slice %arg3[%add3A_238] : memref<2000000xf32, #tpu.memory_space<hbm>> -> memref<2048xf32, #tpu.memory_space<hbm>>
      %dma_start3A_242 = tpu.memref_slice %arg3[%add3A_238] : memref<2000000xf32, #tpu.memory_space<hbm>> -> memref<2048xf32, #tpu.memory_space<hbm>>
      %dma_start3A_243 = arith.constant 34816 : i32
      %dma_start3A_244 = tpu.memref_slice %arg4[%dma_start3A_243] : memref<125008xf32, #tpu.memory_space<vmem>> -> memref<2048xf32, #tpu.memory_space<vmem>>
      tpu.enqueue_dma source(%dma_start3A_244 : memref<2048xf32, #tpu.memory_space<vmem>>) target(%dma_start3A_242 : memref<2048xf32, #tpu.memory_space<hbm>>) target_semaphore(%arg8 : memref<!tpu.dma_semaphore, #tpu.memory_space<semaphore_mem>>)
      %mul3A_245 = arith.constant 125000 : i32
      %mul3A_246 = arith.muli %add3A, %mul3A_245 : i32
      %add3A_247 = arith.constant 36864 : i32
      %add3A_248 = arith.addi %mul3A_246, %add3A_247 : i32
      %dma_start3A_249 = arith.constant 36864 : i32
      %dma_start3A_250 = tpu.memref_slice %arg4[%dma_start3A_249] : memref<125008xf32, #tpu.memory_space<vmem>> -> memref<2048xf32, #tpu.memory_space<vmem>>
      %dma_start3A_251 = tpu.memref_slice %arg3[%add3A_248] : memref<2000000xf32, #tpu.memory_space<hbm>> -> memref<2048xf32, #tpu.memory_space<hbm>>
      %dma_start3A_252 = tpu.memref_slice %arg3[%add3A_248] : memref<2000000xf32, #tpu.memory_space<hbm>> -> memref<2048xf32, #tpu.memory_space<hbm>>
      %dma_start3A_253 = arith.constant 36864 : i32
      %dma_start3A_254 = tpu.memref_slice %arg4[%dma_start3A_253] : memref<125008xf32, #tpu.memory_space<vmem>> -> memref<2048xf32, #tpu.memory_space<vmem>>
      tpu.enqueue_dma source(%dma_start3A_254 : memref<2048xf32, #tpu.memory_space<vmem>>) target(%dma_start3A_252 : memref<2048xf32, #tpu.memory_space<hbm>>) target_semaphore(%arg8 : memref<!tpu.dma_semaphore, #tpu.memory_space<semaphore_mem>>)
      %mul3A_255 = arith.constant 125000 : i32
      %mul3A_256 = arith.muli %add3A, %mul3A_255 : i32
      %add3A_257 = arith.constant 38912 : i32
      %add3A_258 = arith.addi %mul3A_256, %add3A_257 : i32
      %dma_start3A_259 = arith.constant 38912 : i32
      %dma_start3A_260 = tpu.memref_slice %arg4[%dma_start3A_259] : memref<125008xf32, #tpu.memory_space<vmem>> -> memref<2048xf32, #tpu.memory_space<vmem>>
      %dma_start3A_261 = tpu.memref_slice %arg3[%add3A_258] : memref<2000000xf32, #tpu.memory_space<hbm>> -> memref<2048xf32, #tpu.memory_space<hbm>>
      %dma_start3A_262 = tpu.memref_slice %arg3[%add3A_258] : memref<2000000xf32, #tpu.memory_space<hbm>> -> memref<2048xf32, #tpu.memory_space<hbm>>
      %dma_start3A_263 = arith.constant 38912 : i32
      %dma_start3A_264 = tpu.memref_slice %arg4[%dma_start3A_263] : memref<125008xf32, #tpu.memory_space<vmem>> -> memref<2048xf32, #tpu.memory_space<vmem>>
      tpu.enqueue_dma source(%dma_start3A_264 : memref<2048xf32, #tpu.memory_space<vmem>>) target(%dma_start3A_262 : memref<2048xf32, #tpu.memory_space<hbm>>) target_semaphore(%arg8 : memref<!tpu.dma_semaphore, #tpu.memory_space<semaphore_mem>>)
      %mul3A_265 = arith.constant 125000 : i32
      %mul3A_266 = arith.muli %add3A, %mul3A_265 : i32
      %add3A_267 = arith.constant 40960 : i32
      %add3A_268 = arith.addi %mul3A_266, %add3A_267 : i32
      %dma_start3A_269 = arith.constant 40960 : i32
      %dma_start3A_270 = tpu.memref_slice %arg4[%dma_start3A_269] : memref<125008xf32, #tpu.memory_space<vmem>> -> memref<2048xf32, #tpu.memory_space<vmem>>
      %dma_start3A_271 = tpu.memref_slice %arg3[%add3A_268] : memref<2000000xf32, #tpu.memory_space<hbm>> -> memref<2048xf32, #tpu.memory_space<hbm>>
      %dma_start3A_272 = tpu.memref_slice %arg3[%add3A_268] : memref<2000000xf32, #tpu.memory_space<hbm>> -> memref<2048xf32, #tpu.memory_space<hbm>>
      %dma_start3A_273 = arith.constant 40960 : i32
      %dma_start3A_274 = tpu.memref_slice %arg4[%dma_start3A_273] : memref<125008xf32, #tpu.memory_space<vmem>> -> memref<2048xf32, #tpu.memory_space<vmem>>
      tpu.enqueue_dma source(%dma_start3A_274 : memref<2048xf32, #tpu.memory_space<vmem>>) target(%dma_start3A_272 : memref<2048xf32, #tpu.memory_space<hbm>>) target_semaphore(%arg8 : memref<!tpu.dma_semaphore, #tpu.memory_space<semaphore_mem>>)
      %mul3A_275 = arith.constant 125000 : i32
      %mul3A_276 = arith.muli %add3A, %mul3A_275 : i32
      %add3A_277 = arith.constant 43008 : i32
      %add3A_278 = arith.addi %mul3A_276, %add3A_277 : i32
      %dma_start3A_279 = arith.constant 43008 : i32
      %dma_start3A_280 = tpu.memref_slice %arg4[%dma_start3A_279] : memref<125008xf32, #tpu.memory_space<vmem>> -> memref<2048xf32, #tpu.memory_space<vmem>>
      %dma_start3A_281 = tpu.memref_slice %arg3[%add3A_278] : memref<2000000xf32, #tpu.memory_space<hbm>> -> memref<2048xf32, #tpu.memory_space<hbm>>
      %dma_start3A_282 = tpu.memref_slice %arg3[%add3A_278] : memref<2000000xf32, #tpu.memory_space<hbm>> -> memref<2048xf32, #tpu.memory_space<hbm>>
      %dma_start3A_283 = arith.constant 43008 : i32
      %dma_start3A_284 = tpu.memref_slice %arg4[%dma_start3A_283] : memref<125008xf32, #tpu.memory_space<vmem>> -> memref<2048xf32, #tpu.memory_space<vmem>>
      tpu.enqueue_dma source(%dma_start3A_284 : memref<2048xf32, #tpu.memory_space<vmem>>) target(%dma_start3A_282 : memref<2048xf32, #tpu.memory_space<hbm>>) target_semaphore(%arg8 : memref<!tpu.dma_semaphore, #tpu.memory_space<semaphore_mem>>)
      %mul3A_285 = arith.constant 125000 : i32
      %mul3A_286 = arith.muli %add3A, %mul3A_285 : i32
      %add3A_287 = arith.constant 45056 : i32
      %add3A_288 = arith.addi %mul3A_286, %add3A_287 : i32
      %dma_start3A_289 = arith.constant 45056 : i32
      %dma_start3A_290 = tpu.memref_slice %arg4[%dma_start3A_289] : memref<125008xf32, #tpu.memory_space<vmem>> -> memref<2048xf32, #tpu.memory_space<vmem>>
      %dma_start3A_291 = tpu.memref_slice %arg3[%add3A_288] : memref<2000000xf32, #tpu.memory_space<hbm>> -> memref<2048xf32, #tpu.memory_space<hbm>>
      %dma_start3A_292 = tpu.memref_slice %arg3[%add3A_288] : memref<2000000xf32, #tpu.memory_space<hbm>> -> memref<2048xf32, #tpu.memory_space<hbm>>
      %dma_start3A_293 = arith.constant 45056 : i32
      %dma_start3A_294 = tpu.memref_slice %arg4[%dma_start3A_293] : memref<125008xf32, #tpu.memory_space<vmem>> -> memref<2048xf32, #tpu.memory_space<vmem>>
      tpu.enqueue_dma source(%dma_start3A_294 : memref<2048xf32, #tpu.memory_space<vmem>>) target(%dma_start3A_292 : memref<2048xf32, #tpu.memory_space<hbm>>) target_semaphore(%arg8 : memref<!tpu.dma_semaphore, #tpu.memory_space<semaphore_mem>>)
      %mul3A_295 = arith.constant 125000 : i32
      %mul3A_296 = arith.muli %add3A, %mul3A_295 : i32
      %add3A_297 = arith.constant 47104 : i32
      %add3A_298 = arith.addi %mul3A_296, %add3A_297 : i32
      %dma_start3A_299 = arith.constant 47104 : i32
      %dma_start3A_300 = tpu.memref_slice %arg4[%dma_start3A_299] : memref<125008xf32, #tpu.memory_space<vmem>> -> memref<2048xf32, #tpu.memory_space<vmem>>
      %dma_start3A_301 = tpu.memref_slice %arg3[%add3A_298] : memref<2000000xf32, #tpu.memory_space<hbm>> -> memref<2048xf32, #tpu.memory_space<hbm>>
      %dma_start3A_302 = tpu.memref_slice %arg3[%add3A_298] : memref<2000000xf32, #tpu.memory_space<hbm>> -> memref<2048xf32, #tpu.memory_space<hbm>>
      %dma_start3A_303 = arith.constant 47104 : i32
      %dma_start3A_304 = tpu.memref_slice %arg4[%dma_start3A_303] : memref<125008xf32, #tpu.memory_space<vmem>> -> memref<2048xf32, #tpu.memory_space<vmem>>
      tpu.enqueue_dma source(%dma_start3A_304 : memref<2048xf32, #tpu.memory_space<vmem>>) target(%dma_start3A_302 : memref<2048xf32, #tpu.memory_space<hbm>>) target_semaphore(%arg8 : memref<!tpu.dma_semaphore, #tpu.memory_space<semaphore_mem>>)
      %mul3A_305 = arith.constant 125000 : i32
      %mul3A_306 = arith.muli %add3A, %mul3A_305 : i32
      %add3A_307 = arith.constant 49152 : i32
      %add3A_308 = arith.addi %mul3A_306, %add3A_307 : i32
      %dma_start3A_309 = arith.constant 49152 : i32
      %dma_start3A_310 = tpu.memref_slice %arg4[%dma_start3A_309] : memref<125008xf32, #tpu.memory_space<vmem>> -> memref<2048xf32, #tpu.memory_space<vmem>>
      %dma_start3A_311 = tpu.memref_slice %arg3[%add3A_308] : memref<2000000xf32, #tpu.memory_space<hbm>> -> memref<2048xf32, #tpu.memory_space<hbm>>
      %dma_start3A_312 = tpu.memref_slice %arg3[%add3A_308] : memref<2000000xf32, #tpu.memory_space<hbm>> -> memref<2048xf32, #tpu.memory_space<hbm>>
      %dma_start3A_313 = arith.constant 49152 : i32
      %dma_start3A_314 = tpu.memref_slice %arg4[%dma_start3A_313] : memref<125008xf32, #tpu.memory_space<vmem>> -> memref<2048xf32, #tpu.memory_space<vmem>>
      tpu.enqueue_dma source(%dma_start3A_314 : memref<2048xf32, #tpu.memory_space<vmem>>) target(%dma_start3A_312 : memref<2048xf32, #tpu.memory_space<hbm>>) target_semaphore(%arg8 : memref<!tpu.dma_semaphore, #tpu.memory_space<semaphore_mem>>)
      %mul3A_315 = arith.constant 125000 : i32
      %mul3A_316 = arith.muli %add3A, %mul3A_315 : i32
      %add3A_317 = arith.constant 51200 : i32
      %add3A_318 = arith.addi %mul3A_316, %add3A_317 : i32
      %dma_start3A_319 = arith.constant 51200 : i32
      %dma_start3A_320 = tpu.memref_slice %arg4[%dma_start3A_319] : memref<125008xf32, #tpu.memory_space<vmem>> -> memref<2048xf32, #tpu.memory_space<vmem>>
      %dma_start3A_321 = tpu.memref_slice %arg3[%add3A_318] : memref<2000000xf32, #tpu.memory_space<hbm>> -> memref<2048xf32, #tpu.memory_space<hbm>>
      %dma_start3A_322 = tpu.memref_slice %arg3[%add3A_318] : memref<2000000xf32, #tpu.memory_space<hbm>> -> memref<2048xf32, #tpu.memory_space<hbm>>
      %dma_start3A_323 = arith.constant 51200 : i32
      %dma_start3A_324 = tpu.memref_slice %arg4[%dma_start3A_323] : memref<125008xf32, #tpu.memory_space<vmem>> -> memref<2048xf32, #tpu.memory_space<vmem>>
      tpu.enqueue_dma source(%dma_start3A_324 : memref<2048xf32, #tpu.memory_space<vmem>>) target(%dma_start3A_322 : memref<2048xf32, #tpu.memory_space<hbm>>) target_semaphore(%arg8 : memref<!tpu.dma_semaphore, #tpu.memory_space<semaphore_mem>>)
      %mul3A_325 = arith.constant 125000 : i32
      %mul3A_326 = arith.muli %add3A, %mul3A_325 : i32
      %add3A_327 = arith.constant 53248 : i32
      %add3A_328 = arith.addi %mul3A_326, %add3A_327 : i32
      %dma_start3A_329 = arith.constant 53248 : i32
      %dma_start3A_330 = tpu.memref_slice %arg4[%dma_start3A_329] : memref<125008xf32, #tpu.memory_space<vmem>> -> memref<2048xf32, #tpu.memory_space<vmem>>
      %dma_start3A_331 = tpu.memref_slice %arg3[%add3A_328] : memref<2000000xf32, #tpu.memory_space<hbm>> -> memref<2048xf32, #tpu.memory_space<hbm>>
      %dma_start3A_332 = tpu.memref_slice %arg3[%add3A_328] : memref<2000000xf32, #tpu.memory_space<hbm>> -> memref<2048xf32, #tpu.memory_space<hbm>>
      %dma_start3A_333 = arith.constant 53248 : i32
      %dma_start3A_334 = tpu.memref_slice %arg4[%dma_start3A_333] : memref<125008xf32, #tpu.memory_space<vmem>> -> memref<2048xf32, #tpu.memory_space<vmem>>
      tpu.enqueue_dma source(%dma_start3A_334 : memref<2048xf32, #tpu.memory_space<vmem>>) target(%dma_start3A_332 : memref<2048xf32, #tpu.memory_space<hbm>>) target_semaphore(%arg8 : memref<!tpu.dma_semaphore, #tpu.memory_space<semaphore_mem>>)
      %mul3A_335 = arith.constant 125000 : i32
      %mul3A_336 = arith.muli %add3A, %mul3A_335 : i32
      %add3A_337 = arith.constant 55296 : i32
      %add3A_338 = arith.addi %mul3A_336, %add3A_337 : i32
      %dma_start3A_339 = arith.constant 55296 : i32
      %dma_start3A_340 = tpu.memref_slice %arg4[%dma_start3A_339] : memref<125008xf32, #tpu.memory_space<vmem>> -> memref<2048xf32, #tpu.memory_space<vmem>>
      %dma_start3A_341 = tpu.memref_slice %arg3[%add3A_338] : memref<2000000xf32, #tpu.memory_space<hbm>> -> memref<2048xf32, #tpu.memory_space<hbm>>
      %dma_start3A_342 = tpu.memref_slice %arg3[%add3A_338] : memref<2000000xf32, #tpu.memory_space<hbm>> -> memref<2048xf32, #tpu.memory_space<hbm>>
      %dma_start3A_343 = arith.constant 55296 : i32
      %dma_start3A_344 = tpu.memref_slice %arg4[%dma_start3A_343] : memref<125008xf32, #tpu.memory_space<vmem>> -> memref<2048xf32, #tpu.memory_space<vmem>>
      tpu.enqueue_dma source(%dma_start3A_344 : memref<2048xf32, #tpu.memory_space<vmem>>) target(%dma_start3A_342 : memref<2048xf32, #tpu.memory_space<hbm>>) target_semaphore(%arg8 : memref<!tpu.dma_semaphore, #tpu.memory_space<semaphore_mem>>)
      %mul3A_345 = arith.constant 125000 : i32
      %mul3A_346 = arith.muli %add3A, %mul3A_345 : i32
      %add3A_347 = arith.constant 57344 : i32
      %add3A_348 = arith.addi %mul3A_346, %add3A_347 : i32
      %dma_start3A_349 = arith.constant 57344 : i32
      %dma_start3A_350 = tpu.memref_slice %arg4[%dma_start3A_349] : memref<125008xf32, #tpu.memory_space<vmem>> -> memref<2048xf32, #tpu.memory_space<vmem>>
      %dma_start3A_351 = tpu.memref_slice %arg3[%add3A_348] : memref<2000000xf32, #tpu.memory_space<hbm>> -> memref<2048xf32, #tpu.memory_space<hbm>>
      %dma_start3A_352 = tpu.memref_slice %arg3[%add3A_348] : memref<2000000xf32, #tpu.memory_space<hbm>> -> memref<2048xf32, #tpu.memory_space<hbm>>
      %dma_start3A_353 = arith.constant 57344 : i32
      %dma_start3A_354 = tpu.memref_slice %arg4[%dma_start3A_353] : memref<125008xf32, #tpu.memory_space<vmem>> -> memref<2048xf32, #tpu.memory_space<vmem>>
      tpu.enqueue_dma source(%dma_start3A_354 : memref<2048xf32, #tpu.memory_space<vmem>>) target(%dma_start3A_352 : memref<2048xf32, #tpu.memory_space<hbm>>) target_semaphore(%arg8 : memref<!tpu.dma_semaphore, #tpu.memory_space<semaphore_mem>>)
      %mul3A_355 = arith.constant 125000 : i32
      %mul3A_356 = arith.muli %add3A, %mul3A_355 : i32
      %add3A_357 = arith.constant 59392 : i32
      %add3A_358 = arith.addi %mul3A_356, %add3A_357 : i32
      %dma_start3A_359 = arith.constant 59392 : i32
      %dma_start3A_360 = tpu.memref_slice %arg4[%dma_start3A_359] : memref<125008xf32, #tpu.memory_space<vmem>> -> memref<2048xf32, #tpu.memory_space<vmem>>
      %dma_start3A_361 = tpu.memref_slice %arg3[%add3A_358] : memref<2000000xf32, #tpu.memory_space<hbm>> -> memref<2048xf32, #tpu.memory_space<hbm>>
      %dma_start3A_362 = tpu.memref_slice %arg3[%add3A_358] : memref<2000000xf32, #tpu.memory_space<hbm>> -> memref<2048xf32, #tpu.memory_space<hbm>>
      %dma_start3A_363 = arith.constant 59392 : i32
      %dma_start3A_364 = tpu.memref_slice %arg4[%dma_start3A_363] : memref<125008xf32, #tpu.memory_space<vmem>> -> memref<2048xf32, #tpu.memory_space<vmem>>
      tpu.enqueue_dma source(%dma_start3A_364 : memref<2048xf32, #tpu.memory_space<vmem>>) target(%dma_start3A_362 : memref<2048xf32, #tpu.memory_space<hbm>>) target_semaphore(%arg8 : memref<!tpu.dma_semaphore, #tpu.memory_space<semaphore_mem>>)
      %mul3A_365 = arith.constant 125000 : i32
      %mul3A_366 = arith.muli %add3A, %mul3A_365 : i32
      %add3A_367 = arith.constant 61440 : i32
      %add3A_368 = arith.addi %mul3A_366, %add3A_367 : i32
      %dma_start3A_369 = arith.constant 61440 : i32
      %dma_start3A_370 = tpu.memref_slice %arg4[%dma_start3A_369] : memref<125008xf32, #tpu.memory_space<vmem>> -> memref<2048xf32, #tpu.memory_space<vmem>>
      %dma_start3A_371 = tpu.memref_slice %arg3[%add3A_368] : memref<2000000xf32, #tpu.memory_space<hbm>> -> memref<2048xf32, #tpu.memory_space<hbm>>
      %dma_start3A_372 = tpu.memref_slice %arg3[%add3A_368] : memref<2000000xf32, #tpu.memory_space<hbm>> -> memref<2048xf32, #tpu.memory_space<hbm>>
      %dma_start3A_373 = arith.constant 61440 : i32
      %dma_start3A_374 = tpu.memref_slice %arg4[%dma_start3A_373] : memref<125008xf32, #tpu.memory_space<vmem>> -> memref<2048xf32, #tpu.memory_space<vmem>>
      tpu.enqueue_dma source(%dma_start3A_374 : memref<2048xf32, #tpu.memory_space<vmem>>) target(%dma_start3A_372 : memref<2048xf32, #tpu.memory_space<hbm>>) target_semaphore(%arg8 : memref<!tpu.dma_semaphore, #tpu.memory_space<semaphore_mem>>)
      %mul3A_375 = arith.constant 125000 : i32
      %mul3A_376 = arith.muli %add3A, %mul3A_375 : i32
      %add3A_377 = arith.constant 63488 : i32
      %add3A_378 = arith.addi %mul3A_376, %add3A_377 : i32
      %dma_start3A_379 = arith.constant 63488 : i32
      %dma_start3A_380 = tpu.memref_slice %arg4[%dma_start3A_379] : memref<125008xf32, #tpu.memory_space<vmem>> -> memref<2048xf32, #tpu.memory_space<vmem>>
      %dma_start3A_381 = tpu.memref_slice %arg3[%add3A_378] : memref<2000000xf32, #tpu.memory_space<hbm>> -> memref<2048xf32, #tpu.memory_space<hbm>>
      %dma_start3A_382 = tpu.memref_slice %arg3[%add3A_378] : memref<2000000xf32, #tpu.memory_space<hbm>> -> memref<2048xf32, #tpu.memory_space<hbm>>
      %dma_start3A_383 = arith.constant 63488 : i32
      %dma_start3A_384 = tpu.memref_slice %arg4[%dma_start3A_383] : memref<125008xf32, #tpu.memory_space<vmem>> -> memref<2048xf32, #tpu.memory_space<vmem>>
      tpu.enqueue_dma source(%dma_start3A_384 : memref<2048xf32, #tpu.memory_space<vmem>>) target(%dma_start3A_382 : memref<2048xf32, #tpu.memory_space<hbm>>) target_semaphore(%arg8 : memref<!tpu.dma_semaphore, #tpu.memory_space<semaphore_mem>>)
      %mul3A_385 = arith.constant 125000 : i32
      %mul3A_386 = arith.muli %add3A, %mul3A_385 : i32
      %add3A_387 = arith.constant 65536 : i32
      %add3A_388 = arith.addi %mul3A_386, %add3A_387 : i32
      %dma_start3A_389 = arith.constant 65536 : i32
      %dma_start3A_390 = tpu.memref_slice %arg4[%dma_start3A_389] : memref<125008xf32, #tpu.memory_space<vmem>> -> memref<2048xf32, #tpu.memory_space<vmem>>
      %dma_start3A_391 = tpu.memref_slice %arg3[%add3A_388] : memref<2000000xf32, #tpu.memory_space<hbm>> -> memref<2048xf32, #tpu.memory_space<hbm>>
      %dma_start3A_392 = tpu.memref_slice %arg3[%add3A_388] : memref<2000000xf32, #tpu.memory_space<hbm>> -> memref<2048xf32, #tpu.memory_space<hbm>>
      %dma_start3A_393 = arith.constant 65536 : i32
      %dma_start3A_394 = tpu.memref_slice %arg4[%dma_start3A_393] : memref<125008xf32, #tpu.memory_space<vmem>> -> memref<2048xf32, #tpu.memory_space<vmem>>
      tpu.enqueue_dma source(%dma_start3A_394 : memref<2048xf32, #tpu.memory_space<vmem>>) target(%dma_start3A_392 : memref<2048xf32, #tpu.memory_space<hbm>>) target_semaphore(%arg8 : memref<!tpu.dma_semaphore, #tpu.memory_space<semaphore_mem>>)
      %mul3A_395 = arith.constant 125000 : i32
      %mul3A_396 = arith.muli %add3A, %mul3A_395 : i32
      %add3A_397 = arith.constant 67584 : i32
      %add3A_398 = arith.addi %mul3A_396, %add3A_397 : i32
      %dma_start3A_399 = arith.constant 67584 : i32
      %dma_start3A_400 = tpu.memref_slice %arg4[%dma_start3A_399] : memref<125008xf32, #tpu.memory_space<vmem>> -> memref<2048xf32, #tpu.memory_space<vmem>>
      %dma_start3A_401 = tpu.memref_slice %arg3[%add3A_398] : memref<2000000xf32, #tpu.memory_space<hbm>> -> memref<2048xf32, #tpu.memory_space<hbm>>
      %dma_start3A_402 = tpu.memref_slice %arg3[%add3A_398] : memref<2000000xf32, #tpu.memory_space<hbm>> -> memref<2048xf32, #tpu.memory_space<hbm>>
      %dma_start3A_403 = arith.constant 67584 : i32
      %dma_start3A_404 = tpu.memref_slice %arg4[%dma_start3A_403] : memref<125008xf32, #tpu.memory_space<vmem>> -> memref<2048xf32, #tpu.memory_space<vmem>>
      tpu.enqueue_dma source(%dma_start3A_404 : memref<2048xf32, #tpu.memory_space<vmem>>) target(%dma_start3A_402 : memref<2048xf32, #tpu.memory_space<hbm>>) target_semaphore(%arg8 : memref<!tpu.dma_semaphore, #tpu.memory_space<semaphore_mem>>)
      %mul3A_405 = arith.constant 125000 : i32
      %mul3A_406 = arith.muli %add3A, %mul3A_405 : i32
      %add3A_407 = arith.constant 69632 : i32
      %add3A_408 = arith.addi %mul3A_406, %add3A_407 : i32
      %dma_start3A_409 = arith.constant 69632 : i32
      %dma_start3A_410 = tpu.memref_slice %arg4[%dma_start3A_409] : memref<125008xf32, #tpu.memory_space<vmem>> -> memref<2048xf32, #tpu.memory_space<vmem>>
      %dma_start3A_411 = tpu.memref_slice %arg3[%add3A_408] : memref<2000000xf32, #tpu.memory_space<hbm>> -> memref<2048xf32, #tpu.memory_space<hbm>>
      %dma_start3A_412 = tpu.memref_slice %arg3[%add3A_408] : memref<2000000xf32, #tpu.memory_space<hbm>> -> memref<2048xf32, #tpu.memory_space<hbm>>
      %dma_start3A_413 = arith.constant 69632 : i32
      %dma_start3A_414 = tpu.memref_slice %arg4[%dma_start3A_413] : memref<125008xf32, #tpu.memory_space<vmem>> -> memref<2048xf32, #tpu.memory_space<vmem>>
      tpu.enqueue_dma source(%dma_start3A_414 : memref<2048xf32, #tpu.memory_space<vmem>>) target(%dma_start3A_412 : memref<2048xf32, #tpu.memory_space<hbm>>) target_semaphore(%arg8 : memref<!tpu.dma_semaphore, #tpu.memory_space<semaphore_mem>>)
      %mul3A_415 = arith.constant 125000 : i32
      %mul3A_416 = arith.muli %add3A, %mul3A_415 : i32
      %add3A_417 = arith.constant 71680 : i32
      %add3A_418 = arith.addi %mul3A_416, %add3A_417 : i32
      %dma_start3A_419 = arith.constant 71680 : i32
      %dma_start3A_420 = tpu.memref_slice %arg4[%dma_start3A_419] : memref<125008xf32, #tpu.memory_space<vmem>> -> memref<2048xf32, #tpu.memory_space<vmem>>
      %dma_start3A_421 = tpu.memref_slice %arg3[%add3A_418] : memref<2000000xf32, #tpu.memory_space<hbm>> -> memref<2048xf32, #tpu.memory_space<hbm>>
      %dma_start3A_422 = tpu.memref_slice %arg3[%add3A_418] : memref<2000000xf32, #tpu.memory_space<hbm>> -> memref<2048xf32, #tpu.memory_space<hbm>>
      %dma_start3A_423 = arith.constant 71680 : i32
      %dma_start3A_424 = tpu.memref_slice %arg4[%dma_start3A_423] : memref<125008xf32, #tpu.memory_space<vmem>> -> memref<2048xf32, #tpu.memory_space<vmem>>
      tpu.enqueue_dma source(%dma_start3A_424 : memref<2048xf32, #tpu.memory_space<vmem>>) target(%dma_start3A_422 : memref<2048xf32, #tpu.memory_space<hbm>>) target_semaphore(%arg8 : memref<!tpu.dma_semaphore, #tpu.memory_space<semaphore_mem>>)
      %mul3A_425 = arith.constant 125000 : i32
      %mul3A_426 = arith.muli %add3A, %mul3A_425 : i32
      %add3A_427 = arith.constant 73728 : i32
      %add3A_428 = arith.addi %mul3A_426, %add3A_427 : i32
      %dma_start3A_429 = arith.constant 73728 : i32
      %dma_start3A_430 = tpu.memref_slice %arg4[%dma_start3A_429] : memref<125008xf32, #tpu.memory_space<vmem>> -> memref<2048xf32, #tpu.memory_space<vmem>>
      %dma_start3A_431 = tpu.memref_slice %arg3[%add3A_428] : memref<2000000xf32, #tpu.memory_space<hbm>> -> memref<2048xf32, #tpu.memory_space<hbm>>
      %dma_start3A_432 = tpu.memref_slice %arg3[%add3A_428] : memref<2000000xf32, #tpu.memory_space<hbm>> -> memref<2048xf32, #tpu.memory_space<hbm>>
      %dma_start3A_433 = arith.constant 73728 : i32
      %dma_start3A_434 = tpu.memref_slice %arg4[%dma_start3A_433] : memref<125008xf32, #tpu.memory_space<vmem>> -> memref<2048xf32, #tpu.memory_space<vmem>>
      tpu.enqueue_dma source(%dma_start3A_434 : memref<2048xf32, #tpu.memory_space<vmem>>) target(%dma_start3A_432 : memref<2048xf32, #tpu.memory_space<hbm>>) target_semaphore(%arg8 : memref<!tpu.dma_semaphore, #tpu.memory_space<semaphore_mem>>)
      %mul3A_435 = arith.constant 125000 : i32
      %mul3A_436 = arith.muli %add3A, %mul3A_435 : i32
      %add3A_437 = arith.constant 75776 : i32
      %add3A_438 = arith.addi %mul3A_436, %add3A_437 : i32
      %dma_start3A_439 = arith.constant 75776 : i32
      %dma_start3A_440 = tpu.memref_slice %arg4[%dma_start3A_439] : memref<125008xf32, #tpu.memory_space<vmem>> -> memref<2048xf32, #tpu.memory_space<vmem>>
      %dma_start3A_441 = tpu.memref_slice %arg3[%add3A_438] : memref<2000000xf32, #tpu.memory_space<hbm>> -> memref<2048xf32, #tpu.memory_space<hbm>>
      %dma_start3A_442 = tpu.memref_slice %arg3[%add3A_438] : memref<2000000xf32, #tpu.memory_space<hbm>> -> memref<2048xf32, #tpu.memory_space<hbm>>
      %dma_start3A_443 = arith.constant 75776 : i32
      %dma_start3A_444 = tpu.memref_slice %arg4[%dma_start3A_443] : memref<125008xf32, #tpu.memory_space<vmem>> -> memref<2048xf32, #tpu.memory_space<vmem>>
      tpu.enqueue_dma source(%dma_start3A_444 : memref<2048xf32, #tpu.memory_space<vmem>>) target(%dma_start3A_442 : memref<2048xf32, #tpu.memory_space<hbm>>) target_semaphore(%arg8 : memref<!tpu.dma_semaphore, #tpu.memory_space<semaphore_mem>>)
      %mul3A_445 = arith.constant 125000 : i32
      %mul3A_446 = arith.muli %add3A, %mul3A_445 : i32
      %add3A_447 = arith.constant 77824 : i32
      %add3A_448 = arith.addi %mul3A_446, %add3A_447 : i32
      %dma_start3A_449 = arith.constant 77824 : i32
      %dma_start3A_450 = tpu.memref_slice %arg4[%dma_start3A_449] : memref<125008xf32, #tpu.memory_space<vmem>> -> memref<2048xf32, #tpu.memory_space<vmem>>
      %dma_start3A_451 = tpu.memref_slice %arg3[%add3A_448] : memref<2000000xf32, #tpu.memory_space<hbm>> -> memref<2048xf32, #tpu.memory_space<hbm>>
      %dma_start3A_452 = tpu.memref_slice %arg3[%add3A_448] : memref<2000000xf32, #tpu.memory_space<hbm>> -> memref<2048xf32, #tpu.memory_space<hbm>>
      %dma_start3A_453 = arith.constant 77824 : i32
      %dma_start3A_454 = tpu.memref_slice %arg4[%dma_start3A_453] : memref<125008xf32, #tpu.memory_space<vmem>> -> memref<2048xf32, #tpu.memory_space<vmem>>
      tpu.enqueue_dma source(%dma_start3A_454 : memref<2048xf32, #tpu.memory_space<vmem>>) target(%dma_start3A_452 : memref<2048xf32, #tpu.memory_space<hbm>>) target_semaphore(%arg8 : memref<!tpu.dma_semaphore, #tpu.memory_space<semaphore_mem>>)
      %mul3A_455 = arith.constant 125000 : i32
      %mul3A_456 = arith.muli %add3A, %mul3A_455 : i32
      %add3A_457 = arith.constant 79872 : i32
      %add3A_458 = arith.addi %mul3A_456, %add3A_457 : i32
      %dma_start3A_459 = arith.constant 79872 : i32
      %dma_start3A_460 = tpu.memref_slice %arg4[%dma_start3A_459] : memref<125008xf32, #tpu.memory_space<vmem>> -> memref<2048xf32, #tpu.memory_space<vmem>>
      %dma_start3A_461 = tpu.memref_slice %arg3[%add3A_458] : memref<2000000xf32, #tpu.memory_space<hbm>> -> memref<2048xf32, #tpu.memory_space<hbm>>
      %dma_start3A_462 = tpu.memref_slice %arg3[%add3A_458] : memref<2000000xf32, #tpu.memory_space<hbm>> -> memref<2048xf32, #tpu.memory_space<hbm>>
      %dma_start3A_463 = arith.constant 79872 : i32
      %dma_start3A_464 = tpu.memref_slice %arg4[%dma_start3A_463] : memref<125008xf32, #tpu.memory_space<vmem>> -> memref<2048xf32, #tpu.memory_space<vmem>>
      tpu.enqueue_dma source(%dma_start3A_464 : memref<2048xf32, #tpu.memory_space<vmem>>) target(%dma_start3A_462 : memref<2048xf32, #tpu.memory_space<hbm>>) target_semaphore(%arg8 : memref<!tpu.dma_semaphore, #tpu.memory_space<semaphore_mem>>)
      %mul3A_465 = arith.constant 125000 : i32
      %mul3A_466 = arith.muli %add3A, %mul3A_465 : i32
      %add3A_467 = arith.constant 81920 : i32
      %add3A_468 = arith.addi %mul3A_466, %add3A_467 : i32
      %dma_start3A_469 = arith.constant 81920 : i32
      %dma_start3A_470 = tpu.memref_slice %arg4[%dma_start3A_469] : memref<125008xf32, #tpu.memory_space<vmem>> -> memref<2048xf32, #tpu.memory_space<vmem>>
      %dma_start3A_471 = tpu.memref_slice %arg3[%add3A_468] : memref<2000000xf32, #tpu.memory_space<hbm>> -> memref<2048xf32, #tpu.memory_space<hbm>>
      %dma_start3A_472 = tpu.memref_slice %arg3[%add3A_468] : memref<2000000xf32, #tpu.memory_space<hbm>> -> memref<2048xf32, #tpu.memory_space<hbm>>
      %dma_start3A_473 = arith.constant 81920 : i32
      %dma_start3A_474 = tpu.memref_slice %arg4[%dma_start3A_473] : memref<125008xf32, #tpu.memory_space<vmem>> -> memref<2048xf32, #tpu.memory_space<vmem>>
      tpu.enqueue_dma source(%dma_start3A_474 : memref<2048xf32, #tpu.memory_space<vmem>>) target(%dma_start3A_472 : memref<2048xf32, #tpu.memory_space<hbm>>) target_semaphore(%arg8 : memref<!tpu.dma_semaphore, #tpu.memory_space<semaphore_mem>>)
      %mul3A_475 = arith.constant 125000 : i32
      %mul3A_476 = arith.muli %add3A, %mul3A_475 : i32
      %add3A_477 = arith.constant 83968 : i32
      %add3A_478 = arith.addi %mul3A_476, %add3A_477 : i32
      %dma_start3A_479 = arith.constant 83968 : i32
      %dma_start3A_480 = tpu.memref_slice %arg4[%dma_start3A_479] : memref<125008xf32, #tpu.memory_space<vmem>> -> memref<2048xf32, #tpu.memory_space<vmem>>
      %dma_start3A_481 = tpu.memref_slice %arg3[%add3A_478] : memref<2000000xf32, #tpu.memory_space<hbm>> -> memref<2048xf32, #tpu.memory_space<hbm>>
      %dma_start3A_482 = tpu.memref_slice %arg3[%add3A_478] : memref<2000000xf32, #tpu.memory_space<hbm>> -> memref<2048xf32, #tpu.memory_space<hbm>>
      %dma_start3A_483 = arith.constant 83968 : i32
      %dma_start3A_484 = tpu.memref_slice %arg4[%dma_start3A_483] : memref<125008xf32, #tpu.memory_space<vmem>> -> memref<2048xf32, #tpu.memory_space<vmem>>
      tpu.enqueue_dma source(%dma_start3A_484 : memref<2048xf32, #tpu.memory_space<vmem>>) target(%dma_start3A_482 : memref<2048xf32, #tpu.memory_space<hbm>>) target_semaphore(%arg8 : memref<!tpu.dma_semaphore, #tpu.memory_space<semaphore_mem>>)
      %mul3A_485 = arith.constant 125000 : i32
      %mul3A_486 = arith.muli %add3A, %mul3A_485 : i32
      %add3A_487 = arith.constant 86016 : i32
      %add3A_488 = arith.addi %mul3A_486, %add3A_487 : i32
      %dma_start3A_489 = arith.constant 86016 : i32
      %dma_start3A_490 = tpu.memref_slice %arg4[%dma_start3A_489] : memref<125008xf32, #tpu.memory_space<vmem>> -> memref<2048xf32, #tpu.memory_space<vmem>>
      %dma_start3A_491 = tpu.memref_slice %arg3[%add3A_488] : memref<2000000xf32, #tpu.memory_space<hbm>> -> memref<2048xf32, #tpu.memory_space<hbm>>
      %dma_start3A_492 = tpu.memref_slice %arg3[%add3A_488] : memref<2000000xf32, #tpu.memory_space<hbm>> -> memref<2048xf32, #tpu.memory_space<hbm>>
      %dma_start3A_493 = arith.constant 86016 : i32
      %dma_start3A_494 = tpu.memref_slice %arg4[%dma_start3A_493] : memref<125008xf32, #tpu.memory_space<vmem>> -> memref<2048xf32, #tpu.memory_space<vmem>>
      tpu.enqueue_dma source(%dma_start3A_494 : memref<2048xf32, #tpu.memory_space<vmem>>) target(%dma_start3A_492 : memref<2048xf32, #tpu.memory_space<hbm>>) target_semaphore(%arg8 : memref<!tpu.dma_semaphore, #tpu.memory_space<semaphore_mem>>)
      %mul3A_495 = arith.constant 125000 : i32
      %mul3A_496 = arith.muli %add3A, %mul3A_495 : i32
      %add3A_497 = arith.constant 88064 : i32
      %add3A_498 = arith.addi %mul3A_496, %add3A_497 : i32
      %dma_start3A_499 = arith.constant 88064 : i32
      %dma_start3A_500 = tpu.memref_slice %arg4[%dma_start3A_499] : memref<125008xf32, #tpu.memory_space<vmem>> -> memref<2048xf32, #tpu.memory_space<vmem>>
      %dma_start3A_501 = tpu.memref_slice %arg3[%add3A_498] : memref<2000000xf32, #tpu.memory_space<hbm>> -> memref<2048xf32, #tpu.memory_space<hbm>>
      %dma_start3A_502 = tpu.memref_slice %arg3[%add3A_498] : memref<2000000xf32, #tpu.memory_space<hbm>> -> memref<2048xf32, #tpu.memory_space<hbm>>
      %dma_start3A_503 = arith.constant 88064 : i32
      %dma_start3A_504 = tpu.memref_slice %arg4[%dma_start3A_503] : memref<125008xf32, #tpu.memory_space<vmem>> -> memref<2048xf32, #tpu.memory_space<vmem>>
      tpu.enqueue_dma source(%dma_start3A_504 : memref<2048xf32, #tpu.memory_space<vmem>>) target(%dma_start3A_502 : memref<2048xf32, #tpu.memory_space<hbm>>) target_semaphore(%arg8 : memref<!tpu.dma_semaphore, #tpu.memory_space<semaphore_mem>>)
      %mul3A_505 = arith.constant 125000 : i32
      %mul3A_506 = arith.muli %add3A, %mul3A_505 : i32
      %add3A_507 = arith.constant 90112 : i32
      %add3A_508 = arith.addi %mul3A_506, %add3A_507 : i32
      %dma_start3A_509 = arith.constant 90112 : i32
      %dma_start3A_510 = tpu.memref_slice %arg4[%dma_start3A_509] : memref<125008xf32, #tpu.memory_space<vmem>> -> memref<2048xf32, #tpu.memory_space<vmem>>
      %dma_start3A_511 = tpu.memref_slice %arg3[%add3A_508] : memref<2000000xf32, #tpu.memory_space<hbm>> -> memref<2048xf32, #tpu.memory_space<hbm>>
      %dma_start3A_512 = tpu.memref_slice %arg3[%add3A_508] : memref<2000000xf32, #tpu.memory_space<hbm>> -> memref<2048xf32, #tpu.memory_space<hbm>>
      %dma_start3A_513 = arith.constant 90112 : i32
      %dma_start3A_514 = tpu.memref_slice %arg4[%dma_start3A_513] : memref<125008xf32, #tpu.memory_space<vmem>> -> memref<2048xf32, #tpu.memory_space<vmem>>
      tpu.enqueue_dma source(%dma_start3A_514 : memref<2048xf32, #tpu.memory_space<vmem>>) target(%dma_start3A_512 : memref<2048xf32, #tpu.memory_space<hbm>>) target_semaphore(%arg8 : memref<!tpu.dma_semaphore, #tpu.memory_space<semaphore_mem>>)
      %mul3A_515 = arith.constant 125000 : i32
      %mul3A_516 = arith.muli %add3A, %mul3A_515 : i32
      %add3A_517 = arith.constant 92160 : i32
      %add3A_518 = arith.addi %mul3A_516, %add3A_517 : i32
      %dma_start3A_519 = arith.constant 92160 : i32
      %dma_start3A_520 = tpu.memref_slice %arg4[%dma_start3A_519] : memref<125008xf32, #tpu.memory_space<vmem>> -> memref<2048xf32, #tpu.memory_space<vmem>>
      %dma_start3A_521 = tpu.memref_slice %arg3[%add3A_518] : memref<2000000xf32, #tpu.memory_space<hbm>> -> memref<2048xf32, #tpu.memory_space<hbm>>
      %dma_start3A_522 = tpu.memref_slice %arg3[%add3A_518] : memref<2000000xf32, #tpu.memory_space<hbm>> -> memref<2048xf32, #tpu.memory_space<hbm>>
      %dma_start3A_523 = arith.constant 92160 : i32
      %dma_start3A_524 = tpu.memref_slice %arg4[%dma_start3A_523] : memref<125008xf32, #tpu.memory_space<vmem>> -> memref<2048xf32, #tpu.memory_space<vmem>>
      tpu.enqueue_dma source(%dma_start3A_524 : memref<2048xf32, #tpu.memory_space<vmem>>) target(%dma_start3A_522 : memref<2048xf32, #tpu.memory_space<hbm>>) target_semaphore(%arg8 : memref<!tpu.dma_semaphore, #tpu.memory_space<semaphore_mem>>)
      %mul3A_525 = arith.constant 125000 : i32
      %mul3A_526 = arith.muli %add3A, %mul3A_525 : i32
      %add3A_527 = arith.constant 94208 : i32
      %add3A_528 = arith.addi %mul3A_526, %add3A_527 : i32
      %dma_start3A_529 = arith.constant 94208 : i32
      %dma_start3A_530 = tpu.memref_slice %arg4[%dma_start3A_529] : memref<125008xf32, #tpu.memory_space<vmem>> -> memref<2048xf32, #tpu.memory_space<vmem>>
      %dma_start3A_531 = tpu.memref_slice %arg3[%add3A_528] : memref<2000000xf32, #tpu.memory_space<hbm>> -> memref<2048xf32, #tpu.memory_space<hbm>>
      %dma_start3A_532 = tpu.memref_slice %arg3[%add3A_528] : memref<2000000xf32, #tpu.memory_space<hbm>> -> memref<2048xf32, #tpu.memory_space<hbm>>
      %dma_start3A_533 = arith.constant 94208 : i32
      %dma_start3A_534 = tpu.memref_slice %arg4[%dma_start3A_533] : memref<125008xf32, #tpu.memory_space<vmem>> -> memref<2048xf32, #tpu.memory_space<vmem>>
      tpu.enqueue_dma source(%dma_start3A_534 : memref<2048xf32, #tpu.memory_space<vmem>>) target(%dma_start3A_532 : memref<2048xf32, #tpu.memory_space<hbm>>) target_semaphore(%arg8 : memref<!tpu.dma_semaphore, #tpu.memory_space<semaphore_mem>>)
      %mul3A_535 = arith.constant 125000 : i32
      %mul3A_536 = arith.muli %add3A, %mul3A_535 : i32
      %add3A_537 = arith.constant 96256 : i32
      %add3A_538 = arith.addi %mul3A_536, %add3A_537 : i32
      %dma_start3A_539 = arith.constant 96256 : i32
      %dma_start3A_540 = tpu.memref_slice %arg4[%dma_start3A_539] : memref<125008xf32, #tpu.memory_space<vmem>> -> memref<2048xf32, #tpu.memory_space<vmem>>
      %dma_start3A_541 = tpu.memref_slice %arg3[%add3A_538] : memref<2000000xf32, #tpu.memory_space<hbm>> -> memref<2048xf32, #tpu.memory_space<hbm>>
      %dma_start3A_542 = tpu.memref_slice %arg3[%add3A_538] : memref<2000000xf32, #tpu.memory_space<hbm>> -> memref<2048xf32, #tpu.memory_space<hbm>>
      %dma_start3A_543 = arith.constant 96256 : i32
      %dma_start3A_544 = tpu.memref_slice %arg4[%dma_start3A_543] : memref<125008xf32, #tpu.memory_space<vmem>> -> memref<2048xf32, #tpu.memory_space<vmem>>
      tpu.enqueue_dma source(%dma_start3A_544 : memref<2048xf32, #tpu.memory_space<vmem>>) target(%dma_start3A_542 : memref<2048xf32, #tpu.memory_space<hbm>>) target_semaphore(%arg8 : memref<!tpu.dma_semaphore, #tpu.memory_space<semaphore_mem>>)
      %mul3A_545 = arith.constant 125000 : i32
      %mul3A_546 = arith.muli %add3A, %mul3A_545 : i32
      %add3A_547 = arith.constant 98304 : i32
      %add3A_548 = arith.addi %mul3A_546, %add3A_547 : i32
      %dma_start3A_549 = arith.constant 98304 : i32
      %dma_start3A_550 = tpu.memref_slice %arg4[%dma_start3A_549] : memref<125008xf32, #tpu.memory_space<vmem>> -> memref<2048xf32, #tpu.memory_space<vmem>>
      %dma_start3A_551 = tpu.memref_slice %arg3[%add3A_548] : memref<2000000xf32, #tpu.memory_space<hbm>> -> memref<2048xf32, #tpu.memory_space<hbm>>
      %dma_start3A_552 = tpu.memref_slice %arg3[%add3A_548] : memref<2000000xf32, #tpu.memory_space<hbm>> -> memref<2048xf32, #tpu.memory_space<hbm>>
      %dma_start3A_553 = arith.constant 98304 : i32
      %dma_start3A_554 = tpu.memref_slice %arg4[%dma_start3A_553] : memref<125008xf32, #tpu.memory_space<vmem>> -> memref<2048xf32, #tpu.memory_space<vmem>>
      tpu.enqueue_dma source(%dma_start3A_554 : memref<2048xf32, #tpu.memory_space<vmem>>) target(%dma_start3A_552 : memref<2048xf32, #tpu.memory_space<hbm>>) target_semaphore(%arg8 : memref<!tpu.dma_semaphore, #tpu.memory_space<semaphore_mem>>)
      %mul3A_555 = arith.constant 125000 : i32
      %mul3A_556 = arith.muli %add3A, %mul3A_555 : i32
      %add3A_557 = arith.constant 100352 : i32
      %add3A_558 = arith.addi %mul3A_556, %add3A_557 : i32
      %dma_start3A_559 = arith.constant 100352 : i32
      %dma_start3A_560 = tpu.memref_slice %arg4[%dma_start3A_559] : memref<125008xf32, #tpu.memory_space<vmem>> -> memref<2048xf32, #tpu.memory_space<vmem>>
      %dma_start3A_561 = tpu.memref_slice %arg3[%add3A_558] : memref<2000000xf32, #tpu.memory_space<hbm>> -> memref<2048xf32, #tpu.memory_space<hbm>>
      %dma_start3A_562 = tpu.memref_slice %arg3[%add3A_558] : memref<2000000xf32, #tpu.memory_space<hbm>> -> memref<2048xf32, #tpu.memory_space<hbm>>
      %dma_start3A_563 = arith.constant 100352 : i32
      %dma_start3A_564 = tpu.memref_slice %arg4[%dma_start3A_563] : memref<125008xf32, #tpu.memory_space<vmem>> -> memref<2048xf32, #tpu.memory_space<vmem>>
      tpu.enqueue_dma source(%dma_start3A_564 : memref<2048xf32, #tpu.memory_space<vmem>>) target(%dma_start3A_562 : memref<2048xf32, #tpu.memory_space<hbm>>) target_semaphore(%arg8 : memref<!tpu.dma_semaphore, #tpu.memory_space<semaphore_mem>>)
      %mul3A_565 = arith.constant 125000 : i32
      %mul3A_566 = arith.muli %add3A, %mul3A_565 : i32
      %add3A_567 = arith.constant 102400 : i32
      %add3A_568 = arith.addi %mul3A_566, %add3A_567 : i32
      %dma_start3A_569 = arith.constant 102400 : i32
      %dma_start3A_570 = tpu.memref_slice %arg4[%dma_start3A_569] : memref<125008xf32, #tpu.memory_space<vmem>> -> memref<2048xf32, #tpu.memory_space<vmem>>
      %dma_start3A_571 = tpu.memref_slice %arg3[%add3A_568] : memref<2000000xf32, #tpu.memory_space<hbm>> -> memref<2048xf32, #tpu.memory_space<hbm>>
      %dma_start3A_572 = tpu.memref_slice %arg3[%add3A_568] : memref<2000000xf32, #tpu.memory_space<hbm>> -> memref<2048xf32, #tpu.memory_space<hbm>>
      %dma_start3A_573 = arith.constant 102400 : i32
      %dma_start3A_574 = tpu.memref_slice %arg4[%dma_start3A_573] : memref<125008xf32, #tpu.memory_space<vmem>> -> memref<2048xf32, #tpu.memory_space<vmem>>
      tpu.enqueue_dma source(%dma_start3A_574 : memref<2048xf32, #tpu.memory_space<vmem>>) target(%dma_start3A_572 : memref<2048xf32, #tpu.memory_space<hbm>>) target_semaphore(%arg8 : memref<!tpu.dma_semaphore, #tpu.memory_space<semaphore_mem>>)
      %mul3A_575 = arith.constant 125000 : i32
      %mul3A_576 = arith.muli %add3A, %mul3A_575 : i32
      %add3A_577 = arith.constant 104448 : i32
      %add3A_578 = arith.addi %mul3A_576, %add3A_577 : i32
      %dma_start3A_579 = arith.constant 104448 : i32
      %dma_start3A_580 = tpu.memref_slice %arg4[%dma_start3A_579] : memref<125008xf32, #tpu.memory_space<vmem>> -> memref<2048xf32, #tpu.memory_space<vmem>>
      %dma_start3A_581 = tpu.memref_slice %arg3[%add3A_578] : memref<2000000xf32, #tpu.memory_space<hbm>> -> memref<2048xf32, #tpu.memory_space<hbm>>
      %dma_start3A_582 = tpu.memref_slice %arg3[%add3A_578] : memref<2000000xf32, #tpu.memory_space<hbm>> -> memref<2048xf32, #tpu.memory_space<hbm>>
      %dma_start3A_583 = arith.constant 104448 : i32
      %dma_start3A_584 = tpu.memref_slice %arg4[%dma_start3A_583] : memref<125008xf32, #tpu.memory_space<vmem>> -> memref<2048xf32, #tpu.memory_space<vmem>>
      tpu.enqueue_dma source(%dma_start3A_584 : memref<2048xf32, #tpu.memory_space<vmem>>) target(%dma_start3A_582 : memref<2048xf32, #tpu.memory_space<hbm>>) target_semaphore(%arg8 : memref<!tpu.dma_semaphore, #tpu.memory_space<semaphore_mem>>)
      %mul3A_585 = arith.constant 125000 : i32
      %mul3A_586 = arith.muli %add3A, %mul3A_585 : i32
      %add3A_587 = arith.constant 106496 : i32
      %add3A_588 = arith.addi %mul3A_586, %add3A_587 : i32
      %dma_start3A_589 = arith.constant 106496 : i32
      %dma_start3A_590 = tpu.memref_slice %arg4[%dma_start3A_589] : memref<125008xf32, #tpu.memory_space<vmem>> -> memref<2048xf32, #tpu.memory_space<vmem>>
      %dma_start3A_591 = tpu.memref_slice %arg3[%add3A_588] : memref<2000000xf32, #tpu.memory_space<hbm>> -> memref<2048xf32, #tpu.memory_space<hbm>>
      %dma_start3A_592 = tpu.memref_slice %arg3[%add3A_588] : memref<2000000xf32, #tpu.memory_space<hbm>> -> memref<2048xf32, #tpu.memory_space<hbm>>
      %dma_start3A_593 = arith.constant 106496 : i32
      %dma_start3A_594 = tpu.memref_slice %arg4[%dma_start3A_593] : memref<125008xf32, #tpu.memory_space<vmem>> -> memref<2048xf32, #tpu.memory_space<vmem>>
      tpu.enqueue_dma source(%dma_start3A_594 : memref<2048xf32, #tpu.memory_space<vmem>>) target(%dma_start3A_592 : memref<2048xf32, #tpu.memory_space<hbm>>) target_semaphore(%arg8 : memref<!tpu.dma_semaphore, #tpu.memory_space<semaphore_mem>>)
      %mul3A_595 = arith.constant 125000 : i32
      %mul3A_596 = arith.muli %add3A, %mul3A_595 : i32
      %add3A_597 = arith.constant 108544 : i32
      %add3A_598 = arith.addi %mul3A_596, %add3A_597 : i32
      %dma_start3A_599 = arith.constant 108544 : i32
      %dma_start3A_600 = tpu.memref_slice %arg4[%dma_start3A_599] : memref<125008xf32, #tpu.memory_space<vmem>> -> memref<2048xf32, #tpu.memory_space<vmem>>
      %dma_start3A_601 = tpu.memref_slice %arg3[%add3A_598] : memref<2000000xf32, #tpu.memory_space<hbm>> -> memref<2048xf32, #tpu.memory_space<hbm>>
      %dma_start3A_602 = tpu.memref_slice %arg3[%add3A_598] : memref<2000000xf32, #tpu.memory_space<hbm>> -> memref<2048xf32, #tpu.memory_space<hbm>>
      %dma_start3A_603 = arith.constant 108544 : i32
      %dma_start3A_604 = tpu.memref_slice %arg4[%dma_start3A_603] : memref<125008xf32, #tpu.memory_space<vmem>> -> memref<2048xf32, #tpu.memory_space<vmem>>
      tpu.enqueue_dma source(%dma_start3A_604 : memref<2048xf32, #tpu.memory_space<vmem>>) target(%dma_start3A_602 : memref<2048xf32, #tpu.memory_space<hbm>>) target_semaphore(%arg8 : memref<!tpu.dma_semaphore, #tpu.memory_space<semaphore_mem>>)
      %mul3A_605 = arith.constant 125000 : i32
      %mul3A_606 = arith.muli %add3A, %mul3A_605 : i32
      %add3A_607 = arith.constant 110592 : i32
      %add3A_608 = arith.addi %mul3A_606, %add3A_607 : i32
      %dma_start3A_609 = arith.constant 110592 : i32
      %dma_start3A_610 = tpu.memref_slice %arg4[%dma_start3A_609] : memref<125008xf32, #tpu.memory_space<vmem>> -> memref<2048xf32, #tpu.memory_space<vmem>>
      %dma_start3A_611 = tpu.memref_slice %arg3[%add3A_608] : memref<2000000xf32, #tpu.memory_space<hbm>> -> memref<2048xf32, #tpu.memory_space<hbm>>
      %dma_start3A_612 = tpu.memref_slice %arg3[%add3A_608] : memref<2000000xf32, #tpu.memory_space<hbm>> -> memref<2048xf32, #tpu.memory_space<hbm>>
      %dma_start3A_613 = arith.constant 110592 : i32
      %dma_start3A_614 = tpu.memref_slice %arg4[%dma_start3A_613] : memref<125008xf32, #tpu.memory_space<vmem>> -> memref<2048xf32, #tpu.memory_space<vmem>>
      tpu.enqueue_dma source(%dma_start3A_614 : memref<2048xf32, #tpu.memory_space<vmem>>) target(%dma_start3A_612 : memref<2048xf32, #tpu.memory_space<hbm>>) target_semaphore(%arg8 : memref<!tpu.dma_semaphore, #tpu.memory_space<semaphore_mem>>)
      %mul3A_615 = arith.constant 125000 : i32
      %mul3A_616 = arith.muli %add3A, %mul3A_615 : i32
      %add3A_617 = arith.constant 112640 : i32
      %add3A_618 = arith.addi %mul3A_616, %add3A_617 : i32
      %dma_start3A_619 = arith.constant 112640 : i32
      %dma_start3A_620 = tpu.memref_slice %arg4[%dma_start3A_619] : memref<125008xf32, #tpu.memory_space<vmem>> -> memref<2048xf32, #tpu.memory_space<vmem>>
      %dma_start3A_621 = tpu.memref_slice %arg3[%add3A_618] : memref<2000000xf32, #tpu.memory_space<hbm>> -> memref<2048xf32, #tpu.memory_space<hbm>>
      %dma_start3A_622 = tpu.memref_slice %arg3[%add3A_618] : memref<2000000xf32, #tpu.memory_space<hbm>> -> memref<2048xf32, #tpu.memory_space<hbm>>
      %dma_start3A_623 = arith.constant 112640 : i32
      %dma_start3A_624 = tpu.memref_slice %arg4[%dma_start3A_623] : memref<125008xf32, #tpu.memory_space<vmem>> -> memref<2048xf32, #tpu.memory_space<vmem>>
      tpu.enqueue_dma source(%dma_start3A_624 : memref<2048xf32, #tpu.memory_space<vmem>>) target(%dma_start3A_622 : memref<2048xf32, #tpu.memory_space<hbm>>) target_semaphore(%arg8 : memref<!tpu.dma_semaphore, #tpu.memory_space<semaphore_mem>>)
      %mul3A_625 = arith.constant 125000 : i32
      %mul3A_626 = arith.muli %add3A, %mul3A_625 : i32
      %add3A_627 = arith.constant 114688 : i32
      %add3A_628 = arith.addi %mul3A_626, %add3A_627 : i32
      %dma_start3A_629 = arith.constant 114688 : i32
      %dma_start3A_630 = tpu.memref_slice %arg4[%dma_start3A_629] : memref<125008xf32, #tpu.memory_space<vmem>> -> memref<2048xf32, #tpu.memory_space<vmem>>
      %dma_start3A_631 = tpu.memref_slice %arg3[%add3A_628] : memref<2000000xf32, #tpu.memory_space<hbm>> -> memref<2048xf32, #tpu.memory_space<hbm>>
      %dma_start3A_632 = tpu.memref_slice %arg3[%add3A_628] : memref<2000000xf32, #tpu.memory_space<hbm>> -> memref<2048xf32, #tpu.memory_space<hbm>>
      %dma_start3A_633 = arith.constant 114688 : i32
      %dma_start3A_634 = tpu.memref_slice %arg4[%dma_start3A_633] : memref<125008xf32, #tpu.memory_space<vmem>> -> memref<2048xf32, #tpu.memory_space<vmem>>
      tpu.enqueue_dma source(%dma_start3A_634 : memref<2048xf32, #tpu.memory_space<vmem>>) target(%dma_start3A_632 : memref<2048xf32, #tpu.memory_space<hbm>>) target_semaphore(%arg8 : memref<!tpu.dma_semaphore, #tpu.memory_space<semaphore_mem>>)
      %mul3A_635 = arith.constant 125000 : i32
      %mul3A_636 = arith.muli %add3A, %mul3A_635 : i32
      %add3A_637 = arith.constant 116736 : i32
      %add3A_638 = arith.addi %mul3A_636, %add3A_637 : i32
      %dma_start3A_639 = arith.constant 116736 : i32
      %dma_start3A_640 = tpu.memref_slice %arg4[%dma_start3A_639] : memref<125008xf32, #tpu.memory_space<vmem>> -> memref<2048xf32, #tpu.memory_space<vmem>>
      %dma_start3A_641 = tpu.memref_slice %arg3[%add3A_638] : memref<2000000xf32, #tpu.memory_space<hbm>> -> memref<2048xf32, #tpu.memory_space<hbm>>
      %dma_start3A_642 = tpu.memref_slice %arg3[%add3A_638] : memref<2000000xf32, #tpu.memory_space<hbm>> -> memref<2048xf32, #tpu.memory_space<hbm>>
      %dma_start3A_643 = arith.constant 116736 : i32
      %dma_start3A_644 = tpu.memref_slice %arg4[%dma_start3A_643] : memref<125008xf32, #tpu.memory_space<vmem>> -> memref<2048xf32, #tpu.memory_space<vmem>>
      tpu.enqueue_dma source(%dma_start3A_644 : memref<2048xf32, #tpu.memory_space<vmem>>) target(%dma_start3A_642 : memref<2048xf32, #tpu.memory_space<hbm>>) target_semaphore(%arg8 : memref<!tpu.dma_semaphore, #tpu.memory_space<semaphore_mem>>)
      %mul3A_645 = arith.constant 125000 : i32
      %mul3A_646 = arith.muli %add3A, %mul3A_645 : i32
      %add3A_647 = arith.constant 118784 : i32
      %add3A_648 = arith.addi %mul3A_646, %add3A_647 : i32
      %dma_start3A_649 = arith.constant 118784 : i32
      %dma_start3A_650 = tpu.memref_slice %arg4[%dma_start3A_649] : memref<125008xf32, #tpu.memory_space<vmem>> -> memref<2048xf32, #tpu.memory_space<vmem>>
      %dma_start3A_651 = tpu.memref_slice %arg3[%add3A_648] : memref<2000000xf32, #tpu.memory_space<hbm>> -> memref<2048xf32, #tpu.memory_space<hbm>>
      %dma_start3A_652 = tpu.memref_slice %arg3[%add3A_648] : memref<2000000xf32, #tpu.memory_space<hbm>> -> memref<2048xf32, #tpu.memory_space<hbm>>
      %dma_start3A_653 = arith.constant 118784 : i32
      %dma_start3A_654 = tpu.memref_slice %arg4[%dma_start3A_653] : memref<125008xf32, #tpu.memory_space<vmem>> -> memref<2048xf32, #tpu.memory_space<vmem>>
      tpu.enqueue_dma source(%dma_start3A_654 : memref<2048xf32, #tpu.memory_space<vmem>>) target(%dma_start3A_652 : memref<2048xf32, #tpu.memory_space<hbm>>) target_semaphore(%arg8 : memref<!tpu.dma_semaphore, #tpu.memory_space<semaphore_mem>>)
      %mul3A_655 = arith.constant 125000 : i32
      %mul3A_656 = arith.muli %add3A, %mul3A_655 : i32
      %add3A_657 = arith.constant 120832 : i32
      %add3A_658 = arith.addi %mul3A_656, %add3A_657 : i32
      %dma_start3A_659 = arith.constant 120832 : i32
      %dma_start3A_660 = tpu.memref_slice %arg4[%dma_start3A_659] : memref<125008xf32, #tpu.memory_space<vmem>> -> memref<2048xf32, #tpu.memory_space<vmem>>
      %dma_start3A_661 = tpu.memref_slice %arg3[%add3A_658] : memref<2000000xf32, #tpu.memory_space<hbm>> -> memref<2048xf32, #tpu.memory_space<hbm>>
      %dma_start3A_662 = tpu.memref_slice %arg3[%add3A_658] : memref<2000000xf32, #tpu.memory_space<hbm>> -> memref<2048xf32, #tpu.memory_space<hbm>>
      %dma_start3A_663 = arith.constant 120832 : i32
      %dma_start3A_664 = tpu.memref_slice %arg4[%dma_start3A_663] : memref<125008xf32, #tpu.memory_space<vmem>> -> memref<2048xf32, #tpu.memory_space<vmem>>
      tpu.enqueue_dma source(%dma_start3A_664 : memref<2048xf32, #tpu.memory_space<vmem>>) target(%dma_start3A_662 : memref<2048xf32, #tpu.memory_space<hbm>>) target_semaphore(%arg8 : memref<!tpu.dma_semaphore, #tpu.memory_space<semaphore_mem>>)
      %mul3A_665 = arith.constant 125000 : i32
      %mul3A_666 = arith.muli %add3A, %mul3A_665 : i32
      %add3A_667 = arith.constant 122880 : i32
      %add3A_668 = arith.addi %mul3A_666, %add3A_667 : i32
      %dma_start3A_669 = arith.constant 122880 : i32
      %dma_start3A_670 = tpu.memref_slice %arg4[%dma_start3A_669] : memref<125008xf32, #tpu.memory_space<vmem>> -> memref<2048xf32, #tpu.memory_space<vmem>>
      %dma_start3A_671 = tpu.memref_slice %arg3[%add3A_668] : memref<2000000xf32, #tpu.memory_space<hbm>> -> memref<2048xf32, #tpu.memory_space<hbm>>
      %dma_start3A_672 = tpu.memref_slice %arg3[%add3A_668] : memref<2000000xf32, #tpu.memory_space<hbm>> -> memref<2048xf32, #tpu.memory_space<hbm>>
      %dma_start3A_673 = arith.constant 122880 : i32
      %dma_start3A_674 = tpu.memref_slice %arg4[%dma_start3A_673] : memref<125008xf32, #tpu.memory_space<vmem>> -> memref<2048xf32, #tpu.memory_space<vmem>>
      tpu.enqueue_dma source(%dma_start3A_674 : memref<2048xf32, #tpu.memory_space<vmem>>) target(%dma_start3A_672 : memref<2048xf32, #tpu.memory_space<hbm>>) target_semaphore(%arg8 : memref<!tpu.dma_semaphore, #tpu.memory_space<semaphore_mem>>)
      %mul3A_675 = arith.constant 125000 : i32
      %mul3A_676 = arith.muli %add3A, %mul3A_675 : i32
      %add3A_677 = arith.constant 124928 : i32
      %add3A_678 = arith.addi %mul3A_676, %add3A_677 : i32
      %dma_start3A_679 = arith.constant 124928 : i32
      %dma_start3A_680 = tpu.memref_slice %arg4[%dma_start3A_679] : memref<125008xf32, #tpu.memory_space<vmem>> -> memref<72xf32, #tpu.memory_space<vmem>>
      %dma_start3A_681 = tpu.memref_slice %arg3[%add3A_678] : memref<2000000xf32, #tpu.memory_space<hbm>> -> memref<72xf32, #tpu.memory_space<hbm>>
      %dma_start3A_682 = tpu.memref_slice %arg3[%add3A_678] : memref<2000000xf32, #tpu.memory_space<hbm>> -> memref<72xf32, #tpu.memory_space<hbm>>
      %dma_start3A_683 = arith.constant 124928 : i32
      %dma_start3A_684 = tpu.memref_slice %arg4[%dma_start3A_683] : memref<125008xf32, #tpu.memory_space<vmem>> -> memref<72xf32, #tpu.memory_space<vmem>>
      tpu.enqueue_dma source(%dma_start3A_684 : memref<72xf32, #tpu.memory_space<vmem>>) target(%dma_start3A_682 : memref<72xf32, #tpu.memory_space<hbm>>) target_semaphore(%arg8 : memref<!tpu.dma_semaphore, #tpu.memory_space<semaphore_mem>>)
      %mul3A_685 = arith.constant 125000 : i32
      %mul3A_686 = arith.muli %add3A, %mul3A_685 : i32
      %add3A_687 = arith.constant 0 : i32
      %add3A_688 = arith.addi %mul3A_686, %add3A_687 : i32
      %dma_wait3A = arith.constant 0 : i32
      %dma_wait3A_689 = tpu.memref_slice %arg4[%dma_wait3A] : memref<125008xf32, #tpu.memory_space<vmem>> -> memref<2048xf32, #tpu.memory_space<vmem>>
      %dma_wait3A_690 = tpu.memref_slice %arg3[%add3A_688] : memref<2000000xf32, #tpu.memory_space<hbm>> -> memref<2048xf32, #tpu.memory_space<hbm>>
      %dma_wait3A_691 = tpu.memref_slice %arg3[%add3A_688] : memref<2000000xf32, #tpu.memory_space<hbm>> -> memref<2048xf32, #tpu.memory_space<hbm>>
      %dma_wait3A_692 = arith.constant 0 : i32
      %dma_wait3A_693 = tpu.memref_slice %arg4[%dma_wait3A_692] : memref<125008xf32, #tpu.memory_space<vmem>> -> memref<2048xf32, #tpu.memory_space<vmem>>
      tpu.wait_dma2 semaphore(%arg8 : memref<!tpu.dma_semaphore, #tpu.memory_space<semaphore_mem>>) src(%dma_wait3A_693 : memref<2048xf32, #tpu.memory_space<vmem>>) dst(%dma_wait3A_691 : memref<2048xf32, #tpu.memory_space<hbm>>)
      %mul3A_694 = arith.constant 125000 : i32
      %mul3A_695 = arith.muli %add3A, %mul3A_694 : i32
      %add3A_696 = arith.constant 2048 : i32
      %add3A_697 = arith.addi %mul3A_695, %add3A_696 : i32
      %dma_wait3A_698 = arith.constant 2048 : i32
      %dma_wait3A_699 = tpu.memref_slice %arg4[%dma_wait3A_698] : memref<125008xf32, #tpu.memory_space<vmem>> -> memref<2048xf32, #tpu.memory_space<vmem>>
      %dma_wait3A_700 = tpu.memref_slice %arg3[%add3A_697] : memref<2000000xf32, #tpu.memory_space<hbm>> -> memref<2048xf32, #tpu.memory_space<hbm>>
      %dma_wait3A_701 = tpu.memref_slice %arg3[%add3A_697] : memref<2000000xf32, #tpu.memory_space<hbm>> -> memref<2048xf32, #tpu.memory_space<hbm>>
      %dma_wait3A_702 = arith.constant 2048 : i32
      %dma_wait3A_703 = tpu.memref_slice %arg4[%dma_wait3A_702] : memref<125008xf32, #tpu.memory_space<vmem>> -> memref<2048xf32, #tpu.memory_space<vmem>>
      tpu.wait_dma2 semaphore(%arg8 : memref<!tpu.dma_semaphore, #tpu.memory_space<semaphore_mem>>) src(%dma_wait3A_703 : memref<2048xf32, #tpu.memory_space<vmem>>) dst(%dma_wait3A_701 : memref<2048xf32, #tpu.memory_space<hbm>>)
      %mul3A_704 = arith.constant 125000 : i32
      %mul3A_705 = arith.muli %add3A, %mul3A_704 : i32
      %add3A_706 = arith.constant 4096 : i32
      %add3A_707 = arith.addi %mul3A_705, %add3A_706 : i32
      %dma_wait3A_708 = arith.constant 4096 : i32
      %dma_wait3A_709 = tpu.memref_slice %arg4[%dma_wait3A_708] : memref<125008xf32, #tpu.memory_space<vmem>> -> memref<2048xf32, #tpu.memory_space<vmem>>
      %dma_wait3A_710 = tpu.memref_slice %arg3[%add3A_707] : memref<2000000xf32, #tpu.memory_space<hbm>> -> memref<2048xf32, #tpu.memory_space<hbm>>
      %dma_wait3A_711 = tpu.memref_slice %arg3[%add3A_707] : memref<2000000xf32, #tpu.memory_space<hbm>> -> memref<2048xf32, #tpu.memory_space<hbm>>
      %dma_wait3A_712 = arith.constant 4096 : i32
      %dma_wait3A_713 = tpu.memref_slice %arg4[%dma_wait3A_712] : memref<125008xf32, #tpu.memory_space<vmem>> -> memref<2048xf32, #tpu.memory_space<vmem>>
      tpu.wait_dma2 semaphore(%arg8 : memref<!tpu.dma_semaphore, #tpu.memory_space<semaphore_mem>>) src(%dma_wait3A_713 : memref<2048xf32, #tpu.memory_space<vmem>>) dst(%dma_wait3A_711 : memref<2048xf32, #tpu.memory_space<hbm>>)
      %mul3A_714 = arith.constant 125000 : i32
      %mul3A_715 = arith.muli %add3A, %mul3A_714 : i32
      %add3A_716 = arith.constant 6144 : i32
      %add3A_717 = arith.addi %mul3A_715, %add3A_716 : i32
      %dma_wait3A_718 = arith.constant 6144 : i32
      %dma_wait3A_719 = tpu.memref_slice %arg4[%dma_wait3A_718] : memref<125008xf32, #tpu.memory_space<vmem>> -> memref<2048xf32, #tpu.memory_space<vmem>>
      %dma_wait3A_720 = tpu.memref_slice %arg3[%add3A_717] : memref<2000000xf32, #tpu.memory_space<hbm>> -> memref<2048xf32, #tpu.memory_space<hbm>>
      %dma_wait3A_721 = tpu.memref_slice %arg3[%add3A_717] : memref<2000000xf32, #tpu.memory_space<hbm>> -> memref<2048xf32, #tpu.memory_space<hbm>>
      %dma_wait3A_722 = arith.constant 6144 : i32
      %dma_wait3A_723 = tpu.memref_slice %arg4[%dma_wait3A_722] : memref<125008xf32, #tpu.memory_space<vmem>> -> memref<2048xf32, #tpu.memory_space<vmem>>
      tpu.wait_dma2 semaphore(%arg8 : memref<!tpu.dma_semaphore, #tpu.memory_space<semaphore_mem>>) src(%dma_wait3A_723 : memref<2048xf32, #tpu.memory_space<vmem>>) dst(%dma_wait3A_721 : memref<2048xf32, #tpu.memory_space<hbm>>)
      %mul3A_724 = arith.constant 125000 : i32
      %mul3A_725 = arith.muli %add3A, %mul3A_724 : i32
      %add3A_726 = arith.constant 8192 : i32
      %add3A_727 = arith.addi %mul3A_725, %add3A_726 : i32
      %dma_wait3A_728 = arith.constant 8192 : i32
      %dma_wait3A_729 = tpu.memref_slice %arg4[%dma_wait3A_728] : memref<125008xf32, #tpu.memory_space<vmem>> -> memref<2048xf32, #tpu.memory_space<vmem>>
      %dma_wait3A_730 = tpu.memref_slice %arg3[%add3A_727] : memref<2000000xf32, #tpu.memory_space<hbm>> -> memref<2048xf32, #tpu.memory_space<hbm>>
      %dma_wait3A_731 = tpu.memref_slice %arg3[%add3A_727] : memref<2000000xf32, #tpu.memory_space<hbm>> -> memref<2048xf32, #tpu.memory_space<hbm>>
      %dma_wait3A_732 = arith.constant 8192 : i32
      %dma_wait3A_733 = tpu.memref_slice %arg4[%dma_wait3A_732] : memref<125008xf32, #tpu.memory_space<vmem>> -> memref<2048xf32, #tpu.memory_space<vmem>>
      tpu.wait_dma2 semaphore(%arg8 : memref<!tpu.dma_semaphore, #tpu.memory_space<semaphore_mem>>) src(%dma_wait3A_733 : memref<2048xf32, #tpu.memory_space<vmem>>) dst(%dma_wait3A_731 : memref<2048xf32, #tpu.memory_space<hbm>>)
      %mul3A_734 = arith.constant 125000 : i32
      %mul3A_735 = arith.muli %add3A, %mul3A_734 : i32
      %add3A_736 = arith.constant 10240 : i32
      %add3A_737 = arith.addi %mul3A_735, %add3A_736 : i32
      %dma_wait3A_738 = arith.constant 10240 : i32
      %dma_wait3A_739 = tpu.memref_slice %arg4[%dma_wait3A_738] : memref<125008xf32, #tpu.memory_space<vmem>> -> memref<2048xf32, #tpu.memory_space<vmem>>
      %dma_wait3A_740 = tpu.memref_slice %arg3[%add3A_737] : memref<2000000xf32, #tpu.memory_space<hbm>> -> memref<2048xf32, #tpu.memory_space<hbm>>
      %dma_wait3A_741 = tpu.memref_slice %arg3[%add3A_737] : memref<2000000xf32, #tpu.memory_space<hbm>> -> memref<2048xf32, #tpu.memory_space<hbm>>
      %dma_wait3A_742 = arith.constant 10240 : i32
      %dma_wait3A_743 = tpu.memref_slice %arg4[%dma_wait3A_742] : memref<125008xf32, #tpu.memory_space<vmem>> -> memref<2048xf32, #tpu.memory_space<vmem>>
      tpu.wait_dma2 semaphore(%arg8 : memref<!tpu.dma_semaphore, #tpu.memory_space<semaphore_mem>>) src(%dma_wait3A_743 : memref<2048xf32, #tpu.memory_space<vmem>>) dst(%dma_wait3A_741 : memref<2048xf32, #tpu.memory_space<hbm>>)
      %mul3A_744 = arith.constant 125000 : i32
      %mul3A_745 = arith.muli %add3A, %mul3A_744 : i32
      %add3A_746 = arith.constant 12288 : i32
      %add3A_747 = arith.addi %mul3A_745, %add3A_746 : i32
      %dma_wait3A_748 = arith.constant 12288 : i32
      %dma_wait3A_749 = tpu.memref_slice %arg4[%dma_wait3A_748] : memref<125008xf32, #tpu.memory_space<vmem>> -> memref<2048xf32, #tpu.memory_space<vmem>>
      %dma_wait3A_750 = tpu.memref_slice %arg3[%add3A_747] : memref<2000000xf32, #tpu.memory_space<hbm>> -> memref<2048xf32, #tpu.memory_space<hbm>>
      %dma_wait3A_751 = tpu.memref_slice %arg3[%add3A_747] : memref<2000000xf32, #tpu.memory_space<hbm>> -> memref<2048xf32, #tpu.memory_space<hbm>>
      %dma_wait3A_752 = arith.constant 12288 : i32
      %dma_wait3A_753 = tpu.memref_slice %arg4[%dma_wait3A_752] : memref<125008xf32, #tpu.memory_space<vmem>> -> memref<2048xf32, #tpu.memory_space<vmem>>
      tpu.wait_dma2 semaphore(%arg8 : memref<!tpu.dma_semaphore, #tpu.memory_space<semaphore_mem>>) src(%dma_wait3A_753 : memref<2048xf32, #tpu.memory_space<vmem>>) dst(%dma_wait3A_751 : memref<2048xf32, #tpu.memory_space<hbm>>)
      %mul3A_754 = arith.constant 125000 : i32
      %mul3A_755 = arith.muli %add3A, %mul3A_754 : i32
      %add3A_756 = arith.constant 14336 : i32
      %add3A_757 = arith.addi %mul3A_755, %add3A_756 : i32
      %dma_wait3A_758 = arith.constant 14336 : i32
      %dma_wait3A_759 = tpu.memref_slice %arg4[%dma_wait3A_758] : memref<125008xf32, #tpu.memory_space<vmem>> -> memref<2048xf32, #tpu.memory_space<vmem>>
      %dma_wait3A_760 = tpu.memref_slice %arg3[%add3A_757] : memref<2000000xf32, #tpu.memory_space<hbm>> -> memref<2048xf32, #tpu.memory_space<hbm>>
      %dma_wait3A_761 = tpu.memref_slice %arg3[%add3A_757] : memref<2000000xf32, #tpu.memory_space<hbm>> -> memref<2048xf32, #tpu.memory_space<hbm>>
      %dma_wait3A_762 = arith.constant 14336 : i32
      %dma_wait3A_763 = tpu.memref_slice %arg4[%dma_wait3A_762] : memref<125008xf32, #tpu.memory_space<vmem>> -> memref<2048xf32, #tpu.memory_space<vmem>>
      tpu.wait_dma2 semaphore(%arg8 : memref<!tpu.dma_semaphore, #tpu.memory_space<semaphore_mem>>) src(%dma_wait3A_763 : memref<2048xf32, #tpu.memory_space<vmem>>) dst(%dma_wait3A_761 : memref<2048xf32, #tpu.memory_space<hbm>>)
      %mul3A_764 = arith.constant 125000 : i32
      %mul3A_765 = arith.muli %add3A, %mul3A_764 : i32
      %add3A_766 = arith.constant 16384 : i32
      %add3A_767 = arith.addi %mul3A_765, %add3A_766 : i32
      %dma_wait3A_768 = arith.constant 16384 : i32
      %dma_wait3A_769 = tpu.memref_slice %arg4[%dma_wait3A_768] : memref<125008xf32, #tpu.memory_space<vmem>> -> memref<2048xf32, #tpu.memory_space<vmem>>
      %dma_wait3A_770 = tpu.memref_slice %arg3[%add3A_767] : memref<2000000xf32, #tpu.memory_space<hbm>> -> memref<2048xf32, #tpu.memory_space<hbm>>
      %dma_wait3A_771 = tpu.memref_slice %arg3[%add3A_767] : memref<2000000xf32, #tpu.memory_space<hbm>> -> memref<2048xf32, #tpu.memory_space<hbm>>
      %dma_wait3A_772 = arith.constant 16384 : i32
      %dma_wait3A_773 = tpu.memref_slice %arg4[%dma_wait3A_772] : memref<125008xf32, #tpu.memory_space<vmem>> -> memref<2048xf32, #tpu.memory_space<vmem>>
      tpu.wait_dma2 semaphore(%arg8 : memref<!tpu.dma_semaphore, #tpu.memory_space<semaphore_mem>>) src(%dma_wait3A_773 : memref<2048xf32, #tpu.memory_space<vmem>>) dst(%dma_wait3A_771 : memref<2048xf32, #tpu.memory_space<hbm>>)
      %mul3A_774 = arith.constant 125000 : i32
      %mul3A_775 = arith.muli %add3A, %mul3A_774 : i32
      %add3A_776 = arith.constant 18432 : i32
      %add3A_777 = arith.addi %mul3A_775, %add3A_776 : i32
      %dma_wait3A_778 = arith.constant 18432 : i32
      %dma_wait3A_779 = tpu.memref_slice %arg4[%dma_wait3A_778] : memref<125008xf32, #tpu.memory_space<vmem>> -> memref<2048xf32, #tpu.memory_space<vmem>>
      %dma_wait3A_780 = tpu.memref_slice %arg3[%add3A_777] : memref<2000000xf32, #tpu.memory_space<hbm>> -> memref<2048xf32, #tpu.memory_space<hbm>>
      %dma_wait3A_781 = tpu.memref_slice %arg3[%add3A_777] : memref<2000000xf32, #tpu.memory_space<hbm>> -> memref<2048xf32, #tpu.memory_space<hbm>>
      %dma_wait3A_782 = arith.constant 18432 : i32
      %dma_wait3A_783 = tpu.memref_slice %arg4[%dma_wait3A_782] : memref<125008xf32, #tpu.memory_space<vmem>> -> memref<2048xf32, #tpu.memory_space<vmem>>
      tpu.wait_dma2 semaphore(%arg8 : memref<!tpu.dma_semaphore, #tpu.memory_space<semaphore_mem>>) src(%dma_wait3A_783 : memref<2048xf32, #tpu.memory_space<vmem>>) dst(%dma_wait3A_781 : memref<2048xf32, #tpu.memory_space<hbm>>)
      %mul3A_784 = arith.constant 125000 : i32
      %mul3A_785 = arith.muli %add3A, %mul3A_784 : i32
      %add3A_786 = arith.constant 20480 : i32
      %add3A_787 = arith.addi %mul3A_785, %add3A_786 : i32
      %dma_wait3A_788 = arith.constant 20480 : i32
      %dma_wait3A_789 = tpu.memref_slice %arg4[%dma_wait3A_788] : memref<125008xf32, #tpu.memory_space<vmem>> -> memref<2048xf32, #tpu.memory_space<vmem>>
      %dma_wait3A_790 = tpu.memref_slice %arg3[%add3A_787] : memref<2000000xf32, #tpu.memory_space<hbm>> -> memref<2048xf32, #tpu.memory_space<hbm>>
      %dma_wait3A_791 = tpu.memref_slice %arg3[%add3A_787] : memref<2000000xf32, #tpu.memory_space<hbm>> -> memref<2048xf32, #tpu.memory_space<hbm>>
      %dma_wait3A_792 = arith.constant 20480 : i32
      %dma_wait3A_793 = tpu.memref_slice %arg4[%dma_wait3A_792] : memref<125008xf32, #tpu.memory_space<vmem>> -> memref<2048xf32, #tpu.memory_space<vmem>>
      tpu.wait_dma2 semaphore(%arg8 : memref<!tpu.dma_semaphore, #tpu.memory_space<semaphore_mem>>) src(%dma_wait3A_793 : memref<2048xf32, #tpu.memory_space<vmem>>) dst(%dma_wait3A_791 : memref<2048xf32, #tpu.memory_space<hbm>>)
      %mul3A_794 = arith.constant 125000 : i32
      %mul3A_795 = arith.muli %add3A, %mul3A_794 : i32
      %add3A_796 = arith.constant 22528 : i32
      %add3A_797 = arith.addi %mul3A_795, %add3A_796 : i32
      %dma_wait3A_798 = arith.constant 22528 : i32
      %dma_wait3A_799 = tpu.memref_slice %arg4[%dma_wait3A_798] : memref<125008xf32, #tpu.memory_space<vmem>> -> memref<2048xf32, #tpu.memory_space<vmem>>
      %dma_wait3A_800 = tpu.memref_slice %arg3[%add3A_797] : memref<2000000xf32, #tpu.memory_space<hbm>> -> memref<2048xf32, #tpu.memory_space<hbm>>
      %dma_wait3A_801 = tpu.memref_slice %arg3[%add3A_797] : memref<2000000xf32, #tpu.memory_space<hbm>> -> memref<2048xf32, #tpu.memory_space<hbm>>
      %dma_wait3A_802 = arith.constant 22528 : i32
      %dma_wait3A_803 = tpu.memref_slice %arg4[%dma_wait3A_802] : memref<125008xf32, #tpu.memory_space<vmem>> -> memref<2048xf32, #tpu.memory_space<vmem>>
      tpu.wait_dma2 semaphore(%arg8 : memref<!tpu.dma_semaphore, #tpu.memory_space<semaphore_mem>>) src(%dma_wait3A_803 : memref<2048xf32, #tpu.memory_space<vmem>>) dst(%dma_wait3A_801 : memref<2048xf32, #tpu.memory_space<hbm>>)
      %mul3A_804 = arith.constant 125000 : i32
      %mul3A_805 = arith.muli %add3A, %mul3A_804 : i32
      %add3A_806 = arith.constant 24576 : i32
      %add3A_807 = arith.addi %mul3A_805, %add3A_806 : i32
      %dma_wait3A_808 = arith.constant 24576 : i32
      %dma_wait3A_809 = tpu.memref_slice %arg4[%dma_wait3A_808] : memref<125008xf32, #tpu.memory_space<vmem>> -> memref<2048xf32, #tpu.memory_space<vmem>>
      %dma_wait3A_810 = tpu.memref_slice %arg3[%add3A_807] : memref<2000000xf32, #tpu.memory_space<hbm>> -> memref<2048xf32, #tpu.memory_space<hbm>>
      %dma_wait3A_811 = tpu.memref_slice %arg3[%add3A_807] : memref<2000000xf32, #tpu.memory_space<hbm>> -> memref<2048xf32, #tpu.memory_space<hbm>>
      %dma_wait3A_812 = arith.constant 24576 : i32
      %dma_wait3A_813 = tpu.memref_slice %arg4[%dma_wait3A_812] : memref<125008xf32, #tpu.memory_space<vmem>> -> memref<2048xf32, #tpu.memory_space<vmem>>
      tpu.wait_dma2 semaphore(%arg8 : memref<!tpu.dma_semaphore, #tpu.memory_space<semaphore_mem>>) src(%dma_wait3A_813 : memref<2048xf32, #tpu.memory_space<vmem>>) dst(%dma_wait3A_811 : memref<2048xf32, #tpu.memory_space<hbm>>)
      %mul3A_814 = arith.constant 125000 : i32
      %mul3A_815 = arith.muli %add3A, %mul3A_814 : i32
      %add3A_816 = arith.constant 26624 : i32
      %add3A_817 = arith.addi %mul3A_815, %add3A_816 : i32
      %dma_wait3A_818 = arith.constant 26624 : i32
      %dma_wait3A_819 = tpu.memref_slice %arg4[%dma_wait3A_818] : memref<125008xf32, #tpu.memory_space<vmem>> -> memref<2048xf32, #tpu.memory_space<vmem>>
      %dma_wait3A_820 = tpu.memref_slice %arg3[%add3A_817] : memref<2000000xf32, #tpu.memory_space<hbm>> -> memref<2048xf32, #tpu.memory_space<hbm>>
      %dma_wait3A_821 = tpu.memref_slice %arg3[%add3A_817] : memref<2000000xf32, #tpu.memory_space<hbm>> -> memref<2048xf32, #tpu.memory_space<hbm>>
      %dma_wait3A_822 = arith.constant 26624 : i32
      %dma_wait3A_823 = tpu.memref_slice %arg4[%dma_wait3A_822] : memref<125008xf32, #tpu.memory_space<vmem>> -> memref<2048xf32, #tpu.memory_space<vmem>>
      tpu.wait_dma2 semaphore(%arg8 : memref<!tpu.dma_semaphore, #tpu.memory_space<semaphore_mem>>) src(%dma_wait3A_823 : memref<2048xf32, #tpu.memory_space<vmem>>) dst(%dma_wait3A_821 : memref<2048xf32, #tpu.memory_space<hbm>>)
      %mul3A_824 = arith.constant 125000 : i32
      %mul3A_825 = arith.muli %add3A, %mul3A_824 : i32
      %add3A_826 = arith.constant 28672 : i32
      %add3A_827 = arith.addi %mul3A_825, %add3A_826 : i32
      %dma_wait3A_828 = arith.constant 28672 : i32
      %dma_wait3A_829 = tpu.memref_slice %arg4[%dma_wait3A_828] : memref<125008xf32, #tpu.memory_space<vmem>> -> memref<2048xf32, #tpu.memory_space<vmem>>
      %dma_wait3A_830 = tpu.memref_slice %arg3[%add3A_827] : memref<2000000xf32, #tpu.memory_space<hbm>> -> memref<2048xf32, #tpu.memory_space<hbm>>
      %dma_wait3A_831 = tpu.memref_slice %arg3[%add3A_827] : memref<2000000xf32, #tpu.memory_space<hbm>> -> memref<2048xf32, #tpu.memory_space<hbm>>
      %dma_wait3A_832 = arith.constant 28672 : i32
      %dma_wait3A_833 = tpu.memref_slice %arg4[%dma_wait3A_832] : memref<125008xf32, #tpu.memory_space<vmem>> -> memref<2048xf32, #tpu.memory_space<vmem>>
      tpu.wait_dma2 semaphore(%arg8 : memref<!tpu.dma_semaphore, #tpu.memory_space<semaphore_mem>>) src(%dma_wait3A_833 : memref<2048xf32, #tpu.memory_space<vmem>>) dst(%dma_wait3A_831 : memref<2048xf32, #tpu.memory_space<hbm>>)
      %mul3A_834 = arith.constant 125000 : i32
      %mul3A_835 = arith.muli %add3A, %mul3A_834 : i32
      %add3A_836 = arith.constant 30720 : i32
      %add3A_837 = arith.addi %mul3A_835, %add3A_836 : i32
      %dma_wait3A_838 = arith.constant 30720 : i32
      %dma_wait3A_839 = tpu.memref_slice %arg4[%dma_wait3A_838] : memref<125008xf32, #tpu.memory_space<vmem>> -> memref<2048xf32, #tpu.memory_space<vmem>>
      %dma_wait3A_840 = tpu.memref_slice %arg3[%add3A_837] : memref<2000000xf32, #tpu.memory_space<hbm>> -> memref<2048xf32, #tpu.memory_space<hbm>>
      %dma_wait3A_841 = tpu.memref_slice %arg3[%add3A_837] : memref<2000000xf32, #tpu.memory_space<hbm>> -> memref<2048xf32, #tpu.memory_space<hbm>>
      %dma_wait3A_842 = arith.constant 30720 : i32
      %dma_wait3A_843 = tpu.memref_slice %arg4[%dma_wait3A_842] : memref<125008xf32, #tpu.memory_space<vmem>> -> memref<2048xf32, #tpu.memory_space<vmem>>
      tpu.wait_dma2 semaphore(%arg8 : memref<!tpu.dma_semaphore, #tpu.memory_space<semaphore_mem>>) src(%dma_wait3A_843 : memref<2048xf32, #tpu.memory_space<vmem>>) dst(%dma_wait3A_841 : memref<2048xf32, #tpu.memory_space<hbm>>)
      %mul3A_844 = arith.constant 125000 : i32
      %mul3A_845 = arith.muli %add3A, %mul3A_844 : i32
      %add3A_846 = arith.constant 32768 : i32
      %add3A_847 = arith.addi %mul3A_845, %add3A_846 : i32
      %dma_wait3A_848 = arith.constant 32768 : i32
      %dma_wait3A_849 = tpu.memref_slice %arg4[%dma_wait3A_848] : memref<125008xf32, #tpu.memory_space<vmem>> -> memref<2048xf32, #tpu.memory_space<vmem>>
      %dma_wait3A_850 = tpu.memref_slice %arg3[%add3A_847] : memref<2000000xf32, #tpu.memory_space<hbm>> -> memref<2048xf32, #tpu.memory_space<hbm>>
      %dma_wait3A_851 = tpu.memref_slice %arg3[%add3A_847] : memref<2000000xf32, #tpu.memory_space<hbm>> -> memref<2048xf32, #tpu.memory_space<hbm>>
      %dma_wait3A_852 = arith.constant 32768 : i32
      %dma_wait3A_853 = tpu.memref_slice %arg4[%dma_wait3A_852] : memref<125008xf32, #tpu.memory_space<vmem>> -> memref<2048xf32, #tpu.memory_space<vmem>>
      tpu.wait_dma2 semaphore(%arg8 : memref<!tpu.dma_semaphore, #tpu.memory_space<semaphore_mem>>) src(%dma_wait3A_853 : memref<2048xf32, #tpu.memory_space<vmem>>) dst(%dma_wait3A_851 : memref<2048xf32, #tpu.memory_space<hbm>>)
      %mul3A_854 = arith.constant 125000 : i32
      %mul3A_855 = arith.muli %add3A, %mul3A_854 : i32
      %add3A_856 = arith.constant 34816 : i32
      %add3A_857 = arith.addi %mul3A_855, %add3A_856 : i32
      %dma_wait3A_858 = arith.constant 34816 : i32
      %dma_wait3A_859 = tpu.memref_slice %arg4[%dma_wait3A_858] : memref<125008xf32, #tpu.memory_space<vmem>> -> memref<2048xf32, #tpu.memory_space<vmem>>
      %dma_wait3A_860 = tpu.memref_slice %arg3[%add3A_857] : memref<2000000xf32, #tpu.memory_space<hbm>> -> memref<2048xf32, #tpu.memory_space<hbm>>
      %dma_wait3A_861 = tpu.memref_slice %arg3[%add3A_857] : memref<2000000xf32, #tpu.memory_space<hbm>> -> memref<2048xf32, #tpu.memory_space<hbm>>
      %dma_wait3A_862 = arith.constant 34816 : i32
      %dma_wait3A_863 = tpu.memref_slice %arg4[%dma_wait3A_862] : memref<125008xf32, #tpu.memory_space<vmem>> -> memref<2048xf32, #tpu.memory_space<vmem>>
      tpu.wait_dma2 semaphore(%arg8 : memref<!tpu.dma_semaphore, #tpu.memory_space<semaphore_mem>>) src(%dma_wait3A_863 : memref<2048xf32, #tpu.memory_space<vmem>>) dst(%dma_wait3A_861 : memref<2048xf32, #tpu.memory_space<hbm>>)
      %mul3A_864 = arith.constant 125000 : i32
      %mul3A_865 = arith.muli %add3A, %mul3A_864 : i32
      %add3A_866 = arith.constant 36864 : i32
      %add3A_867 = arith.addi %mul3A_865, %add3A_866 : i32
      %dma_wait3A_868 = arith.constant 36864 : i32
      %dma_wait3A_869 = tpu.memref_slice %arg4[%dma_wait3A_868] : memref<125008xf32, #tpu.memory_space<vmem>> -> memref<2048xf32, #tpu.memory_space<vmem>>
      %dma_wait3A_870 = tpu.memref_slice %arg3[%add3A_867] : memref<2000000xf32, #tpu.memory_space<hbm>> -> memref<2048xf32, #tpu.memory_space<hbm>>
      %dma_wait3A_871 = tpu.memref_slice %arg3[%add3A_867] : memref<2000000xf32, #tpu.memory_space<hbm>> -> memref<2048xf32, #tpu.memory_space<hbm>>
      %dma_wait3A_872 = arith.constant 36864 : i32
      %dma_wait3A_873 = tpu.memref_slice %arg4[%dma_wait3A_872] : memref<125008xf32, #tpu.memory_space<vmem>> -> memref<2048xf32, #tpu.memory_space<vmem>>
      tpu.wait_dma2 semaphore(%arg8 : memref<!tpu.dma_semaphore, #tpu.memory_space<semaphore_mem>>) src(%dma_wait3A_873 : memref<2048xf32, #tpu.memory_space<vmem>>) dst(%dma_wait3A_871 : memref<2048xf32, #tpu.memory_space<hbm>>)
      %mul3A_874 = arith.constant 125000 : i32
      %mul3A_875 = arith.muli %add3A, %mul3A_874 : i32
      %add3A_876 = arith.constant 38912 : i32
      %add3A_877 = arith.addi %mul3A_875, %add3A_876 : i32
      %dma_wait3A_878 = arith.constant 38912 : i32
      %dma_wait3A_879 = tpu.memref_slice %arg4[%dma_wait3A_878] : memref<125008xf32, #tpu.memory_space<vmem>> -> memref<2048xf32, #tpu.memory_space<vmem>>
      %dma_wait3A_880 = tpu.memref_slice %arg3[%add3A_877] : memref<2000000xf32, #tpu.memory_space<hbm>> -> memref<2048xf32, #tpu.memory_space<hbm>>
      %dma_wait3A_881 = tpu.memref_slice %arg3[%add3A_877] : memref<2000000xf32, #tpu.memory_space<hbm>> -> memref<2048xf32, #tpu.memory_space<hbm>>
      %dma_wait3A_882 = arith.constant 38912 : i32
      %dma_wait3A_883 = tpu.memref_slice %arg4[%dma_wait3A_882] : memref<125008xf32, #tpu.memory_space<vmem>> -> memref<2048xf32, #tpu.memory_space<vmem>>
      tpu.wait_dma2 semaphore(%arg8 : memref<!tpu.dma_semaphore, #tpu.memory_space<semaphore_mem>>) src(%dma_wait3A_883 : memref<2048xf32, #tpu.memory_space<vmem>>) dst(%dma_wait3A_881 : memref<2048xf32, #tpu.memory_space<hbm>>)
      %mul3A_884 = arith.constant 125000 : i32
      %mul3A_885 = arith.muli %add3A, %mul3A_884 : i32
      %add3A_886 = arith.constant 40960 : i32
      %add3A_887 = arith.addi %mul3A_885, %add3A_886 : i32
      %dma_wait3A_888 = arith.constant 40960 : i32
      %dma_wait3A_889 = tpu.memref_slice %arg4[%dma_wait3A_888] : memref<125008xf32, #tpu.memory_space<vmem>> -> memref<2048xf32, #tpu.memory_space<vmem>>
      %dma_wait3A_890 = tpu.memref_slice %arg3[%add3A_887] : memref<2000000xf32, #tpu.memory_space<hbm>> -> memref<2048xf32, #tpu.memory_space<hbm>>
      %dma_wait3A_891 = tpu.memref_slice %arg3[%add3A_887] : memref<2000000xf32, #tpu.memory_space<hbm>> -> memref<2048xf32, #tpu.memory_space<hbm>>
      %dma_wait3A_892 = arith.constant 40960 : i32
      %dma_wait3A_893 = tpu.memref_slice %arg4[%dma_wait3A_892] : memref<125008xf32, #tpu.memory_space<vmem>> -> memref<2048xf32, #tpu.memory_space<vmem>>
      tpu.wait_dma2 semaphore(%arg8 : memref<!tpu.dma_semaphore, #tpu.memory_space<semaphore_mem>>) src(%dma_wait3A_893 : memref<2048xf32, #tpu.memory_space<vmem>>) dst(%dma_wait3A_891 : memref<2048xf32, #tpu.memory_space<hbm>>)
      %mul3A_894 = arith.constant 125000 : i32
      %mul3A_895 = arith.muli %add3A, %mul3A_894 : i32
      %add3A_896 = arith.constant 43008 : i32
      %add3A_897 = arith.addi %mul3A_895, %add3A_896 : i32
      %dma_wait3A_898 = arith.constant 43008 : i32
      %dma_wait3A_899 = tpu.memref_slice %arg4[%dma_wait3A_898] : memref<125008xf32, #tpu.memory_space<vmem>> -> memref<2048xf32, #tpu.memory_space<vmem>>
      %dma_wait3A_900 = tpu.memref_slice %arg3[%add3A_897] : memref<2000000xf32, #tpu.memory_space<hbm>> -> memref<2048xf32, #tpu.memory_space<hbm>>
      %dma_wait3A_901 = tpu.memref_slice %arg3[%add3A_897] : memref<2000000xf32, #tpu.memory_space<hbm>> -> memref<2048xf32, #tpu.memory_space<hbm>>
      %dma_wait3A_902 = arith.constant 43008 : i32
      %dma_wait3A_903 = tpu.memref_slice %arg4[%dma_wait3A_902] : memref<125008xf32, #tpu.memory_space<vmem>> -> memref<2048xf32, #tpu.memory_space<vmem>>
      tpu.wait_dma2 semaphore(%arg8 : memref<!tpu.dma_semaphore, #tpu.memory_space<semaphore_mem>>) src(%dma_wait3A_903 : memref<2048xf32, #tpu.memory_space<vmem>>) dst(%dma_wait3A_901 : memref<2048xf32, #tpu.memory_space<hbm>>)
      %mul3A_904 = arith.constant 125000 : i32
      %mul3A_905 = arith.muli %add3A, %mul3A_904 : i32
      %add3A_906 = arith.constant 45056 : i32
      %add3A_907 = arith.addi %mul3A_905, %add3A_906 : i32
      %dma_wait3A_908 = arith.constant 45056 : i32
      %dma_wait3A_909 = tpu.memref_slice %arg4[%dma_wait3A_908] : memref<125008xf32, #tpu.memory_space<vmem>> -> memref<2048xf32, #tpu.memory_space<vmem>>
      %dma_wait3A_910 = tpu.memref_slice %arg3[%add3A_907] : memref<2000000xf32, #tpu.memory_space<hbm>> -> memref<2048xf32, #tpu.memory_space<hbm>>
      %dma_wait3A_911 = tpu.memref_slice %arg3[%add3A_907] : memref<2000000xf32, #tpu.memory_space<hbm>> -> memref<2048xf32, #tpu.memory_space<hbm>>
      %dma_wait3A_912 = arith.constant 45056 : i32
      %dma_wait3A_913 = tpu.memref_slice %arg4[%dma_wait3A_912] : memref<125008xf32, #tpu.memory_space<vmem>> -> memref<2048xf32, #tpu.memory_space<vmem>>
      tpu.wait_dma2 semaphore(%arg8 : memref<!tpu.dma_semaphore, #tpu.memory_space<semaphore_mem>>) src(%dma_wait3A_913 : memref<2048xf32, #tpu.memory_space<vmem>>) dst(%dma_wait3A_911 : memref<2048xf32, #tpu.memory_space<hbm>>)
      %mul3A_914 = arith.constant 125000 : i32
      %mul3A_915 = arith.muli %add3A, %mul3A_914 : i32
      %add3A_916 = arith.constant 47104 : i32
      %add3A_917 = arith.addi %mul3A_915, %add3A_916 : i32
      %dma_wait3A_918 = arith.constant 47104 : i32
      %dma_wait3A_919 = tpu.memref_slice %arg4[%dma_wait3A_918] : memref<125008xf32, #tpu.memory_space<vmem>> -> memref<2048xf32, #tpu.memory_space<vmem>>
      %dma_wait3A_920 = tpu.memref_slice %arg3[%add3A_917] : memref<2000000xf32, #tpu.memory_space<hbm>> -> memref<2048xf32, #tpu.memory_space<hbm>>
      %dma_wait3A_921 = tpu.memref_slice %arg3[%add3A_917] : memref<2000000xf32, #tpu.memory_space<hbm>> -> memref<2048xf32, #tpu.memory_space<hbm>>
      %dma_wait3A_922 = arith.constant 47104 : i32
      %dma_wait3A_923 = tpu.memref_slice %arg4[%dma_wait3A_922] : memref<125008xf32, #tpu.memory_space<vmem>> -> memref<2048xf32, #tpu.memory_space<vmem>>
      tpu.wait_dma2 semaphore(%arg8 : memref<!tpu.dma_semaphore, #tpu.memory_space<semaphore_mem>>) src(%dma_wait3A_923 : memref<2048xf32, #tpu.memory_space<vmem>>) dst(%dma_wait3A_921 : memref<2048xf32, #tpu.memory_space<hbm>>)
      %mul3A_924 = arith.constant 125000 : i32
      %mul3A_925 = arith.muli %add3A, %mul3A_924 : i32
      %add3A_926 = arith.constant 49152 : i32
      %add3A_927 = arith.addi %mul3A_925, %add3A_926 : i32
      %dma_wait3A_928 = arith.constant 49152 : i32
      %dma_wait3A_929 = tpu.memref_slice %arg4[%dma_wait3A_928] : memref<125008xf32, #tpu.memory_space<vmem>> -> memref<2048xf32, #tpu.memory_space<vmem>>
      %dma_wait3A_930 = tpu.memref_slice %arg3[%add3A_927] : memref<2000000xf32, #tpu.memory_space<hbm>> -> memref<2048xf32, #tpu.memory_space<hbm>>
      %dma_wait3A_931 = tpu.memref_slice %arg3[%add3A_927] : memref<2000000xf32, #tpu.memory_space<hbm>> -> memref<2048xf32, #tpu.memory_space<hbm>>
      %dma_wait3A_932 = arith.constant 49152 : i32
      %dma_wait3A_933 = tpu.memref_slice %arg4[%dma_wait3A_932] : memref<125008xf32, #tpu.memory_space<vmem>> -> memref<2048xf32, #tpu.memory_space<vmem>>
      tpu.wait_dma2 semaphore(%arg8 : memref<!tpu.dma_semaphore, #tpu.memory_space<semaphore_mem>>) src(%dma_wait3A_933 : memref<2048xf32, #tpu.memory_space<vmem>>) dst(%dma_wait3A_931 : memref<2048xf32, #tpu.memory_space<hbm>>)
      %mul3A_934 = arith.constant 125000 : i32
      %mul3A_935 = arith.muli %add3A, %mul3A_934 : i32
      %add3A_936 = arith.constant 51200 : i32
      %add3A_937 = arith.addi %mul3A_935, %add3A_936 : i32
      %dma_wait3A_938 = arith.constant 51200 : i32
      %dma_wait3A_939 = tpu.memref_slice %arg4[%dma_wait3A_938] : memref<125008xf32, #tpu.memory_space<vmem>> -> memref<2048xf32, #tpu.memory_space<vmem>>
      %dma_wait3A_940 = tpu.memref_slice %arg3[%add3A_937] : memref<2000000xf32, #tpu.memory_space<hbm>> -> memref<2048xf32, #tpu.memory_space<hbm>>
      %dma_wait3A_941 = tpu.memref_slice %arg3[%add3A_937] : memref<2000000xf32, #tpu.memory_space<hbm>> -> memref<2048xf32, #tpu.memory_space<hbm>>
      %dma_wait3A_942 = arith.constant 51200 : i32
      %dma_wait3A_943 = tpu.memref_slice %arg4[%dma_wait3A_942] : memref<125008xf32, #tpu.memory_space<vmem>> -> memref<2048xf32, #tpu.memory_space<vmem>>
      tpu.wait_dma2 semaphore(%arg8 : memref<!tpu.dma_semaphore, #tpu.memory_space<semaphore_mem>>) src(%dma_wait3A_943 : memref<2048xf32, #tpu.memory_space<vmem>>) dst(%dma_wait3A_941 : memref<2048xf32, #tpu.memory_space<hbm>>)
      %mul3A_944 = arith.constant 125000 : i32
      %mul3A_945 = arith.muli %add3A, %mul3A_944 : i32
      %add3A_946 = arith.constant 53248 : i32
      %add3A_947 = arith.addi %mul3A_945, %add3A_946 : i32
      %dma_wait3A_948 = arith.constant 53248 : i32
      %dma_wait3A_949 = tpu.memref_slice %arg4[%dma_wait3A_948] : memref<125008xf32, #tpu.memory_space<vmem>> -> memref<2048xf32, #tpu.memory_space<vmem>>
      %dma_wait3A_950 = tpu.memref_slice %arg3[%add3A_947] : memref<2000000xf32, #tpu.memory_space<hbm>> -> memref<2048xf32, #tpu.memory_space<hbm>>
      %dma_wait3A_951 = tpu.memref_slice %arg3[%add3A_947] : memref<2000000xf32, #tpu.memory_space<hbm>> -> memref<2048xf32, #tpu.memory_space<hbm>>
      %dma_wait3A_952 = arith.constant 53248 : i32
      %dma_wait3A_953 = tpu.memref_slice %arg4[%dma_wait3A_952] : memref<125008xf32, #tpu.memory_space<vmem>> -> memref<2048xf32, #tpu.memory_space<vmem>>
      tpu.wait_dma2 semaphore(%arg8 : memref<!tpu.dma_semaphore, #tpu.memory_space<semaphore_mem>>) src(%dma_wait3A_953 : memref<2048xf32, #tpu.memory_space<vmem>>) dst(%dma_wait3A_951 : memref<2048xf32, #tpu.memory_space<hbm>>)
      %mul3A_954 = arith.constant 125000 : i32
      %mul3A_955 = arith.muli %add3A, %mul3A_954 : i32
      %add3A_956 = arith.constant 55296 : i32
      %add3A_957 = arith.addi %mul3A_955, %add3A_956 : i32
      %dma_wait3A_958 = arith.constant 55296 : i32
      %dma_wait3A_959 = tpu.memref_slice %arg4[%dma_wait3A_958] : memref<125008xf32, #tpu.memory_space<vmem>> -> memref<2048xf32, #tpu.memory_space<vmem>>
      %dma_wait3A_960 = tpu.memref_slice %arg3[%add3A_957] : memref<2000000xf32, #tpu.memory_space<hbm>> -> memref<2048xf32, #tpu.memory_space<hbm>>
      %dma_wait3A_961 = tpu.memref_slice %arg3[%add3A_957] : memref<2000000xf32, #tpu.memory_space<hbm>> -> memref<2048xf32, #tpu.memory_space<hbm>>
      %dma_wait3A_962 = arith.constant 55296 : i32
      %dma_wait3A_963 = tpu.memref_slice %arg4[%dma_wait3A_962] : memref<125008xf32, #tpu.memory_space<vmem>> -> memref<2048xf32, #tpu.memory_space<vmem>>
      tpu.wait_dma2 semaphore(%arg8 : memref<!tpu.dma_semaphore, #tpu.memory_space<semaphore_mem>>) src(%dma_wait3A_963 : memref<2048xf32, #tpu.memory_space<vmem>>) dst(%dma_wait3A_961 : memref<2048xf32, #tpu.memory_space<hbm>>)
      %mul3A_964 = arith.constant 125000 : i32
      %mul3A_965 = arith.muli %add3A, %mul3A_964 : i32
      %add3A_966 = arith.constant 57344 : i32
      %add3A_967 = arith.addi %mul3A_965, %add3A_966 : i32
      %dma_wait3A_968 = arith.constant 57344 : i32
      %dma_wait3A_969 = tpu.memref_slice %arg4[%dma_wait3A_968] : memref<125008xf32, #tpu.memory_space<vmem>> -> memref<2048xf32, #tpu.memory_space<vmem>>
      %dma_wait3A_970 = tpu.memref_slice %arg3[%add3A_967] : memref<2000000xf32, #tpu.memory_space<hbm>> -> memref<2048xf32, #tpu.memory_space<hbm>>
      %dma_wait3A_971 = tpu.memref_slice %arg3[%add3A_967] : memref<2000000xf32, #tpu.memory_space<hbm>> -> memref<2048xf32, #tpu.memory_space<hbm>>
      %dma_wait3A_972 = arith.constant 57344 : i32
      %dma_wait3A_973 = tpu.memref_slice %arg4[%dma_wait3A_972] : memref<125008xf32, #tpu.memory_space<vmem>> -> memref<2048xf32, #tpu.memory_space<vmem>>
      tpu.wait_dma2 semaphore(%arg8 : memref<!tpu.dma_semaphore, #tpu.memory_space<semaphore_mem>>) src(%dma_wait3A_973 : memref<2048xf32, #tpu.memory_space<vmem>>) dst(%dma_wait3A_971 : memref<2048xf32, #tpu.memory_space<hbm>>)
      %mul3A_974 = arith.constant 125000 : i32
      %mul3A_975 = arith.muli %add3A, %mul3A_974 : i32
      %add3A_976 = arith.constant 59392 : i32
      %add3A_977 = arith.addi %mul3A_975, %add3A_976 : i32
      %dma_wait3A_978 = arith.constant 59392 : i32
      %dma_wait3A_979 = tpu.memref_slice %arg4[%dma_wait3A_978] : memref<125008xf32, #tpu.memory_space<vmem>> -> memref<2048xf32, #tpu.memory_space<vmem>>
      %dma_wait3A_980 = tpu.memref_slice %arg3[%add3A_977] : memref<2000000xf32, #tpu.memory_space<hbm>> -> memref<2048xf32, #tpu.memory_space<hbm>>
      %dma_wait3A_981 = tpu.memref_slice %arg3[%add3A_977] : memref<2000000xf32, #tpu.memory_space<hbm>> -> memref<2048xf32, #tpu.memory_space<hbm>>
      %dma_wait3A_982 = arith.constant 59392 : i32
      %dma_wait3A_983 = tpu.memref_slice %arg4[%dma_wait3A_982] : memref<125008xf32, #tpu.memory_space<vmem>> -> memref<2048xf32, #tpu.memory_space<vmem>>
      tpu.wait_dma2 semaphore(%arg8 : memref<!tpu.dma_semaphore, #tpu.memory_space<semaphore_mem>>) src(%dma_wait3A_983 : memref<2048xf32, #tpu.memory_space<vmem>>) dst(%dma_wait3A_981 : memref<2048xf32, #tpu.memory_space<hbm>>)
      %mul3A_984 = arith.constant 125000 : i32
      %mul3A_985 = arith.muli %add3A, %mul3A_984 : i32
      %add3A_986 = arith.constant 61440 : i32
      %add3A_987 = arith.addi %mul3A_985, %add3A_986 : i32
      %dma_wait3A_988 = arith.constant 61440 : i32
      %dma_wait3A_989 = tpu.memref_slice %arg4[%dma_wait3A_988] : memref<125008xf32, #tpu.memory_space<vmem>> -> memref<2048xf32, #tpu.memory_space<vmem>>
      %dma_wait3A_990 = tpu.memref_slice %arg3[%add3A_987] : memref<2000000xf32, #tpu.memory_space<hbm>> -> memref<2048xf32, #tpu.memory_space<hbm>>
      %dma_wait3A_991 = tpu.memref_slice %arg3[%add3A_987] : memref<2000000xf32, #tpu.memory_space<hbm>> -> memref<2048xf32, #tpu.memory_space<hbm>>
      %dma_wait3A_992 = arith.constant 61440 : i32
      %dma_wait3A_993 = tpu.memref_slice %arg4[%dma_wait3A_992] : memref<125008xf32, #tpu.memory_space<vmem>> -> memref<2048xf32, #tpu.memory_space<vmem>>
      tpu.wait_dma2 semaphore(%arg8 : memref<!tpu.dma_semaphore, #tpu.memory_space<semaphore_mem>>) src(%dma_wait3A_993 : memref<2048xf32, #tpu.memory_space<vmem>>) dst(%dma_wait3A_991 : memref<2048xf32, #tpu.memory_space<hbm>>)
      %mul3A_994 = arith.constant 125000 : i32
      %mul3A_995 = arith.muli %add3A, %mul3A_994 : i32
      %add3A_996 = arith.constant 63488 : i32
      %add3A_997 = arith.addi %mul3A_995, %add3A_996 : i32
      %dma_wait3A_998 = arith.constant 63488 : i32
      %dma_wait3A_999 = tpu.memref_slice %arg4[%dma_wait3A_998] : memref<125008xf32, #tpu.memory_space<vmem>> -> memref<2048xf32, #tpu.memory_space<vmem>>
      %dma_wait3A_1000 = tpu.memref_slice %arg3[%add3A_997] : memref<2000000xf32, #tpu.memory_space<hbm>> -> memref<2048xf32, #tpu.memory_space<hbm>>
      %dma_wait3A_1001 = tpu.memref_slice %arg3[%add3A_997] : memref<2000000xf32, #tpu.memory_space<hbm>> -> memref<2048xf32, #tpu.memory_space<hbm>>
      %dma_wait3A_1002 = arith.constant 63488 : i32
      %dma_wait3A_1003 = tpu.memref_slice %arg4[%dma_wait3A_1002] : memref<125008xf32, #tpu.memory_space<vmem>> -> memref<2048xf32, #tpu.memory_space<vmem>>
      tpu.wait_dma2 semaphore(%arg8 : memref<!tpu.dma_semaphore, #tpu.memory_space<semaphore_mem>>) src(%dma_wait3A_1003 : memref<2048xf32, #tpu.memory_space<vmem>>) dst(%dma_wait3A_1001 : memref<2048xf32, #tpu.memory_space<hbm>>)
      %mul3A_1004 = arith.constant 125000 : i32
      %mul3A_1005 = arith.muli %add3A, %mul3A_1004 : i32
      %add3A_1006 = arith.constant 65536 : i32
      %add3A_1007 = arith.addi %mul3A_1005, %add3A_1006 : i32
      %dma_wait3A_1008 = arith.constant 65536 : i32
      %dma_wait3A_1009 = tpu.memref_slice %arg4[%dma_wait3A_1008] : memref<125008xf32, #tpu.memory_space<vmem>> -> memref<2048xf32, #tpu.memory_space<vmem>>
      %dma_wait3A_1010 = tpu.memref_slice %arg3[%add3A_1007] : memref<2000000xf32, #tpu.memory_space<hbm>> -> memref<2048xf32, #tpu.memory_space<hbm>>
      %dma_wait3A_1011 = tpu.memref_slice %arg3[%add3A_1007] : memref<2000000xf32, #tpu.memory_space<hbm>> -> memref<2048xf32, #tpu.memory_space<hbm>>
      %dma_wait3A_1012 = arith.constant 65536 : i32
      %dma_wait3A_1013 = tpu.memref_slice %arg4[%dma_wait3A_1012] : memref<125008xf32, #tpu.memory_space<vmem>> -> memref<2048xf32, #tpu.memory_space<vmem>>
      tpu.wait_dma2 semaphore(%arg8 : memref<!tpu.dma_semaphore, #tpu.memory_space<semaphore_mem>>) src(%dma_wait3A_1013 : memref<2048xf32, #tpu.memory_space<vmem>>) dst(%dma_wait3A_1011 : memref<2048xf32, #tpu.memory_space<hbm>>)
      %mul3A_1014 = arith.constant 125000 : i32
      %mul3A_1015 = arith.muli %add3A, %mul3A_1014 : i32
      %add3A_1016 = arith.constant 67584 : i32
      %add3A_1017 = arith.addi %mul3A_1015, %add3A_1016 : i32
      %dma_wait3A_1018 = arith.constant 67584 : i32
      %dma_wait3A_1019 = tpu.memref_slice %arg4[%dma_wait3A_1018] : memref<125008xf32, #tpu.memory_space<vmem>> -> memref<2048xf32, #tpu.memory_space<vmem>>
      %dma_wait3A_1020 = tpu.memref_slice %arg3[%add3A_1017] : memref<2000000xf32, #tpu.memory_space<hbm>> -> memref<2048xf32, #tpu.memory_space<hbm>>
      %dma_wait3A_1021 = tpu.memref_slice %arg3[%add3A_1017] : memref<2000000xf32, #tpu.memory_space<hbm>> -> memref<2048xf32, #tpu.memory_space<hbm>>
      %dma_wait3A_1022 = arith.constant 67584 : i32
      %dma_wait3A_1023 = tpu.memref_slice %arg4[%dma_wait3A_1022] : memref<125008xf32, #tpu.memory_space<vmem>> -> memref<2048xf32, #tpu.memory_space<vmem>>
      tpu.wait_dma2 semaphore(%arg8 : memref<!tpu.dma_semaphore, #tpu.memory_space<semaphore_mem>>) src(%dma_wait3A_1023 : memref<2048xf32, #tpu.memory_space<vmem>>) dst(%dma_wait3A_1021 : memref<2048xf32, #tpu.memory_space<hbm>>)
      %mul3A_1024 = arith.constant 125000 : i32
      %mul3A_1025 = arith.muli %add3A, %mul3A_1024 : i32
      %add3A_1026 = arith.constant 69632 : i32
      %add3A_1027 = arith.addi %mul3A_1025, %add3A_1026 : i32
      %dma_wait3A_1028 = arith.constant 69632 : i32
      %dma_wait3A_1029 = tpu.memref_slice %arg4[%dma_wait3A_1028] : memref<125008xf32, #tpu.memory_space<vmem>> -> memref<2048xf32, #tpu.memory_space<vmem>>
      %dma_wait3A_1030 = tpu.memref_slice %arg3[%add3A_1027] : memref<2000000xf32, #tpu.memory_space<hbm>> -> memref<2048xf32, #tpu.memory_space<hbm>>
      %dma_wait3A_1031 = tpu.memref_slice %arg3[%add3A_1027] : memref<2000000xf32, #tpu.memory_space<hbm>> -> memref<2048xf32, #tpu.memory_space<hbm>>
      %dma_wait3A_1032 = arith.constant 69632 : i32
      %dma_wait3A_1033 = tpu.memref_slice %arg4[%dma_wait3A_1032] : memref<125008xf32, #tpu.memory_space<vmem>> -> memref<2048xf32, #tpu.memory_space<vmem>>
      tpu.wait_dma2 semaphore(%arg8 : memref<!tpu.dma_semaphore, #tpu.memory_space<semaphore_mem>>) src(%dma_wait3A_1033 : memref<2048xf32, #tpu.memory_space<vmem>>) dst(%dma_wait3A_1031 : memref<2048xf32, #tpu.memory_space<hbm>>)
      %mul3A_1034 = arith.constant 125000 : i32
      %mul3A_1035 = arith.muli %add3A, %mul3A_1034 : i32
      %add3A_1036 = arith.constant 71680 : i32
      %add3A_1037 = arith.addi %mul3A_1035, %add3A_1036 : i32
      %dma_wait3A_1038 = arith.constant 71680 : i32
      %dma_wait3A_1039 = tpu.memref_slice %arg4[%dma_wait3A_1038] : memref<125008xf32, #tpu.memory_space<vmem>> -> memref<2048xf32, #tpu.memory_space<vmem>>
      %dma_wait3A_1040 = tpu.memref_slice %arg3[%add3A_1037] : memref<2000000xf32, #tpu.memory_space<hbm>> -> memref<2048xf32, #tpu.memory_space<hbm>>
      %dma_wait3A_1041 = tpu.memref_slice %arg3[%add3A_1037] : memref<2000000xf32, #tpu.memory_space<hbm>> -> memref<2048xf32, #tpu.memory_space<hbm>>
      %dma_wait3A_1042 = arith.constant 71680 : i32
      %dma_wait3A_1043 = tpu.memref_slice %arg4[%dma_wait3A_1042] : memref<125008xf32, #tpu.memory_space<vmem>> -> memref<2048xf32, #tpu.memory_space<vmem>>
      tpu.wait_dma2 semaphore(%arg8 : memref<!tpu.dma_semaphore, #tpu.memory_space<semaphore_mem>>) src(%dma_wait3A_1043 : memref<2048xf32, #tpu.memory_space<vmem>>) dst(%dma_wait3A_1041 : memref<2048xf32, #tpu.memory_space<hbm>>)
      %mul3A_1044 = arith.constant 125000 : i32
      %mul3A_1045 = arith.muli %add3A, %mul3A_1044 : i32
      %add3A_1046 = arith.constant 73728 : i32
      %add3A_1047 = arith.addi %mul3A_1045, %add3A_1046 : i32
      %dma_wait3A_1048 = arith.constant 73728 : i32
      %dma_wait3A_1049 = tpu.memref_slice %arg4[%dma_wait3A_1048] : memref<125008xf32, #tpu.memory_space<vmem>> -> memref<2048xf32, #tpu.memory_space<vmem>>
      %dma_wait3A_1050 = tpu.memref_slice %arg3[%add3A_1047] : memref<2000000xf32, #tpu.memory_space<hbm>> -> memref<2048xf32, #tpu.memory_space<hbm>>
      %dma_wait3A_1051 = tpu.memref_slice %arg3[%add3A_1047] : memref<2000000xf32, #tpu.memory_space<hbm>> -> memref<2048xf32, #tpu.memory_space<hbm>>
      %dma_wait3A_1052 = arith.constant 73728 : i32
      %dma_wait3A_1053 = tpu.memref_slice %arg4[%dma_wait3A_1052] : memref<125008xf32, #tpu.memory_space<vmem>> -> memref<2048xf32, #tpu.memory_space<vmem>>
      tpu.wait_dma2 semaphore(%arg8 : memref<!tpu.dma_semaphore, #tpu.memory_space<semaphore_mem>>) src(%dma_wait3A_1053 : memref<2048xf32, #tpu.memory_space<vmem>>) dst(%dma_wait3A_1051 : memref<2048xf32, #tpu.memory_space<hbm>>)
      %mul3A_1054 = arith.constant 125000 : i32
      %mul3A_1055 = arith.muli %add3A, %mul3A_1054 : i32
      %add3A_1056 = arith.constant 75776 : i32
      %add3A_1057 = arith.addi %mul3A_1055, %add3A_1056 : i32
      %dma_wait3A_1058 = arith.constant 75776 : i32
      %dma_wait3A_1059 = tpu.memref_slice %arg4[%dma_wait3A_1058] : memref<125008xf32, #tpu.memory_space<vmem>> -> memref<2048xf32, #tpu.memory_space<vmem>>
      %dma_wait3A_1060 = tpu.memref_slice %arg3[%add3A_1057] : memref<2000000xf32, #tpu.memory_space<hbm>> -> memref<2048xf32, #tpu.memory_space<hbm>>
      %dma_wait3A_1061 = tpu.memref_slice %arg3[%add3A_1057] : memref<2000000xf32, #tpu.memory_space<hbm>> -> memref<2048xf32, #tpu.memory_space<hbm>>
      %dma_wait3A_1062 = arith.constant 75776 : i32
      %dma_wait3A_1063 = tpu.memref_slice %arg4[%dma_wait3A_1062] : memref<125008xf32, #tpu.memory_space<vmem>> -> memref<2048xf32, #tpu.memory_space<vmem>>
      tpu.wait_dma2 semaphore(%arg8 : memref<!tpu.dma_semaphore, #tpu.memory_space<semaphore_mem>>) src(%dma_wait3A_1063 : memref<2048xf32, #tpu.memory_space<vmem>>) dst(%dma_wait3A_1061 : memref<2048xf32, #tpu.memory_space<hbm>>)
      %mul3A_1064 = arith.constant 125000 : i32
      %mul3A_1065 = arith.muli %add3A, %mul3A_1064 : i32
      %add3A_1066 = arith.constant 77824 : i32
      %add3A_1067 = arith.addi %mul3A_1065, %add3A_1066 : i32
      %dma_wait3A_1068 = arith.constant 77824 : i32
      %dma_wait3A_1069 = tpu.memref_slice %arg4[%dma_wait3A_1068] : memref<125008xf32, #tpu.memory_space<vmem>> -> memref<2048xf32, #tpu.memory_space<vmem>>
      %dma_wait3A_1070 = tpu.memref_slice %arg3[%add3A_1067] : memref<2000000xf32, #tpu.memory_space<hbm>> -> memref<2048xf32, #tpu.memory_space<hbm>>
      %dma_wait3A_1071 = tpu.memref_slice %arg3[%add3A_1067] : memref<2000000xf32, #tpu.memory_space<hbm>> -> memref<2048xf32, #tpu.memory_space<hbm>>
      %dma_wait3A_1072 = arith.constant 77824 : i32
      %dma_wait3A_1073 = tpu.memref_slice %arg4[%dma_wait3A_1072] : memref<125008xf32, #tpu.memory_space<vmem>> -> memref<2048xf32, #tpu.memory_space<vmem>>
      tpu.wait_dma2 semaphore(%arg8 : memref<!tpu.dma_semaphore, #tpu.memory_space<semaphore_mem>>) src(%dma_wait3A_1073 : memref<2048xf32, #tpu.memory_space<vmem>>) dst(%dma_wait3A_1071 : memref<2048xf32, #tpu.memory_space<hbm>>)
      %mul3A_1074 = arith.constant 125000 : i32
      %mul3A_1075 = arith.muli %add3A, %mul3A_1074 : i32
      %add3A_1076 = arith.constant 79872 : i32
      %add3A_1077 = arith.addi %mul3A_1075, %add3A_1076 : i32
      %dma_wait3A_1078 = arith.constant 79872 : i32
      %dma_wait3A_1079 = tpu.memref_slice %arg4[%dma_wait3A_1078] : memref<125008xf32, #tpu.memory_space<vmem>> -> memref<2048xf32, #tpu.memory_space<vmem>>
      %dma_wait3A_1080 = tpu.memref_slice %arg3[%add3A_1077] : memref<2000000xf32, #tpu.memory_space<hbm>> -> memref<2048xf32, #tpu.memory_space<hbm>>
      %dma_wait3A_1081 = tpu.memref_slice %arg3[%add3A_1077] : memref<2000000xf32, #tpu.memory_space<hbm>> -> memref<2048xf32, #tpu.memory_space<hbm>>
      %dma_wait3A_1082 = arith.constant 79872 : i32
      %dma_wait3A_1083 = tpu.memref_slice %arg4[%dma_wait3A_1082] : memref<125008xf32, #tpu.memory_space<vmem>> -> memref<2048xf32, #tpu.memory_space<vmem>>
      tpu.wait_dma2 semaphore(%arg8 : memref<!tpu.dma_semaphore, #tpu.memory_space<semaphore_mem>>) src(%dma_wait3A_1083 : memref<2048xf32, #tpu.memory_space<vmem>>) dst(%dma_wait3A_1081 : memref<2048xf32, #tpu.memory_space<hbm>>)
      %mul3A_1084 = arith.constant 125000 : i32
      %mul3A_1085 = arith.muli %add3A, %mul3A_1084 : i32
      %add3A_1086 = arith.constant 81920 : i32
      %add3A_1087 = arith.addi %mul3A_1085, %add3A_1086 : i32
      %dma_wait3A_1088 = arith.constant 81920 : i32
      %dma_wait3A_1089 = tpu.memref_slice %arg4[%dma_wait3A_1088] : memref<125008xf32, #tpu.memory_space<vmem>> -> memref<2048xf32, #tpu.memory_space<vmem>>
      %dma_wait3A_1090 = tpu.memref_slice %arg3[%add3A_1087] : memref<2000000xf32, #tpu.memory_space<hbm>> -> memref<2048xf32, #tpu.memory_space<hbm>>
      %dma_wait3A_1091 = tpu.memref_slice %arg3[%add3A_1087] : memref<2000000xf32, #tpu.memory_space<hbm>> -> memref<2048xf32, #tpu.memory_space<hbm>>
      %dma_wait3A_1092 = arith.constant 81920 : i32
      %dma_wait3A_1093 = tpu.memref_slice %arg4[%dma_wait3A_1092] : memref<125008xf32, #tpu.memory_space<vmem>> -> memref<2048xf32, #tpu.memory_space<vmem>>
      tpu.wait_dma2 semaphore(%arg8 : memref<!tpu.dma_semaphore, #tpu.memory_space<semaphore_mem>>) src(%dma_wait3A_1093 : memref<2048xf32, #tpu.memory_space<vmem>>) dst(%dma_wait3A_1091 : memref<2048xf32, #tpu.memory_space<hbm>>)
      %mul3A_1094 = arith.constant 125000 : i32
      %mul3A_1095 = arith.muli %add3A, %mul3A_1094 : i32
      %add3A_1096 = arith.constant 83968 : i32
      %add3A_1097 = arith.addi %mul3A_1095, %add3A_1096 : i32
      %dma_wait3A_1098 = arith.constant 83968 : i32
      %dma_wait3A_1099 = tpu.memref_slice %arg4[%dma_wait3A_1098] : memref<125008xf32, #tpu.memory_space<vmem>> -> memref<2048xf32, #tpu.memory_space<vmem>>
      %dma_wait3A_1100 = tpu.memref_slice %arg3[%add3A_1097] : memref<2000000xf32, #tpu.memory_space<hbm>> -> memref<2048xf32, #tpu.memory_space<hbm>>
      %dma_wait3A_1101 = tpu.memref_slice %arg3[%add3A_1097] : memref<2000000xf32, #tpu.memory_space<hbm>> -> memref<2048xf32, #tpu.memory_space<hbm>>
      %dma_wait3A_1102 = arith.constant 83968 : i32
      %dma_wait3A_1103 = tpu.memref_slice %arg4[%dma_wait3A_1102] : memref<125008xf32, #tpu.memory_space<vmem>> -> memref<2048xf32, #tpu.memory_space<vmem>>
      tpu.wait_dma2 semaphore(%arg8 : memref<!tpu.dma_semaphore, #tpu.memory_space<semaphore_mem>>) src(%dma_wait3A_1103 : memref<2048xf32, #tpu.memory_space<vmem>>) dst(%dma_wait3A_1101 : memref<2048xf32, #tpu.memory_space<hbm>>)
      %mul3A_1104 = arith.constant 125000 : i32
      %mul3A_1105 = arith.muli %add3A, %mul3A_1104 : i32
      %add3A_1106 = arith.constant 86016 : i32
      %add3A_1107 = arith.addi %mul3A_1105, %add3A_1106 : i32
      %dma_wait3A_1108 = arith.constant 86016 : i32
      %dma_wait3A_1109 = tpu.memref_slice %arg4[%dma_wait3A_1108] : memref<125008xf32, #tpu.memory_space<vmem>> -> memref<2048xf32, #tpu.memory_space<vmem>>
      %dma_wait3A_1110 = tpu.memref_slice %arg3[%add3A_1107] : memref<2000000xf32, #tpu.memory_space<hbm>> -> memref<2048xf32, #tpu.memory_space<hbm>>
      %dma_wait3A_1111 = tpu.memref_slice %arg3[%add3A_1107] : memref<2000000xf32, #tpu.memory_space<hbm>> -> memref<2048xf32, #tpu.memory_space<hbm>>
      %dma_wait3A_1112 = arith.constant 86016 : i32
      %dma_wait3A_1113 = tpu.memref_slice %arg4[%dma_wait3A_1112] : memref<125008xf32, #tpu.memory_space<vmem>> -> memref<2048xf32, #tpu.memory_space<vmem>>
      tpu.wait_dma2 semaphore(%arg8 : memref<!tpu.dma_semaphore, #tpu.memory_space<semaphore_mem>>) src(%dma_wait3A_1113 : memref<2048xf32, #tpu.memory_space<vmem>>) dst(%dma_wait3A_1111 : memref<2048xf32, #tpu.memory_space<hbm>>)
      %mul3A_1114 = arith.constant 125000 : i32
      %mul3A_1115 = arith.muli %add3A, %mul3A_1114 : i32
      %add3A_1116 = arith.constant 88064 : i32
      %add3A_1117 = arith.addi %mul3A_1115, %add3A_1116 : i32
      %dma_wait3A_1118 = arith.constant 88064 : i32
      %dma_wait3A_1119 = tpu.memref_slice %arg4[%dma_wait3A_1118] : memref<125008xf32, #tpu.memory_space<vmem>> -> memref<2048xf32, #tpu.memory_space<vmem>>
      %dma_wait3A_1120 = tpu.memref_slice %arg3[%add3A_1117] : memref<2000000xf32, #tpu.memory_space<hbm>> -> memref<2048xf32, #tpu.memory_space<hbm>>
      %dma_wait3A_1121 = tpu.memref_slice %arg3[%add3A_1117] : memref<2000000xf32, #tpu.memory_space<hbm>> -> memref<2048xf32, #tpu.memory_space<hbm>>
      %dma_wait3A_1122 = arith.constant 88064 : i32
      %dma_wait3A_1123 = tpu.memref_slice %arg4[%dma_wait3A_1122] : memref<125008xf32, #tpu.memory_space<vmem>> -> memref<2048xf32, #tpu.memory_space<vmem>>
      tpu.wait_dma2 semaphore(%arg8 : memref<!tpu.dma_semaphore, #tpu.memory_space<semaphore_mem>>) src(%dma_wait3A_1123 : memref<2048xf32, #tpu.memory_space<vmem>>) dst(%dma_wait3A_1121 : memref<2048xf32, #tpu.memory_space<hbm>>)
      %mul3A_1124 = arith.constant 125000 : i32
      %mul3A_1125 = arith.muli %add3A, %mul3A_1124 : i32
      %add3A_1126 = arith.constant 90112 : i32
      %add3A_1127 = arith.addi %mul3A_1125, %add3A_1126 : i32
      %dma_wait3A_1128 = arith.constant 90112 : i32
      %dma_wait3A_1129 = tpu.memref_slice %arg4[%dma_wait3A_1128] : memref<125008xf32, #tpu.memory_space<vmem>> -> memref<2048xf32, #tpu.memory_space<vmem>>
      %dma_wait3A_1130 = tpu.memref_slice %arg3[%add3A_1127] : memref<2000000xf32, #tpu.memory_space<hbm>> -> memref<2048xf32, #tpu.memory_space<hbm>>
      %dma_wait3A_1131 = tpu.memref_slice %arg3[%add3A_1127] : memref<2000000xf32, #tpu.memory_space<hbm>> -> memref<2048xf32, #tpu.memory_space<hbm>>
      %dma_wait3A_1132 = arith.constant 90112 : i32
      %dma_wait3A_1133 = tpu.memref_slice %arg4[%dma_wait3A_1132] : memref<125008xf32, #tpu.memory_space<vmem>> -> memref<2048xf32, #tpu.memory_space<vmem>>
      tpu.wait_dma2 semaphore(%arg8 : memref<!tpu.dma_semaphore, #tpu.memory_space<semaphore_mem>>) src(%dma_wait3A_1133 : memref<2048xf32, #tpu.memory_space<vmem>>) dst(%dma_wait3A_1131 : memref<2048xf32, #tpu.memory_space<hbm>>)
      %mul3A_1134 = arith.constant 125000 : i32
      %mul3A_1135 = arith.muli %add3A, %mul3A_1134 : i32
      %add3A_1136 = arith.constant 92160 : i32
      %add3A_1137 = arith.addi %mul3A_1135, %add3A_1136 : i32
      %dma_wait3A_1138 = arith.constant 92160 : i32
      %dma_wait3A_1139 = tpu.memref_slice %arg4[%dma_wait3A_1138] : memref<125008xf32, #tpu.memory_space<vmem>> -> memref<2048xf32, #tpu.memory_space<vmem>>
      %dma_wait3A_1140 = tpu.memref_slice %arg3[%add3A_1137] : memref<2000000xf32, #tpu.memory_space<hbm>> -> memref<2048xf32, #tpu.memory_space<hbm>>
      %dma_wait3A_1141 = tpu.memref_slice %arg3[%add3A_1137] : memref<2000000xf32, #tpu.memory_space<hbm>> -> memref<2048xf32, #tpu.memory_space<hbm>>
      %dma_wait3A_1142 = arith.constant 92160 : i32
      %dma_wait3A_1143 = tpu.memref_slice %arg4[%dma_wait3A_1142] : memref<125008xf32, #tpu.memory_space<vmem>> -> memref<2048xf32, #tpu.memory_space<vmem>>
      tpu.wait_dma2 semaphore(%arg8 : memref<!tpu.dma_semaphore, #tpu.memory_space<semaphore_mem>>) src(%dma_wait3A_1143 : memref<2048xf32, #tpu.memory_space<vmem>>) dst(%dma_wait3A_1141 : memref<2048xf32, #tpu.memory_space<hbm>>)
      %mul3A_1144 = arith.constant 125000 : i32
      %mul3A_1145 = arith.muli %add3A, %mul3A_1144 : i32
      %add3A_1146 = arith.constant 94208 : i32
      %add3A_1147 = arith.addi %mul3A_1145, %add3A_1146 : i32
      %dma_wait3A_1148 = arith.constant 94208 : i32
      %dma_wait3A_1149 = tpu.memref_slice %arg4[%dma_wait3A_1148] : memref<125008xf32, #tpu.memory_space<vmem>> -> memref<2048xf32, #tpu.memory_space<vmem>>
      %dma_wait3A_1150 = tpu.memref_slice %arg3[%add3A_1147] : memref<2000000xf32, #tpu.memory_space<hbm>> -> memref<2048xf32, #tpu.memory_space<hbm>>
      %dma_wait3A_1151 = tpu.memref_slice %arg3[%add3A_1147] : memref<2000000xf32, #tpu.memory_space<hbm>> -> memref<2048xf32, #tpu.memory_space<hbm>>
      %dma_wait3A_1152 = arith.constant 94208 : i32
      %dma_wait3A_1153 = tpu.memref_slice %arg4[%dma_wait3A_1152] : memref<125008xf32, #tpu.memory_space<vmem>> -> memref<2048xf32, #tpu.memory_space<vmem>>
      tpu.wait_dma2 semaphore(%arg8 : memref<!tpu.dma_semaphore, #tpu.memory_space<semaphore_mem>>) src(%dma_wait3A_1153 : memref<2048xf32, #tpu.memory_space<vmem>>) dst(%dma_wait3A_1151 : memref<2048xf32, #tpu.memory_space<hbm>>)
      %mul3A_1154 = arith.constant 125000 : i32
      %mul3A_1155 = arith.muli %add3A, %mul3A_1154 : i32
      %add3A_1156 = arith.constant 96256 : i32
      %add3A_1157 = arith.addi %mul3A_1155, %add3A_1156 : i32
      %dma_wait3A_1158 = arith.constant 96256 : i32
      %dma_wait3A_1159 = tpu.memref_slice %arg4[%dma_wait3A_1158] : memref<125008xf32, #tpu.memory_space<vmem>> -> memref<2048xf32, #tpu.memory_space<vmem>>
      %dma_wait3A_1160 = tpu.memref_slice %arg3[%add3A_1157] : memref<2000000xf32, #tpu.memory_space<hbm>> -> memref<2048xf32, #tpu.memory_space<hbm>>
      %dma_wait3A_1161 = tpu.memref_slice %arg3[%add3A_1157] : memref<2000000xf32, #tpu.memory_space<hbm>> -> memref<2048xf32, #tpu.memory_space<hbm>>
      %dma_wait3A_1162 = arith.constant 96256 : i32
      %dma_wait3A_1163 = tpu.memref_slice %arg4[%dma_wait3A_1162] : memref<125008xf32, #tpu.memory_space<vmem>> -> memref<2048xf32, #tpu.memory_space<vmem>>
      tpu.wait_dma2 semaphore(%arg8 : memref<!tpu.dma_semaphore, #tpu.memory_space<semaphore_mem>>) src(%dma_wait3A_1163 : memref<2048xf32, #tpu.memory_space<vmem>>) dst(%dma_wait3A_1161 : memref<2048xf32, #tpu.memory_space<hbm>>)
      %mul3A_1164 = arith.constant 125000 : i32
      %mul3A_1165 = arith.muli %add3A, %mul3A_1164 : i32
      %add3A_1166 = arith.constant 98304 : i32
      %add3A_1167 = arith.addi %mul3A_1165, %add3A_1166 : i32
      %dma_wait3A_1168 = arith.constant 98304 : i32
      %dma_wait3A_1169 = tpu.memref_slice %arg4[%dma_wait3A_1168] : memref<125008xf32, #tpu.memory_space<vmem>> -> memref<2048xf32, #tpu.memory_space<vmem>>
      %dma_wait3A_1170 = tpu.memref_slice %arg3[%add3A_1167] : memref<2000000xf32, #tpu.memory_space<hbm>> -> memref<2048xf32, #tpu.memory_space<hbm>>
      %dma_wait3A_1171 = tpu.memref_slice %arg3[%add3A_1167] : memref<2000000xf32, #tpu.memory_space<hbm>> -> memref<2048xf32, #tpu.memory_space<hbm>>
      %dma_wait3A_1172 = arith.constant 98304 : i32
      %dma_wait3A_1173 = tpu.memref_slice %arg4[%dma_wait3A_1172] : memref<125008xf32, #tpu.memory_space<vmem>> -> memref<2048xf32, #tpu.memory_space<vmem>>
      tpu.wait_dma2 semaphore(%arg8 : memref<!tpu.dma_semaphore, #tpu.memory_space<semaphore_mem>>) src(%dma_wait3A_1173 : memref<2048xf32, #tpu.memory_space<vmem>>) dst(%dma_wait3A_1171 : memref<2048xf32, #tpu.memory_space<hbm>>)
      %mul3A_1174 = arith.constant 125000 : i32
      %mul3A_1175 = arith.muli %add3A, %mul3A_1174 : i32
      %add3A_1176 = arith.constant 100352 : i32
      %add3A_1177 = arith.addi %mul3A_1175, %add3A_1176 : i32
      %dma_wait3A_1178 = arith.constant 100352 : i32
      %dma_wait3A_1179 = tpu.memref_slice %arg4[%dma_wait3A_1178] : memref<125008xf32, #tpu.memory_space<vmem>> -> memref<2048xf32, #tpu.memory_space<vmem>>
      %dma_wait3A_1180 = tpu.memref_slice %arg3[%add3A_1177] : memref<2000000xf32, #tpu.memory_space<hbm>> -> memref<2048xf32, #tpu.memory_space<hbm>>
      %dma_wait3A_1181 = tpu.memref_slice %arg3[%add3A_1177] : memref<2000000xf32, #tpu.memory_space<hbm>> -> memref<2048xf32, #tpu.memory_space<hbm>>
      %dma_wait3A_1182 = arith.constant 100352 : i32
      %dma_wait3A_1183 = tpu.memref_slice %arg4[%dma_wait3A_1182] : memref<125008xf32, #tpu.memory_space<vmem>> -> memref<2048xf32, #tpu.memory_space<vmem>>
      tpu.wait_dma2 semaphore(%arg8 : memref<!tpu.dma_semaphore, #tpu.memory_space<semaphore_mem>>) src(%dma_wait3A_1183 : memref<2048xf32, #tpu.memory_space<vmem>>) dst(%dma_wait3A_1181 : memref<2048xf32, #tpu.memory_space<hbm>>)
      %mul3A_1184 = arith.constant 125000 : i32
      %mul3A_1185 = arith.muli %add3A, %mul3A_1184 : i32
      %add3A_1186 = arith.constant 102400 : i32
      %add3A_1187 = arith.addi %mul3A_1185, %add3A_1186 : i32
      %dma_wait3A_1188 = arith.constant 102400 : i32
      %dma_wait3A_1189 = tpu.memref_slice %arg4[%dma_wait3A_1188] : memref<125008xf32, #tpu.memory_space<vmem>> -> memref<2048xf32, #tpu.memory_space<vmem>>
      %dma_wait3A_1190 = tpu.memref_slice %arg3[%add3A_1187] : memref<2000000xf32, #tpu.memory_space<hbm>> -> memref<2048xf32, #tpu.memory_space<hbm>>
      %dma_wait3A_1191 = tpu.memref_slice %arg3[%add3A_1187] : memref<2000000xf32, #tpu.memory_space<hbm>> -> memref<2048xf32, #tpu.memory_space<hbm>>
      %dma_wait3A_1192 = arith.constant 102400 : i32
      %dma_wait3A_1193 = tpu.memref_slice %arg4[%dma_wait3A_1192] : memref<125008xf32, #tpu.memory_space<vmem>> -> memref<2048xf32, #tpu.memory_space<vmem>>
      tpu.wait_dma2 semaphore(%arg8 : memref<!tpu.dma_semaphore, #tpu.memory_space<semaphore_mem>>) src(%dma_wait3A_1193 : memref<2048xf32, #tpu.memory_space<vmem>>) dst(%dma_wait3A_1191 : memref<2048xf32, #tpu.memory_space<hbm>>)
      %mul3A_1194 = arith.constant 125000 : i32
      %mul3A_1195 = arith.muli %add3A, %mul3A_1194 : i32
      %add3A_1196 = arith.constant 104448 : i32
      %add3A_1197 = arith.addi %mul3A_1195, %add3A_1196 : i32
      %dma_wait3A_1198 = arith.constant 104448 : i32
      %dma_wait3A_1199 = tpu.memref_slice %arg4[%dma_wait3A_1198] : memref<125008xf32, #tpu.memory_space<vmem>> -> memref<2048xf32, #tpu.memory_space<vmem>>
      %dma_wait3A_1200 = tpu.memref_slice %arg3[%add3A_1197] : memref<2000000xf32, #tpu.memory_space<hbm>> -> memref<2048xf32, #tpu.memory_space<hbm>>
      %dma_wait3A_1201 = tpu.memref_slice %arg3[%add3A_1197] : memref<2000000xf32, #tpu.memory_space<hbm>> -> memref<2048xf32, #tpu.memory_space<hbm>>
      %dma_wait3A_1202 = arith.constant 104448 : i32
      %dma_wait3A_1203 = tpu.memref_slice %arg4[%dma_wait3A_1202] : memref<125008xf32, #tpu.memory_space<vmem>> -> memref<2048xf32, #tpu.memory_space<vmem>>
      tpu.wait_dma2 semaphore(%arg8 : memref<!tpu.dma_semaphore, #tpu.memory_space<semaphore_mem>>) src(%dma_wait3A_1203 : memref<2048xf32, #tpu.memory_space<vmem>>) dst(%dma_wait3A_1201 : memref<2048xf32, #tpu.memory_space<hbm>>)
      %mul3A_1204 = arith.constant 125000 : i32
      %mul3A_1205 = arith.muli %add3A, %mul3A_1204 : i32
      %add3A_1206 = arith.constant 106496 : i32
      %add3A_1207 = arith.addi %mul3A_1205, %add3A_1206 : i32
      %dma_wait3A_1208 = arith.constant 106496 : i32
      %dma_wait3A_1209 = tpu.memref_slice %arg4[%dma_wait3A_1208] : memref<125008xf32, #tpu.memory_space<vmem>> -> memref<2048xf32, #tpu.memory_space<vmem>>
      %dma_wait3A_1210 = tpu.memref_slice %arg3[%add3A_1207] : memref<2000000xf32, #tpu.memory_space<hbm>> -> memref<2048xf32, #tpu.memory_space<hbm>>
      %dma_wait3A_1211 = tpu.memref_slice %arg3[%add3A_1207] : memref<2000000xf32, #tpu.memory_space<hbm>> -> memref<2048xf32, #tpu.memory_space<hbm>>
      %dma_wait3A_1212 = arith.constant 106496 : i32
      %dma_wait3A_1213 = tpu.memref_slice %arg4[%dma_wait3A_1212] : memref<125008xf32, #tpu.memory_space<vmem>> -> memref<2048xf32, #tpu.memory_space<vmem>>
      tpu.wait_dma2 semaphore(%arg8 : memref<!tpu.dma_semaphore, #tpu.memory_space<semaphore_mem>>) src(%dma_wait3A_1213 : memref<2048xf32, #tpu.memory_space<vmem>>) dst(%dma_wait3A_1211 : memref<2048xf32, #tpu.memory_space<hbm>>)
      %mul3A_1214 = arith.constant 125000 : i32
      %mul3A_1215 = arith.muli %add3A, %mul3A_1214 : i32
      %add3A_1216 = arith.constant 108544 : i32
      %add3A_1217 = arith.addi %mul3A_1215, %add3A_1216 : i32
      %dma_wait3A_1218 = arith.constant 108544 : i32
      %dma_wait3A_1219 = tpu.memref_slice %arg4[%dma_wait3A_1218] : memref<125008xf32, #tpu.memory_space<vmem>> -> memref<2048xf32, #tpu.memory_space<vmem>>
      %dma_wait3A_1220 = tpu.memref_slice %arg3[%add3A_1217] : memref<2000000xf32, #tpu.memory_space<hbm>> -> memref<2048xf32, #tpu.memory_space<hbm>>
      %dma_wait3A_1221 = tpu.memref_slice %arg3[%add3A_1217] : memref<2000000xf32, #tpu.memory_space<hbm>> -> memref<2048xf32, #tpu.memory_space<hbm>>
      %dma_wait3A_1222 = arith.constant 108544 : i32
      %dma_wait3A_1223 = tpu.memref_slice %arg4[%dma_wait3A_1222] : memref<125008xf32, #tpu.memory_space<vmem>> -> memref<2048xf32, #tpu.memory_space<vmem>>
      tpu.wait_dma2 semaphore(%arg8 : memref<!tpu.dma_semaphore, #tpu.memory_space<semaphore_mem>>) src(%dma_wait3A_1223 : memref<2048xf32, #tpu.memory_space<vmem>>) dst(%dma_wait3A_1221 : memref<2048xf32, #tpu.memory_space<hbm>>)
      %mul3A_1224 = arith.constant 125000 : i32
      %mul3A_1225 = arith.muli %add3A, %mul3A_1224 : i32
      %add3A_1226 = arith.constant 110592 : i32
      %add3A_1227 = arith.addi %mul3A_1225, %add3A_1226 : i32
      %dma_wait3A_1228 = arith.constant 110592 : i32
      %dma_wait3A_1229 = tpu.memref_slice %arg4[%dma_wait3A_1228] : memref<125008xf32, #tpu.memory_space<vmem>> -> memref<2048xf32, #tpu.memory_space<vmem>>
      %dma_wait3A_1230 = tpu.memref_slice %arg3[%add3A_1227] : memref<2000000xf32, #tpu.memory_space<hbm>> -> memref<2048xf32, #tpu.memory_space<hbm>>
      %dma_wait3A_1231 = tpu.memref_slice %arg3[%add3A_1227] : memref<2000000xf32, #tpu.memory_space<hbm>> -> memref<2048xf32, #tpu.memory_space<hbm>>
      %dma_wait3A_1232 = arith.constant 110592 : i32
      %dma_wait3A_1233 = tpu.memref_slice %arg4[%dma_wait3A_1232] : memref<125008xf32, #tpu.memory_space<vmem>> -> memref<2048xf32, #tpu.memory_space<vmem>>
      tpu.wait_dma2 semaphore(%arg8 : memref<!tpu.dma_semaphore, #tpu.memory_space<semaphore_mem>>) src(%dma_wait3A_1233 : memref<2048xf32, #tpu.memory_space<vmem>>) dst(%dma_wait3A_1231 : memref<2048xf32, #tpu.memory_space<hbm>>)
      %mul3A_1234 = arith.constant 125000 : i32
      %mul3A_1235 = arith.muli %add3A, %mul3A_1234 : i32
      %add3A_1236 = arith.constant 112640 : i32
      %add3A_1237 = arith.addi %mul3A_1235, %add3A_1236 : i32
      %dma_wait3A_1238 = arith.constant 112640 : i32
      %dma_wait3A_1239 = tpu.memref_slice %arg4[%dma_wait3A_1238] : memref<125008xf32, #tpu.memory_space<vmem>> -> memref<2048xf32, #tpu.memory_space<vmem>>
      %dma_wait3A_1240 = tpu.memref_slice %arg3[%add3A_1237] : memref<2000000xf32, #tpu.memory_space<hbm>> -> memref<2048xf32, #tpu.memory_space<hbm>>
      %dma_wait3A_1241 = tpu.memref_slice %arg3[%add3A_1237] : memref<2000000xf32, #tpu.memory_space<hbm>> -> memref<2048xf32, #tpu.memory_space<hbm>>
      %dma_wait3A_1242 = arith.constant 112640 : i32
      %dma_wait3A_1243 = tpu.memref_slice %arg4[%dma_wait3A_1242] : memref<125008xf32, #tpu.memory_space<vmem>> -> memref<2048xf32, #tpu.memory_space<vmem>>
      tpu.wait_dma2 semaphore(%arg8 : memref<!tpu.dma_semaphore, #tpu.memory_space<semaphore_mem>>) src(%dma_wait3A_1243 : memref<2048xf32, #tpu.memory_space<vmem>>) dst(%dma_wait3A_1241 : memref<2048xf32, #tpu.memory_space<hbm>>)
      %mul3A_1244 = arith.constant 125000 : i32
      %mul3A_1245 = arith.muli %add3A, %mul3A_1244 : i32
      %add3A_1246 = arith.constant 114688 : i32
      %add3A_1247 = arith.addi %mul3A_1245, %add3A_1246 : i32
      %dma_wait3A_1248 = arith.constant 114688 : i32
      %dma_wait3A_1249 = tpu.memref_slice %arg4[%dma_wait3A_1248] : memref<125008xf32, #tpu.memory_space<vmem>> -> memref<2048xf32, #tpu.memory_space<vmem>>
      %dma_wait3A_1250 = tpu.memref_slice %arg3[%add3A_1247] : memref<2000000xf32, #tpu.memory_space<hbm>> -> memref<2048xf32, #tpu.memory_space<hbm>>
      %dma_wait3A_1251 = tpu.memref_slice %arg3[%add3A_1247] : memref<2000000xf32, #tpu.memory_space<hbm>> -> memref<2048xf32, #tpu.memory_space<hbm>>
      %dma_wait3A_1252 = arith.constant 114688 : i32
      %dma_wait3A_1253 = tpu.memref_slice %arg4[%dma_wait3A_1252] : memref<125008xf32, #tpu.memory_space<vmem>> -> memref<2048xf32, #tpu.memory_space<vmem>>
      tpu.wait_dma2 semaphore(%arg8 : memref<!tpu.dma_semaphore, #tpu.memory_space<semaphore_mem>>) src(%dma_wait3A_1253 : memref<2048xf32, #tpu.memory_space<vmem>>) dst(%dma_wait3A_1251 : memref<2048xf32, #tpu.memory_space<hbm>>)
      %mul3A_1254 = arith.constant 125000 : i32
      %mul3A_1255 = arith.muli %add3A, %mul3A_1254 : i32
      %add3A_1256 = arith.constant 116736 : i32
      %add3A_1257 = arith.addi %mul3A_1255, %add3A_1256 : i32
      %dma_wait3A_1258 = arith.constant 116736 : i32
      %dma_wait3A_1259 = tpu.memref_slice %arg4[%dma_wait3A_1258] : memref<125008xf32, #tpu.memory_space<vmem>> -> memref<2048xf32, #tpu.memory_space<vmem>>
      %dma_wait3A_1260 = tpu.memref_slice %arg3[%add3A_1257] : memref<2000000xf32, #tpu.memory_space<hbm>> -> memref<2048xf32, #tpu.memory_space<hbm>>
      %dma_wait3A_1261 = tpu.memref_slice %arg3[%add3A_1257] : memref<2000000xf32, #tpu.memory_space<hbm>> -> memref<2048xf32, #tpu.memory_space<hbm>>
      %dma_wait3A_1262 = arith.constant 116736 : i32
      %dma_wait3A_1263 = tpu.memref_slice %arg4[%dma_wait3A_1262] : memref<125008xf32, #tpu.memory_space<vmem>> -> memref<2048xf32, #tpu.memory_space<vmem>>
      tpu.wait_dma2 semaphore(%arg8 : memref<!tpu.dma_semaphore, #tpu.memory_space<semaphore_mem>>) src(%dma_wait3A_1263 : memref<2048xf32, #tpu.memory_space<vmem>>) dst(%dma_wait3A_1261 : memref<2048xf32, #tpu.memory_space<hbm>>)
      %mul3A_1264 = arith.constant 125000 : i32
      %mul3A_1265 = arith.muli %add3A, %mul3A_1264 : i32
      %add3A_1266 = arith.constant 118784 : i32
      %add3A_1267 = arith.addi %mul3A_1265, %add3A_1266 : i32
      %dma_wait3A_1268 = arith.constant 118784 : i32
      %dma_wait3A_1269 = tpu.memref_slice %arg4[%dma_wait3A_1268] : memref<125008xf32, #tpu.memory_space<vmem>> -> memref<2048xf32, #tpu.memory_space<vmem>>
      %dma_wait3A_1270 = tpu.memref_slice %arg3[%add3A_1267] : memref<2000000xf32, #tpu.memory_space<hbm>> -> memref<2048xf32, #tpu.memory_space<hbm>>
      %dma_wait3A_1271 = tpu.memref_slice %arg3[%add3A_1267] : memref<2000000xf32, #tpu.memory_space<hbm>> -> memref<2048xf32, #tpu.memory_space<hbm>>
      %dma_wait3A_1272 = arith.constant 118784 : i32
      %dma_wait3A_1273 = tpu.memref_slice %arg4[%dma_wait3A_1272] : memref<125008xf32, #tpu.memory_space<vmem>> -> memref<2048xf32, #tpu.memory_space<vmem>>
      tpu.wait_dma2 semaphore(%arg8 : memref<!tpu.dma_semaphore, #tpu.memory_space<semaphore_mem>>) src(%dma_wait3A_1273 : memref<2048xf32, #tpu.memory_space<vmem>>) dst(%dma_wait3A_1271 : memref<2048xf32, #tpu.memory_space<hbm>>)
      %mul3A_1274 = arith.constant 125000 : i32
      %mul3A_1275 = arith.muli %add3A, %mul3A_1274 : i32
      %add3A_1276 = arith.constant 120832 : i32
      %add3A_1277 = arith.addi %mul3A_1275, %add3A_1276 : i32
      %dma_wait3A_1278 = arith.constant 120832 : i32
      %dma_wait3A_1279 = tpu.memref_slice %arg4[%dma_wait3A_1278] : memref<125008xf32, #tpu.memory_space<vmem>> -> memref<2048xf32, #tpu.memory_space<vmem>>
      %dma_wait3A_1280 = tpu.memref_slice %arg3[%add3A_1277] : memref<2000000xf32, #tpu.memory_space<hbm>> -> memref<2048xf32, #tpu.memory_space<hbm>>
      %dma_wait3A_1281 = tpu.memref_slice %arg3[%add3A_1277] : memref<2000000xf32, #tpu.memory_space<hbm>> -> memref<2048xf32, #tpu.memory_space<hbm>>
      %dma_wait3A_1282 = arith.constant 120832 : i32
      %dma_wait3A_1283 = tpu.memref_slice %arg4[%dma_wait3A_1282] : memref<125008xf32, #tpu.memory_space<vmem>> -> memref<2048xf32, #tpu.memory_space<vmem>>
      tpu.wait_dma2 semaphore(%arg8 : memref<!tpu.dma_semaphore, #tpu.memory_space<semaphore_mem>>) src(%dma_wait3A_1283 : memref<2048xf32, #tpu.memory_space<vmem>>) dst(%dma_wait3A_1281 : memref<2048xf32, #tpu.memory_space<hbm>>)
      %mul3A_1284 = arith.constant 125000 : i32
      %mul3A_1285 = arith.muli %add3A, %mul3A_1284 : i32
      %add3A_1286 = arith.constant 122880 : i32
      %add3A_1287 = arith.addi %mul3A_1285, %add3A_1286 : i32
      %dma_wait3A_1288 = arith.constant 122880 : i32
      %dma_wait3A_1289 = tpu.memref_slice %arg4[%dma_wait3A_1288] : memref<125008xf32, #tpu.memory_space<vmem>> -> memref<2048xf32, #tpu.memory_space<vmem>>
      %dma_wait3A_1290 = tpu.memref_slice %arg3[%add3A_1287] : memref<2000000xf32, #tpu.memory_space<hbm>> -> memref<2048xf32, #tpu.memory_space<hbm>>
      %dma_wait3A_1291 = tpu.memref_slice %arg3[%add3A_1287] : memref<2000000xf32, #tpu.memory_space<hbm>> -> memref<2048xf32, #tpu.memory_space<hbm>>
      %dma_wait3A_1292 = arith.constant 122880 : i32
      %dma_wait3A_1293 = tpu.memref_slice %arg4[%dma_wait3A_1292] : memref<125008xf32, #tpu.memory_space<vmem>> -> memref<2048xf32, #tpu.memory_space<vmem>>
      tpu.wait_dma2 semaphore(%arg8 : memref<!tpu.dma_semaphore, #tpu.memory_space<semaphore_mem>>) src(%dma_wait3A_1293 : memref<2048xf32, #tpu.memory_space<vmem>>) dst(%dma_wait3A_1291 : memref<2048xf32, #tpu.memory_space<hbm>>)
      %mul3A_1294 = arith.constant 125000 : i32
      %mul3A_1295 = arith.muli %add3A, %mul3A_1294 : i32
      %add3A_1296 = arith.constant 124928 : i32
      %add3A_1297 = arith.addi %mul3A_1295, %add3A_1296 : i32
      %dma_wait3A_1298 = arith.constant 124928 : i32
      %dma_wait3A_1299 = tpu.memref_slice %arg4[%dma_wait3A_1298] : memref<125008xf32, #tpu.memory_space<vmem>> -> memref<72xf32, #tpu.memory_space<vmem>>
      %dma_wait3A_1300 = tpu.memref_slice %arg3[%add3A_1297] : memref<2000000xf32, #tpu.memory_space<hbm>> -> memref<72xf32, #tpu.memory_space<hbm>>
      %dma_wait3A_1301 = tpu.memref_slice %arg3[%add3A_1297] : memref<2000000xf32, #tpu.memory_space<hbm>> -> memref<72xf32, #tpu.memory_space<hbm>>
      %dma_wait3A_1302 = arith.constant 124928 : i32
      %dma_wait3A_1303 = tpu.memref_slice %arg4[%dma_wait3A_1302] : memref<125008xf32, #tpu.memory_space<vmem>> -> memref<72xf32, #tpu.memory_space<vmem>>
      tpu.wait_dma2 semaphore(%arg8 : memref<!tpu.dma_semaphore, #tpu.memory_space<semaphore_mem>>) src(%dma_wait3A_1303 : memref<72xf32, #tpu.memory_space<vmem>>) dst(%dma_wait3A_1301 : memref<72xf32, #tpu.memory_space<hbm>>)
    } else {
    }
    return
  }
}

module attributes {stable_mosaic.version = 14 : i64} {
  func.func @_enc_body(%arg0: i32, %arg1: memref<3x8x131072xf32, #tpu.memory_space<vmem>>, %arg2: memref<8x131072xi32, #tpu.memory_space<vmem>>, %arg3: memref<1048576xi32, #tpu.memory_space<vmem>>) attributes {dimension_semantics = [#tpu.dimension_semantics<arbitrary>], iteration_bounds = array<i64: 2>, scalar_prefetch = 0 : i64, scratch_operands = 0 : i64, tpu.core_type = #tpu.core_type<tc>, window_params = [{transform_indices = @transform_0, window_bounds = array<i64: 3, 8, 131072>}, {transform_indices = @transform_1, window_bounds = array<i64: 8, 131072>}, {transform_indices = @transform_2, window_bounds = array<i64: 1048576>}]} {
    %get3A = arith.constant 0 : index
    %get3A_0 = arith.constant 0 : index
    %get3A_1 = arith.constant 0 : index
    %get3A_2 = vector.load %arg1[%get3A, %get3A_0, %get3A_1] : memref<3x8x131072xf32, #tpu.memory_space<vmem>>, vector<1x8x131072xf32>
    %get3A_3 = vector.shape_cast %get3A_2 : vector<1x8x131072xf32> to vector<8x131072xf32>
    %add3A = arith.constant 2.000000e+00 : f32
    %add3A_4 = vector.broadcast %add3A : f32 to vector<8x131072xf32>
    %add3A_5 = arith.addf %get3A_3, %add3A_4 : vector<8x131072xf32>
    %mul3A = arith.constant 2.500000e-01 : f32
    %mul3A_6 = vector.broadcast %mul3A : f32 to vector<8x131072xf32>
    %mul3A_7 = arith.mulf %add3A_5, %mul3A_6 : vector<8x131072xf32>
    %mul3A_8 = arith.constant 4.900000e+01 : f32
    %mul3A_9 = vector.broadcast %mul3A_8 : f32 to vector<8x131072xf32>
    %mul3A_10 = arith.mulf %mul3A_7, %mul3A_9 : vector<8x131072xf32>
    %floor3A = math.floor %mul3A_10 : vector<8x131072xf32>
    %convert_element_type3A = arith.fptosi %floor3A : vector<8x131072xf32> to vector<8x131072xi32>
    %jit3A = arith.constant 0 : i32
    %jit3A_11 = arith.constant 49 : i32
    %max3A = vector.broadcast %jit3A : i32 to vector<8x131072xi32>
    %max3A_12 = arith.maxsi %max3A, %convert_element_type3A : vector<8x131072xi32>
    %min3A = vector.broadcast %jit3A_11 : i32 to vector<8x131072xi32>
    %min3A_13 = arith.minsi %min3A, %max3A_12 : vector<8x131072xi32>
    %get3A_14 = arith.constant 1 : index
    %get3A_15 = arith.constant 0 : index
    %get3A_16 = arith.constant 0 : index
    %get3A_17 = vector.load %arg1[%get3A_14, %get3A_15, %get3A_16] : memref<3x8x131072xf32, #tpu.memory_space<vmem>>, vector<1x8x131072xf32>
    %get3A_18 = vector.shape_cast %get3A_17 : vector<1x8x131072xf32> to vector<8x131072xf32>
    %add3A_19 = arith.constant 2.000000e+00 : f32
    %add3A_20 = vector.broadcast %add3A_19 : f32 to vector<8x131072xf32>
    %add3A_21 = arith.addf %get3A_18, %add3A_20 : vector<8x131072xf32>
    %mul3A_22 = arith.constant 2.500000e-01 : f32
    %mul3A_23 = vector.broadcast %mul3A_22 : f32 to vector<8x131072xf32>
    %mul3A_24 = arith.mulf %add3A_21, %mul3A_23 : vector<8x131072xf32>
    %mul3A_25 = arith.constant 4.900000e+01 : f32
    %mul3A_26 = vector.broadcast %mul3A_25 : f32 to vector<8x131072xf32>
    %mul3A_27 = arith.mulf %mul3A_24, %mul3A_26 : vector<8x131072xf32>
    %floor3A_28 = math.floor %mul3A_27 : vector<8x131072xf32>
    %convert_element_type3A_29 = arith.fptosi %floor3A_28 : vector<8x131072xf32> to vector<8x131072xi32>
    %jit3A_30 = arith.constant 0 : i32
    %jit3A_31 = arith.constant 49 : i32
    %max3A_32 = vector.broadcast %jit3A_30 : i32 to vector<8x131072xi32>
    %max3A_33 = arith.maxsi %max3A_32, %convert_element_type3A_29 : vector<8x131072xi32>
    %min3A_34 = vector.broadcast %jit3A_31 : i32 to vector<8x131072xi32>
    %min3A_35 = arith.minsi %min3A_34, %max3A_33 : vector<8x131072xi32>
    %get3A_36 = arith.constant 2 : index
    %get3A_37 = arith.constant 0 : index
    %get3A_38 = arith.constant 0 : index
    %get3A_39 = vector.load %arg1[%get3A_36, %get3A_37, %get3A_38] : memref<3x8x131072xf32, #tpu.memory_space<vmem>>, vector<1x8x131072xf32>
    %get3A_40 = vector.shape_cast %get3A_39 : vector<1x8x131072xf32> to vector<8x131072xf32>
    %add3A_41 = arith.constant 2.000000e+00 : f32
    %add3A_42 = vector.broadcast %add3A_41 : f32 to vector<8x131072xf32>
    %add3A_43 = arith.addf %get3A_40, %add3A_42 : vector<8x131072xf32>
    %mul3A_44 = arith.constant 2.500000e-01 : f32
    %mul3A_45 = vector.broadcast %mul3A_44 : f32 to vector<8x131072xf32>
    %mul3A_46 = arith.mulf %add3A_43, %mul3A_45 : vector<8x131072xf32>
    %mul3A_47 = arith.constant 4.900000e+01 : f32
    %mul3A_48 = vector.broadcast %mul3A_47 : f32 to vector<8x131072xf32>
    %mul3A_49 = arith.mulf %mul3A_46, %mul3A_48 : vector<8x131072xf32>
    %floor3A_50 = math.floor %mul3A_49 : vector<8x131072xf32>
    %convert_element_type3A_51 = arith.fptosi %floor3A_50 : vector<8x131072xf32> to vector<8x131072xi32>
    %jit3A_52 = arith.constant 0 : i32
    %jit3A_53 = arith.constant 49 : i32
    %max3A_54 = vector.broadcast %jit3A_52 : i32 to vector<8x131072xi32>
    %max3A_55 = arith.maxsi %max3A_54, %convert_element_type3A_51 : vector<8x131072xi32>
    %min3A_56 = vector.broadcast %jit3A_53 : i32 to vector<8x131072xi32>
    %min3A_57 = arith.minsi %min3A_56, %max3A_55 : vector<8x131072xi32>
    %mul3A_58 = arith.constant 50 : i32
    %mul3A_59 = vector.broadcast %mul3A_58 : i32 to vector<8x131072xi32>
    %mul3A_60 = arith.muli %min3A_13, %mul3A_59 : vector<8x131072xi32>
    %add3A_61 = arith.addi %mul3A_60, %min3A_35 : vector<8x131072xi32>
    %mul3A_62 = arith.constant 50 : i32
    %mul3A_63 = vector.broadcast %mul3A_62 : i32 to vector<8x131072xi32>
    %mul3A_64 = arith.muli %add3A_61, %mul3A_63 : vector<8x131072xi32>
    %add3A_65 = arith.addi %mul3A_64, %min3A_57 : vector<8x131072xi32>
    %get3A_66 = arith.constant 0 : index
    %get3A_67 = arith.constant 0 : index
    %get3A_68 = vector.load %arg2[%get3A_66, %get3A_67] : memref<8x131072xi32, #tpu.memory_space<vmem>>, vector<8x131072xi32>
    %get3A_69 = arith.constant dense<0> : vector<8x131072xi32>
    %get3A_70 = arith.cmpi ne, %get3A_68, %get3A_69 : vector<8x131072xi32>
    %jit3A_71 = arith.constant -1 : i32
    %broadcast_in_dim3A = vector.broadcast %jit3A_71 : i32 to vector<8x131072xi32>
    %select_n3A = arith.select %get3A_70, %add3A_65, %broadcast_in_dim3A : vector<8x131072xi1>, vector<8x131072xi32>
    %reshape3A = vector.shape_cast %select_n3A : vector<8x131072xi32> to vector<1048576xi32>
    %swap3A = arith.constant 0 : index
    %swap3A_72 = vector.load %arg3[%swap3A] : memref<1048576xi32, #tpu.memory_space<vmem>>, vector<1048576xi32>
    tpu.vector_store %arg3[%swap3A], %reshape3A {strides = array<i32>} : memref<1048576xi32, #tpu.memory_space<vmem>>, vector<1048576xi32>,
    return
  }
  func.func @transform_0(%arg0: i32) -> (i32, i32, i32) {
    %c0_i32 = arith.constant 0 : i32
    %c0_i32_0 = arith.constant 0 : i32
    %c0_i32_1 = arith.constant 0 : i32
    return %c0_i32, %arg0, %c0_i32_0 : i32, i32, i32
  }
  func.func @transform_1(%arg0: i32) -> (i32, i32) {
    %c0_i32 = arith.constant 0 : i32
    %c0_i32_0 = arith.constant 0 : i32
    return %arg0, %c0_i32 : i32, i32
  }
  func.func @transform_2(%arg0: i32) -> i32 {
    %c0_i32 = arith.constant 0 : i32
    return %arg0 : i32
  }
}

</mosaic_0001>

<sc_bundles>
// kernel: kernel.4.cloned.1.call-start
scs
__scs_entry_jumppad:
0x0: {  	(pc) =	sbr.rel $0x88, $3  }
0x1: {  	(tag) =	ssettag $0x0;
	lr =	simm.s32 $0x1  }
0x2: {  	[smem:$0x3F9F] =	sst lr;
	_ =	strace $0xD0000000  }
0x3: {  	_ = 	snop  }
0x4: {  	_ = 	snop  }
0x5: {  	_ = 	snop  }
0x6: {  	_ = 	snop  }
0x7: {  	_ = 	snop  }
__scs_overlays_trampoline_lowered:
0x8: {  	[smem:$0x3FAE] =	sst s0  }
0x9: {  	[smem:$0x3FAF] =	sst s1  }
0xa: {  	[smem:$0x3FB0] =	sst s2  }
0xb: {  	[smem:$0x3FB1] =	sst s3  }
0xc: {  	[smem:$0x3FB2] =	sst s4  }
0xd: {  	[smem:$0x3FB3] =	sst s5  }
0xe: {  	[smem:$0x3FB4] =	sst s6  }
0xf: {  	[smem:$0x3FB5] =	sst s7  }
0x10: {  	[smem:$0x3FB6] =	sst s8  }
0x11: {  	[smem:$0x3FB7] =	sst s9;
	s0 =	simm.s32 @!p0 $0x0  }
0x12: {  	s1 =	sld [smem:$0x3F9D];
	s0 =	simm.s32 @p0 $0x1  }
0x13: {  	[smem:$0x3FB8] =	sst s0;
	s0 =	simm.s32 @!p1 $0x0  }
0x14: {  	s2 =	sld [smem:$0x3F9C];
	s0 =	simm.s32 @p1 $0x1  }
0x15: {  	[smem:$0x3FB9] =	sst s0;
	s0 =	simm.s32 @!p2 $0x0  }
0x16: {  	s3 =	sld [smem:$0x3FDB];
	s0 =	simm.s32 @p2 $0x1  }
0x17: {  	s4 =	simm.s32 $0x1BF5;
	[smem:$0x3FBB] =	sst s0  }
0x18: {  	s0 =	sld [smem:$0x3F9E];
	_ =	swait.ge [sflag:s4], $0x0  }
0x19: {  	s7 =	sld [smem:$0x3F9F]  }
0x1a: {  	s8 =	sadd.s32 $0xFFFFE003, lr  }
0x1b: {  	s9 =	sadd.s32 $0xFFFFFEF7, lr;
	s5 =	simm.s32 $0xFFFFFFFF;
	p2 =	slt.u32 s8, $0xFFFFF086  }
0x1c: {  	p1 =	slt.u32 s9, $0xF7A;
	s5 =	simm.s32 @!p2 $0x0  }
0x1d: {  	s5 =	simm.s32 @p1 $0x1;
	p0 =	seq.s32 s7, s2  }
0x1e: {  	s7 =	smul.u32 @!p0 $0xF7A, s2;
	p2 =	seq.s32 @!p0 s5, $0x0  }
0x1f: {  	s9 =	smul.u32 $0xF7A, s1;
	s8 =	simm.s32 @!p0 $0x1BF5;
	p2 =	por !p2, p0  }
0x20: {  	[sflag:s8] =	ssyncset.s32 @!p0 $0xFFFFF086;
	s6 =	sadd.s32 @!p0 s3, s7;
	s7 =	simm.s32 @!p0 $0x108  }
0x21: {  	s3 =	sadd.s32 s3, s9;
	s6 =	sadd.s32 @!p0 $0x88, s6;
	s7 =	simm.s32 @p2 $0x1082  }
0x22: {  	[simem:s7], [sflag:s8] =	dma.local @!p0 [hbm:s6], $0xF7A  }
0x23: {  	s9 =	sor.u32 $0xD0000000, s2;
	s6 =	simm.s32 $0x108;
	_ =	swait.ge @!p0 [sflag:s8], $0x0  }
0x24: {  	s3 =	sadd.s32 $0x88, s3;
	s6 =	simm.s32 @!p1 $0x1082;
	[sflag:s4] =	ssyncset.s32 $0xFFFFF086  }
0x25: {  	[simem:s6], [sflag:s4] =	dma.local [hbm:s3], $0xF7A  }
0x26: {  	[smem:$0x3F9F] =	sst s1;
	(tag) =	ssettag s2;
	_ =	strace s9  }
0x27: {  	s1 =	sld [smem:$0x3FAF]  }
0x28: {  	s2 =	sld [smem:$0x3FB0]  }
0x29: {  	s4 =	sld [smem:$0x3FB2]  }
0x2a: {  	p0 =	seq.s32 s5, $0x0;
	s5 =	sld [smem:$0x3FB3]  }
0x2b: {  	s6 =	sld [smem:$0x3FB4]  }
0x2c: {  	s7 =	sld [smem:$0x3FB5]  }
0x2d: {  	s3 =	simm.s32 $0x108;
	s8 =	sld [smem:$0x3FB6]  }
0x2e: {  	s3 =	simm.s32 @!p0 $0x1082;
	s9 =	sld [smem:$0x3FB7]  }
0x2f: {  	lr =	sadd.s32 s0, s3;
	s0 =	sld [smem:$0x3FAE]  }
0x30: {  	s3 =	sld [smem:$0x3FB1]  }
0x31: {  	[smem:$0x3FBA] =	sst s10  }
0x32: {  	s10 =	sld [smem:$0x3FB8];
	_ =	sdelay $0x3  }
0x33: {  	p0 =	seq.s32 s10, $0x1;
	s10 =	sld [smem:$0x3FBA];
	_ =	sdelay $0x3  }
0x34: {  	[smem:$0x3FBA] =	sst s10  }
0x35: {  	s10 =	sld [smem:$0x3FB9];
	_ =	sdelay $0x3  }
0x36: {  	p1 =	seq.s32 s10, $0x1;
	s10 =	sld [smem:$0x3FBA];
	_ =	sdelay $0x3  }
0x37: {  	[smem:$0x3FBA] =	sst s10  }
0x38: {  	s10 =	sld [smem:$0x3FBB]  }
0x39: {  	_ = 	snop;
	(pc) =	sbr.ind lr, $3  }
0x3a: {  	_ = 	snop  }
0x3b: {  	_ = 	snop  }
0x3c: {  	p2 =	seq.s32 s10, $0x1;
	s10 =	sld [smem:$0x3FBA]  }
0x3d: {  	_ =	shalt  }
0x3e: {  	_ =	shalt  }
0x3f: {  	_ =	shalt  }
0x40: {  	_ =	shalt  }
0x41: {  	_ =	shalt  }
0x42: {  	_ =	shalt  }
0x43: {  	_ =	shalt  }
0x44: {  	_ =	shalt  }
0x45: {  	_ =	shalt  }
0x46: {  	_ =	shalt  }
0x47: {  	_ =	shalt  }
0x48: {  	_ =	shalt  }
0x49: {  	_ =	shalt  }
0x4a: {  	_ =	shalt  }
0x4b: {  	_ =	shalt  }
0x4c: {  	_ =	shalt  }
0x4d: {  	_ =	shalt  }
0x4e: {  	_ =	shalt  }
0x4f: {  	_ =	shalt  }
0x50: {  	_ =	shalt  }
0x51: {  	_ =	shalt  }
0x52: {  	_ =	shalt  }
0x53: {  	_ =	shalt  }
0x54: {  	_ =	shalt  }
0x55: {  	_ =	shalt  }
0x56: {  	_ =	shalt  }
0x57: {  	_ =	shalt  }
0x58: {  	_ =	shalt  }
0x59: {  	_ =	shalt  }
0x5a: {  	_ =	shalt  }
0x5b: {  	_ =	shalt  }
0x5c: {  	_ =	shalt  }
0x5d: {  	_ =	shalt  }
0x5e: {  	_ =	shalt  }
0x5f: {  	_ =	shalt  }
0x60: {  	_ =	shalt  }
0x61: {  	_ =	shalt  }
0x62: {  	_ =	shalt  }
0x63: {  	_ =	shalt  }
0x64: {  	_ =	shalt  }
0x65: {  	_ =	shalt  }
0x66: {  	_ =	shalt  }
0x67: {  	_ =	shalt  }
0x68: {  	_ =	shalt  }
0x69: {  	_ =	shalt  }
0x6a: {  	_ =	shalt  }
0x6b: {  	_ =	shalt  }
0x6c: {  	_ =	shalt  }
0x6d: {  	_ =	shalt  }
0x6e: {  	_ =	shalt  }
0x6f: {  	_ =	shalt  }
0x70: {  	_ =	shalt  }
0x71: {  	_ =	shalt  }
0x72: {  	_ =	shalt  }
0x73: {  	_ =	shalt  }
0x74: {  	_ =	shalt  }
0x75: {  	_ =	shalt  }
0x76: {  	_ =	shalt  }
0x77: {  	_ =	shalt  }
0x78: {  	_ =	shalt  }
0x79: {  	_ =	shalt  }
0x7a: {  	_ =	shalt  }
0x7b: {  	_ =	shalt  }
0x7c: {  	_ =	shalt  }
0x7d: {  	_ =	shalt  }
0x7e: {  	_ =	shalt  }
0x7f: {  	_ =	shalt  }
0x80: {  	_ =	shalt  }
0x81: {  	_ =	shalt  }
0x82: {  	_ =	shalt  }
0x83: {  	_ =	shalt  }
0x84: {  	_ =	shalt  }
0x85: {  	_ =	shalt  }
0x86: {  	_ =	shalt  }
0x87: {  	_ =	shalt  }
.Lfunc_end0:
.L_simem_size_0:
called_computation_lowered:
.L_overlay_start_0:
0x88: {  	s2 =	sld [smem:$0x3FD9]  }
0x89: {  	s3 =	sld [smem:$0x3FFE];
	_ =	sdelay $0x1  }
0x8a: {  	s1 =	srdreg.scid  }
0x8b: {  	s0 =	sand.u32 $0x1, s1  }
0x8c: {  	s17 =	sshll.u32 s0, $0xA;
	s2 =	sadd.s32 s3, s2  }
0x8d: {  	s2 =	sadd.s32 s2, s17  }
0x8e: {  	[smem:$0x3FC6] =	sst s2  }
0x8f: {  	_ = 	snop  }
0x90: {  	s2 =	sld [smem:$0x3FD0];
	(tm) =	ssettm $0x1  }
0x91: {  	s18 =	sld [smem:$0x3FFB];
	_ =	sdelay $0x3  }
0x92: {  	_ =	strace s18  }
0x93: {  	s3 =	sld [smem:$0x3FFC];
	_ =	sdelay $0x3  }
0x94: {  	_ =	strace s3  }
0x95: {  	s3 =	sld [smem:$0x3FFD];
	_ =	sdelay $0x3  }
0x96: {  	_ =	strace s3  }
0x97: {  	_ =	strace $0x8FFFFFFF  }
0x98: {  	s19 =	sld [smem:$0x3FDB];
	_ =	sdelay $0x1  }
0x99: {  	s4 =	simm.s32 $_scs_section_size  }
0x9a: {  	s5 =	simm.s32 $_size__tile_overlayer_lowered;
	s6 =	simm.s32 $_tile_overlayer_lowered  }
0x9b: {  	s22 =	simm.s32 $0x1BFF;
	s21 =	sshll.u32 s6, $0x1;
	s3 =	sadd.s32 s4, s19  }
0x9c: {  	s7 =	simm.s32 $0x0;
	s20 =	sshll.u32 s5, $0x1;
	s5 =	sadd.s32 s21, s3  }
0x9d: {  	[timem:s7], [sflag:s22] =	dma.local [hbm:s5], s20  }
0x9e: {  	_ =	swait.ge [sflag:s22], s20  }
0x9f: {  	s4 =	ssub.s32 $0x0, s20;
	[sflag:s22] =	ssyncset.done $0x0  }
0xa0: {  	[sflag:s22] =	ssyncadd.s32 s4;
	_ =	sdelay $0x1  }
0xa1: {  	s23 =	simm.s32 $0x1B8B  }
0xa2: {  	_ =	swait.ge [sflag:s23], $0x1  }
0xa3: {  	[sflag:s23] =	ssyncset.done $0x0  }
0xa4: {  	s25 =	simm.s32 $0x1B8E;
	s24 =	sld [smem:$0x3FFE];
	[sflag:s23] =	ssyncadd.s32 $0xFFFFFFFF  }
0xa5: {  	s26 =	simm.s32 $execute0_lowered;
	[smem:$0x3FD2] =	sst s25  }
0xa6: {  	s5 =	sshll.u32 s26, $0x1;
	_ =	strace $0x80000046;
	[dreg:$0x1] =	wrdreg $0xFFFFFFFF  }
0xa7: {  	s28 =	simm.s32 $_size_execute0_lowered;
	s3 =	sadd.s32 s3, s5;
	[dreg:$0x0] =	wrdreg $0x0  }
0xa8: {  	s5 =	sshll.u32 s28, $0x1;
	[dreg:$0x2] =	wrdreg s3  }
0xa9: {  	[dreg:$0x3] =	wrdreg s5  }
0xaa: {  	[dreg:$0x4] =	wrdreg $0xC0  }
0xab: {  	_ =	task [dreg:s7], $0x5FFFF  }
0xac: {  	[dreg:$0x1] =	wrdreg $0xFFFFFFFF  }
0xad: {  	[dreg:$0x0] =	wrdreg $0x60  }
0xae: {  	[dreg:$0x2] =	wrdreg s2  }
0xaf: {  	[dreg:$0x3] =	wrdreg s24  }
0xb0: {  	[dreg:$0x4] =	wrdreg $0x9  }
0xb1: {  	_ =	task.clear_ibuf [dreg:s7], $0x5FFFF;
	_ =	strace $0x90000046  }
0xb2: {  	s29 =	simm.s32 $0x9;
	_ =	strace $0x80000048  }
0xb3: {  	_ =	swait.ge [sflag:s29], $0x1  }
0xb4: {  	[sflag:s29] =	ssyncadd.s32 $0xFFFFFFFF  }
0xb5: {  	_ =	strace $0x90000048  }
0xb6: {  	_ =	sfence  }
0xb7: {  	s30 =	sld [smem:$0x0];
	_ =	sdelay $0x2  }
0xb8: {  	s31 =	sshll.u32 s1, $0xD;
	s1 =	sshrl.u32 s1, $0x2  }
0xb9: {  	s3 =	sand.u32 $0x4000, s31;
	s1 =	sadd.s32 s1, s30  }
0xba: {  	s0 =	sor.u32 s3, s0;
	s1 =	sshll.u32 s1, $0x11  }
0xbb: {  	s0 =	sor.u32 s1, s0  }
0xbc: {  	s0 =	sadd.s32 $0x8F2B, s0  }
0xbd: {  	[sflag:s0] =	ssyncadd.remote.s32 $0x1  }
0xbe: {  	_ =	sfence.sel $0xFFFF  }
0xbf: {  	[dreg:$0x0] =	wrdreg $0xFFFFFFFF;
	(pc) =	sbr.abs _section_cstart, $3  }
0xc0: {  	[dreg:$0x1] =	wrdreg $0xFFFFFFFF  }
0xc1: {  	_ =	task.clear_ibuf [dreg:s7], $0x2FFFF;
	_ =	strace $0x9FFFFFFF  }
0xc2: {  	(tm) =	ssettm $0x7FFFFFFF  }
0xc3: {  	_ =	shalt  }
tec
execute0_lowered:
.L_overlay_start_1:
0x0: {  	(tag) =	ssettag $0x1  }
0x1: {  	s1 =	stileid.u32  }
0x2: {  	p0 =	sgt.u32 s1, $0x7  }
.Ltmp0:
0x3: {  	_ = 	snop;
	(pc) =	sbr.rel @p0 .LBB2_12-.Ltmp0, $4  }
0x4: {  	_ = 	snop  }
0x5: {  	s2 =	rddreg [dreg:$0x0];
	s3 =	simm.s32 $0x0  }
0x6: {  	[smem:$0x7FF] =	sst s3  }
0x7: {  	s0 =	rddreg [dreg:$0x1];
	_ =	strace $0x80000047  }
0x8: {  	s1 =	srdreg.scid;
	s4 =	stileid.u32  }
0x9: {  	s1 =	sand.u32 $0x1, s1;
	s4 =	sshll.u32 s4, $0x1  }
0xa: {  	s6 =	sor.u32 s1, s4  }
0xb: {  	s4 =	smul.u32 $0x1E848, s6;
	_ =	sdelay $0x1  }
0xc: {  	s4 =	sshrl.u32 s4, $0x3  }
0xd: {  	s13 =	sadd.s32 s4, s0  }
0xe: {  	s15 =	sadd.s32 $0x600, s13  }
0xf: {  	s16 =	sadd.s32 $0x700, s13;
	[dreg:$0x3] =	wrdreg s15  }
0x10: {  	s17 =	sadd.s32 $0x800, s13;
	[dreg:$0x4] =	wrdreg s16  }
0x11: {  	s18 =	sadd.s32 $0x900, s13;
	[dreg:$0x5] =	wrdreg s17  }
0x12: {  	s19 =	sadd.s32 $0xA00, s13;
	[dreg:$0x6] =	wrdreg s18  }
0x13: {  	s20 =	sadd.s32 $0xB00, s13;
	[dreg:$0x7] =	wrdreg s19  }
0x14: {  	s21 =	sadd.s32 $0xC00, s13;
	[dreg:$0x8] =	wrdreg s20  }
0x15: {  	s22 =	sadd.s32 $0xD00, s13;
	[dreg:$0x9] =	wrdreg s21  }
0x16: {  	s23 =	sadd.s32 $0xE00, s13;
	[dreg:$0xa] =	wrdreg s22  }
0x17: {  	s24 =	sadd.s32 $0xF00, s13;
	[dreg:$0xb] =	wrdreg s23  }
0x18: {  	s25 =	sadd.s32 $0x1000, s13;
	[dreg:$0xc] =	wrdreg s24  }
0x19: {  	s26 =	sadd.s32 $0x1100, s13;
	[dreg:$0xd] =	wrdreg s25  }
0x1a: {  	s7 =	sadd.s32 $0x1200, s13;
	[dreg:$0xe] =	wrdreg s26  }
0x1b: {  	s8 =	sadd.s32 $0x1300, s13;
	[dreg:$0xf] =	wrdreg s7  }
0x1c: {  	s9 =	sadd.s32 $0x1400, s13;
	[dreg:$0x10] =	wrdreg s8  }
0x1d: {  	s14 =	sshll.u32 s6, $0x11;
	s10 =	sadd.s32 $0x1500, s13;
	[dreg:$0x11] =	wrdreg s9  }
0x1e: {  	s5 =	sor.u32 $0x1800, s14;
	s11 =	sadd.s32 $0x1600, s13;
	[dreg:$0x12] =	wrdreg s10  }
0x1f: {  	s4 =	sor.u32 $0x1000, s14;
	s12 =	sadd.s32 $0x1700, s13;
	[dreg:$0x13] =	wrdreg s11  }
0x20: {  	s14 =	ssub.s32 $0x2, s1;
	s1 =	sadd.s32 $0x2300, s13;
	[dreg:$0x14] =	wrdreg s12  }
0x21: {  	s15 =	sadd.s32 $0x1800, s13;
	[smem:$0x7EB] =	sst s1  }
0x22: {  	s16 =	sadd.s32 $0x1900, s13;
	[dreg:$0x15] =	wrdreg s15  }
0x23: {  	s18 =	sadd.s32 $0x1A00, s13;
	[dreg:$0x16] =	wrdreg s16  }
0x24: {  	s19 =	sadd.s32 $0x1B00, s13;
	[dreg:$0x17] =	wrdreg s18  }
0x25: {  	s20 =	sadd.s32 $0x1C00, s13;
	[dreg:$0x18] =	wrdreg s19  }
0x26: {  	s21 =	sadd.s32 $0x1D00, s13;
	[dreg:$0x19] =	wrdreg s20  }
0x27: {  	s22 =	sadd.s32 $0x1E00, s13;
	[dreg:$0x1a] =	wrdreg s21  }
0x28: {  	s23 =	sadd.s32 $0x1F00, s13;
	[dreg:$0x1b] =	wrdreg s22  }
0x29: {  	s24 =	sadd.s32 $0x2000, s13;
	[dreg:$0x1c] =	wrdreg s23  }
0x2a: {  	s25 =	sadd.s32 $0x2100, s13;
	[dreg:$0x1d] =	wrdreg s24  }
0x2b: {  	s26 =	sadd.s32 $0x2200, s13;
	[dreg:$0x1e] =	wrdreg s25  }
0x2c: {  	s7 =	sadd.s32 $0x2500, s13;
	[dreg:$0x1f] =	wrdreg s26  }
0x2d: {  	s8 =	sadd.s32 $0x2600, s13;
	[smem:$0x7ED] =	sst s7  }
0x2e: {  	s9 =	sadd.s32 $0x2700, s13;
	[smem:$0x7EE] =	sst s8  }
0x2f: {  	s28 =	sadd.s32 $0x3600, s13;
	s10 =	sadd.s32 $0x2800, s13;
	[smem:$0x7EF] =	sst s9  }
0x30: {  	s17 =	sshrl.u32 s14, $0x1;
	s11 =	sadd.s32 $0x2900, s13;
	[smem:$0x7F0] =	sst s10  }
0x31: {  	s12 =	sadd.s32 $0x2A00, s13;
	s15 =	ssub.s32 s14, s17;
	[smem:$0x7F1] =	sst s11  }
0x32: {  	s14 =	sshll.u32 s6, $0xE;
	s6 =	sadd.s32 $0x2400, s13;
	[smem:$0x7F2] =	sst s12  }
0x33: {  	s29 =	sadd.s32 $0x3700, s13;
	s16 =	sadd.s32 $0x2B00, s13;
	[smem:$0x7EC] =	sst s6  }
0x34: {  	s30 =	sadd.s32 $0x3800, s13;
	s17 =	sadd.s32 $0x2C00, s13;
	[smem:$0x7F3] =	sst s16  }
0x35: {  	s31 =	sadd.s32 $0x3900, s13;
	s18 =	sadd.s32 $0x2D00, s13;
	[smem:$0x7F4] =	sst s17  }
0x36: {  	s0 =	sadd.s32 $0x3A00, s13;
	s19 =	sadd.s32 $0x2E00, s13;
	[smem:$0x7F5] =	sst s18  }
0x37: {  	s1 =	sadd.s32 $0x3B00, s13;
	s20 =	sadd.s32 $0x2F00, s13;
	[smem:$0x7F6] =	sst s19  }
0x38: {  	s21 =	sadd.s32 $0x3000, s13;
	s22 =	sadd.s32 $0x3100, s13;
	[smem:$0x7F7] =	sst s20  }
0x39: {  	s23 =	sadd.s32 $0x3200, s13;
	s24 =	sadd.s32 $0x3300, s13;
	[smem:$0x7F8] =	sst s21  }
0x3a: {  	s25 =	sadd.s32 $0x3400, s13;
	s26 =	sadd.s32 $0x3500, s13;
	[smem:$0x7F9] =	sst s22  }
0x3b: {  	s7 =	sadd.s32 $0x3D00, s13;
	s8 =	sadd.s32 $0x3E00, s13;
	[smem:$0x7FA] =	sst s23  }
0x3c: {  	s9 =	sadd.s32 $0x3F00, s13;
	s10 =	sadd.s32 $0x4000, s13;
	[smem:$0x7FB] =	sst s24  }
.Ltmp1:
0x3d: {  	s11 =	sadd.s32 $0x4100, s13;
	[smem:$0x7FC] =	sst s25;
	(pc) =	sbr.rel .LBB2_2-.Ltmp1, $4  }
0x3e: {  	s12 =	sadd.s32 $0x4200, s13;
	[smem:$0x7FD] =	sst s26;
	s6 =	sadd.s32 $0x3C00, s13  }
0x3f: {  	s13 =	sadd.s32 $0x4300, s13;
	s14 =	sadd.s32 s2, s14;
	s15 =	smax.u32 s15, $0x1  }
0x40: {  	s17 =	simm.s32 $0x1F080;
	s18 =	simm.s32 $0x1;
	s19 =	simm.s32 $0x2  }
0x41: {  	v0 =	vimm.f32 $0.0e+00;
	v1 =	vimm.f32 $1.000000000e+00;
	s20 =	simm.s32 $0x3;
	s21 =	simm.s32 $0x0;
	s16 =	sadd.s32 $0x100, s14  }
.LBB2_11:
0x42: {  	s22 =	rddreg [dreg:$0x3]  }
0x43: {  	s24 =	rddreg [dreg:$0x4]  }
0x44: {  	[hbm4b:s22+s3] =	stream.linear.scatter [tilespmem:s3], [sflag:$0x3], $0x800, $0x38;
	[tilespmem:$0x1F880] =	vst v63  }
0x45: {  	s23 =	simm.s32 $0x800;
	s25 =	rddreg [dreg:$0x5]  }
0x46: {  	[hbm4b:s24+s3] =	stream.linear.scatter [tilespmem:s23], [sflag:$0x3], $0x800, $0x38;
	[tilespmem:$0x1F880] =	vst v63  }
0x47: {  	s26 =	simm.s32 $0x1000;
	s23 =	rddreg [dreg:$0x6]  }
0x48: {  	[hbm4b:s25+s3] =	stream.linear.scatter [tilespmem:s26], [sflag:$0x3], $0x800, $0x38;
	[tilespmem:$0x1F880] =	vst v63  }
0x49: {  	s24 =	simm.s32 $0x1800;
	s25 =	rddreg [dreg:$0x7]  }
0x4a: {  	[hbm4b:s23+s3] =	stream.linear.scatter [tilespmem:s24], [sflag:$0x3], $0x800, $0x38;
	[tilespmem:$0x1F880] =	vst v63  }
0x4b: {  	s26 =	simm.s32 $0x2000;
	s23 =	rddreg [dreg:$0x8]  }
0x4c: {  	[hbm4b:s25+s3] =	stream.linear.scatter [tilespmem:s26], [sflag:$0x3], $0x800, $0x38;
	[tilespmem:$0x1F880] =	vst v63  }
0x4d: {  	s24 =	simm.s32 $0x2800;
	s25 =	rddreg [dreg:$0x9]  }
0x4e: {  	[hbm4b:s23+s3] =	stream.linear.scatter [tilespmem:s24], [sflag:$0x3], $0x800, $0x38;
	[tilespmem:$0x1F880] =	vst v63  }
0x4f: {  	s26 =	simm.s32 $0x3000;
	s23 =	rddreg [dreg:$0xa]  }
0x50: {  	[hbm4b:s25+s3] =	stream.linear.scatter [tilespmem:s26], [sflag:$0x3], $0x800, $0x38;
	[tilespmem:$0x1F880] =	vst v63  }
0x51: {  	s24 =	simm.s32 $0x3800;
	s25 =	rddreg [dreg:$0xb]  }
0x52: {  	[hbm4b:s23+s3] =	stream.linear.scatter [tilespmem:s24], [sflag:$0x3], $0x800, $0x38;
	[tilespmem:$0x1F880] =	vst v63  }
0x53: {  	s26 =	simm.s32 $0x4000;
	s23 =	rddreg [dreg:$0xc]  }
0x54: {  	[hbm4b:s25+s3] =	stream.linear.scatter [tilespmem:s26], [sflag:$0x3], $0x800, $0x38;
	[tilespmem:$0x1F880] =	vst v63  }
0x55: {  	s24 =	simm.s32 $0x4800;
	s25 =	rddreg [dreg:$0xd]  }
0x56: {  	[hbm4b:s23+s3] =	stream.linear.scatter [tilespmem:s24], [sflag:$0x3], $0x800, $0x38;
	[tilespmem:$0x1F880] =	vst v63  }
0x57: {  	s26 =	simm.s32 $0x5000;
	s23 =	rddreg [dreg:$0xe]  }
0x58: {  	[hbm4b:s25+s3] =	stream.linear.scatter [tilespmem:s26], [sflag:$0x3], $0x800, $0x38;
	[tilespmem:$0x1F880] =	vst v63  }
0x59: {  	s24 =	simm.s32 $0x5800;
	s25 =	rddreg [dreg:$0xf]  }
0x5a: {  	[hbm4b:s23+s3] =	stream.linear.scatter [tilespmem:s24], [sflag:$0x3], $0x800, $0x38;
	[tilespmem:$0x1F880] =	vst v63  }
0x5b: {  	s26 =	simm.s32 $0x6000;
	s23 =	rddreg [dreg:$0x10]  }
0x5c: {  	[hbm4b:s25+s3] =	stream.linear.scatter [tilespmem:s26], [sflag:$0x3], $0x800, $0x38;
	[tilespmem:$0x1F880] =	vst v63  }
0x5d: {  	s24 =	simm.s32 $0x6800;
	s25 =	rddreg [dreg:$0x11]  }
0x5e: {  	[hbm4b:s23+s3] =	stream.linear.scatter [tilespmem:s24], [sflag:$0x3], $0x800, $0x38;
	[tilespmem:$0x1F880] =	vst v63  }
0x5f: {  	s26 =	simm.s32 $0x7000;
	s23 =	rddreg [dreg:$0x12]  }
0x60: {  	[hbm4b:s25+s3] =	stream.linear.scatter [tilespmem:s26], [sflag:$0x3], $0x800, $0x38;
	[tilespmem:$0x1F880] =	vst v63  }
0x61: {  	s24 =	simm.s32 $0x7800;
	s25 =	rddreg [dreg:$0x13]  }
0x62: {  	[hbm4b:s23+s3] =	stream.linear.scatter [tilespmem:s24], [sflag:$0x3], $0x800, $0x38;
	[tilespmem:$0x1F880] =	vst v63  }
0x63: {  	s26 =	simm.s32 $0x8000;
	s23 =	rddreg [dreg:$0x14]  }
0x64: {  	[hbm4b:s25+s3] =	stream.linear.scatter [tilespmem:s26], [sflag:$0x3], $0x800, $0x38;
	[tilespmem:$0x1F880] =	vst v63  }
0x65: {  	s24 =	simm.s32 $0x8800;
	s25 =	rddreg [dreg:$0x15]  }
0x66: {  	[hbm4b:s23+s3] =	stream.linear.scatter [tilespmem:s24], [sflag:$0x3], $0x800, $0x38;
	[tilespmem:$0x1F880] =	vst v63  }
0x67: {  	s26 =	simm.s32 $0x9000;
	s23 =	rddreg [dreg:$0x16]  }
0x68: {  	[hbm4b:s25+s3] =	stream.linear.scatter [tilespmem:s26], [sflag:$0x3], $0x800, $0x38;
	[tilespmem:$0x1F880] =	vst v63  }
0x69: {  	s24 =	simm.s32 $0x9800;
	s25 =	rddreg [dreg:$0x17]  }
0x6a: {  	[hbm4b:s23+s3] =	stream.linear.scatter [tilespmem:s24], [sflag:$0x3], $0x800, $0x38;
	[tilespmem:$0x1F880] =	vst v63  }
0x6b: {  	s26 =	simm.s32 $0xA000;
	s23 =	rddreg [dreg:$0x18]  }
0x6c: {  	[hbm4b:s25+s3] =	stream.linear.scatter [tilespmem:s26], [sflag:$0x3], $0x800, $0x38;
	[tilespmem:$0x1F880] =	vst v63  }
0x6d: {  	s24 =	simm.s32 $0xA800;
	s25 =	rddreg [dreg:$0x19]  }
0x6e: {  	[hbm4b:s23+s3] =	stream.linear.scatter [tilespmem:s24], [sflag:$0x3], $0x800, $0x38;
	[tilespmem:$0x1F880] =	vst v63  }
0x6f: {  	s26 =	simm.s32 $0xB000;
	s23 =	rddreg [dreg:$0x1a]  }
0x70: {  	[hbm4b:s25+s3] =	stream.linear.scatter [tilespmem:s26], [sflag:$0x3], $0x800, $0x38;
	[tilespmem:$0x1F880] =	vst v63  }
0x71: {  	s24 =	simm.s32 $0xB800;
	s25 =	rddreg [dreg:$0x1b]  }
0x72: {  	[hbm4b:s23+s3] =	stream.linear.scatter [tilespmem:s24], [sflag:$0x3], $0x800, $0x38;
	[tilespmem:$0x1F880] =	vst v63  }
0x73: {  	s26 =	simm.s32 $0xC000;
	s23 =	rddreg [dreg:$0x1c]  }
0x74: {  	[hbm4b:s25+s3] =	stream.linear.scatter [tilespmem:s26], [sflag:$0x3], $0x800, $0x38;
	[tilespmem:$0x1F880] =	vst v63  }
0x75: {  	s24 =	simm.s32 $0xC800;
	s25 =	rddreg [dreg:$0x1d]  }
0x76: {  	[hbm4b:s23+s3] =	stream.linear.scatter [tilespmem:s24], [sflag:$0x3], $0x800, $0x38;
	[tilespmem:$0x1F880] =	vst v63  }
0x77: {  	s26 =	simm.s32 $0xD000;
	s23 =	rddreg [dreg:$0x1e]  }
0x78: {  	[hbm4b:s25+s3] =	stream.linear.scatter [tilespmem:s26], [sflag:$0x3], $0x800, $0x38;
	[tilespmem:$0x1F880] =	vst v63  }
0x79: {  	s24 =	simm.s32 $0xD800;
	s25 =	rddreg [dreg:$0x1f]  }
0x7a: {  	[hbm4b:s23+s3] =	stream.linear.scatter [tilespmem:s24], [sflag:$0x3], $0x800, $0x38;
	[tilespmem:$0x1F880] =	vst v63  }
0x7b: {  	s26 =	simm.s32 $0xE000;
	s23 =	sld [smem:$0x7EB]  }
0x7c: {  	[hbm4b:s25+s3] =	stream.linear.scatter [tilespmem:s26], [sflag:$0x3], $0x800, $0x38;
	[tilespmem:$0x1F880] =	vst v63  }
0x7d: {  	s24 =	simm.s32 $0xE800;
	s25 =	sld [smem:$0x7EC]  }
0x7e: {  	[hbm4b:s23+s3] =	stream.linear.scatter [tilespmem:s24], [sflag:$0x3], $0x800, $0x38;
	[tilespmem:$0x1F880] =	vst v63  }
0x7f: {  	s26 =	simm.s32 $0xF000;
	s23 =	sld [smem:$0x7ED]  }
0x80: {  	[hbm4b:s25+s3] =	stream.linear.scatter [tilespmem:s26], [sflag:$0x3], $0x800, $0x38;
	[tilespmem:$0x1F880] =	vst v63  }
0x81: {  	s24 =	simm.s32 $0xF800;
	s25 =	sld [smem:$0x7EE]  }
0x82: {  	[hbm4b:s23+s3] =	stream.linear.scatter [tilespmem:s24], [sflag:$0x3], $0x800, $0x38;
	[tilespmem:$0x1F880] =	vst v63  }
0x83: {  	s26 =	simm.s32 $0x10000;
	s23 =	sld [smem:$0x7EF]  }
0x84: {  	[hbm4b:s25+s3] =	stream.linear.scatter [tilespmem:s26], [sflag:$0x3], $0x800, $0x38;
	[tilespmem:$0x1F880] =	vst v63  }
0x85: {  	s24 =	simm.s32 $0x10800;
	s25 =	sld [smem:$0x7F0]  }
0x86: {  	[hbm4b:s23+s3] =	stream.linear.scatter [tilespmem:s24], [sflag:$0x3], $0x800, $0x38;
	[tilespmem:$0x1F880] =	vst v63  }
0x87: {  	s26 =	simm.s32 $0x11000;
	s23 =	sld [smem:$0x7F1]  }
0x88: {  	[hbm4b:s25+s3] =	stream.linear.scatter [tilespmem:s26], [sflag:$0x3], $0x800, $0x38;
	[tilespmem:$0x1F880] =	vst v63  }
0x89: {  	s24 =	simm.s32 $0x11800;
	s25 =	sld [smem:$0x7F2]  }
0x8a: {  	[hbm4b:s23+s3] =	stream.linear.scatter [tilespmem:s24], [sflag:$0x3], $0x800, $0x38;
	[tilespmem:$0x1F880] =	vst v63  }
0x8b: {  	s26 =	simm.s32 $0x12000;
	s23 =	sld [smem:$0x7F3]  }
0x8c: {  	[hbm4b:s25+s3] =	stream.linear.scatter [tilespmem:s26], [sflag:$0x3], $0x800, $0x38;
	[tilespmem:$0x1F880] =	vst v63  }
0x8d: {  	s24 =	simm.s32 $0x12800;
	s25 =	sld [smem:$0x7F4]  }
0x8e: {  	[hbm4b:s23+s3] =	stream.linear.scatter [tilespmem:s24], [sflag:$0x3], $0x800, $0x38;
	[tilespmem:$0x1F880] =	vst v63  }
0x8f: {  	s26 =	simm.s32 $0x13000;
	s23 =	sld [smem:$0x7F5]  }
0x90: {  	[hbm4b:s25+s3] =	stream.linear.scatter [tilespmem:s26], [sflag:$0x3], $0x800, $0x38;
	[tilespmem:$0x1F880] =	vst v63  }
0x91: {  	s24 =	simm.s32 $0x13800;
	s25 =	sld [smem:$0x7F6]  }
0x92: {  	[hbm4b:s23+s3] =	stream.linear.scatter [tilespmem:s24], [sflag:$0x3], $0x800, $0x38;
	[tilespmem:$0x1F880] =	vst v63  }
0x93: {  	s26 =	simm.s32 $0x14000;
	s23 =	sld [smem:$0x7F7]  }
0x94: {  	[hbm4b:s25+s3] =	stream.linear.scatter [tilespmem:s26], [sflag:$0x3], $0x800, $0x38;
	[tilespmem:$0x1F880] =	vst v63  }
0x95: {  	s24 =	simm.s32 $0x14800;
	s25 =	sld [smem:$0x7F8]  }
0x96: {  	[hbm4b:s23+s3] =	stream.linear.scatter [tilespmem:s24], [sflag:$0x3], $0x800, $0x38;
	[tilespmem:$0x1F880] =	vst v63  }
0x97: {  	s26 =	simm.s32 $0x15000;
	s23 =	sld [smem:$0x7F9]  }
0x98: {  	[hbm4b:s25+s3] =	stream.linear.scatter [tilespmem:s26], [sflag:$0x3], $0x800, $0x38;
	[tilespmem:$0x1F880] =	vst v63  }
0x99: {  	s24 =	simm.s32 $0x15800;
	s25 =	sld [smem:$0x7FA]  }
0x9a: {  	[hbm4b:s23+s3] =	stream.linear.scatter [tilespmem:s24], [sflag:$0x3], $0x800, $0x38;
	[tilespmem:$0x1F880] =	vst v63  }
0x9b: {  	s26 =	simm.s32 $0x16000;
	s23 =	sld [smem:$0x7FB]  }
0x9c: {  	[hbm4b:s25+s3] =	stream.linear.scatter [tilespmem:s26], [sflag:$0x3], $0x800, $0x38;
	[tilespmem:$0x1F880] =	vst v63  }
0x9d: {  	s24 =	simm.s32 $0x16800;
	s25 =	sld [smem:$0x7FC]  }
0x9e: {  	[hbm4b:s23+s3] =	stream.linear.scatter [tilespmem:s24], [sflag:$0x3], $0x800, $0x38;
	[tilespmem:$0x1F880] =	vst v63  }
0x9f: {  	s26 =	simm.s32 $0x17000;
	s23 =	sld [smem:$0x7FD]  }
0xa0: {  	[hbm4b:s25+s3] =	stream.linear.scatter [tilespmem:s26], [sflag:$0x3], $0x800, $0x38;
	[tilespmem:$0x1F880] =	vst v63  }
0xa1: {  	s24 =	simm.s32 $0x17800  }
0xa2: {  	[hbm4b:s23+s3] =	stream.linear.scatter [tilespmem:s24], [sflag:$0x3], $0x800, $0x38;
	[tilespmem:$0x1F880] =	vst v63  }
0xa3: {  	s25 =	simm.s32 $0x18000  }
0xa4: {  	[hbm4b:s28+s3] =	stream.linear.scatter [tilespmem:s25], [sflag:$0x3], $0x800, $0x38;
	[tilespmem:$0x1F880] =	vst v63  }
0xa5: {  	s26 =	simm.s32 $0x18800  }
0xa6: {  	[hbm4b:s29+s3] =	stream.linear.scatter [tilespmem:s26], [sflag:$0x3], $0x800, $0x38;
	[tilespmem:$0x1F880] =	vst v63  }
0xa7: {  	s23 =	simm.s32 $0x19000  }
0xa8: {  	[hbm4b:s30+s3] =	stream.linear.scatter [tilespmem:s23], [sflag:$0x3], $0x800, $0x38;
	[tilespmem:$0x1F880] =	vst v63  }
0xa9: {  	s24 =	simm.s32 $0x19800  }
0xaa: {  	[hbm4b:s31+s3] =	stream.linear.scatter [tilespmem:s24], [sflag:$0x3], $0x800, $0x38;
	[tilespmem:$0x1F880] =	vst v63  }
0xab: {  	s25 =	simm.s32 $0x1A000  }
0xac: {  	[hbm4b:s0+s3] =	stream.linear.scatter [tilespmem:s25], [sflag:$0x3], $0x800, $0x38;
	[tilespmem:$0x1F880] =	vst v63  }
0xad: {  	s26 =	simm.s32 $0x1A800  }
0xae: {  	[hbm4b:s1+s3] =	stream.linear.scatter [tilespmem:s26], [sflag:$0x3], $0x800, $0x38;
	[tilespmem:$0x1F880] =	vst v63  }
0xaf: {  	s23 =	simm.s32 $0x1B000  }
0xb0: {  	[hbm4b:s6+s3] =	stream.linear.scatter [tilespmem:s23], [sflag:$0x3], $0x800, $0x38;
	[tilespmem:$0x1F880] =	vst v63  }
0xb1: {  	s24 =	simm.s32 $0x1B800  }
0xb2: {  	[hbm4b:s7+s3] =	stream.linear.scatter [tilespmem:s24], [sflag:$0x3], $0x800, $0x38;
	[tilespmem:$0x1F880] =	vst v63  }
0xb3: {  	s25 =	simm.s32 $0x1C000  }
0xb4: {  	[hbm4b:s8+s3] =	stream.linear.scatter [tilespmem:s25], [sflag:$0x3], $0x800, $0x38;
	[tilespmem:$0x1F880] =	vst v63  }
0xb5: {  	s26 =	simm.s32 $0x1C800  }
0xb6: {  	[hbm4b:s9+s3] =	stream.linear.scatter [tilespmem:s26], [sflag:$0x3], $0x800, $0x38;
	[tilespmem:$0x1F880] =	vst v63  }
0xb7: {  	s23 =	simm.s32 $0x1D000  }
0xb8: {  	[hbm4b:s10+s3] =	stream.linear.scatter [tilespmem:s23], [sflag:$0x3], $0x800, $0x38;
	[tilespmem:$0x1F880] =	vst v63  }
0xb9: {  	s24 =	simm.s32 $0x1D800  }
0xba: {  	[hbm4b:s11+s3] =	stream.linear.scatter [tilespmem:s24], [sflag:$0x3], $0x800, $0x38;
	[tilespmem:$0x1F880] =	vst v63  }
0xbb: {  	s25 =	simm.s32 $0x1E000  }
0xbc: {  	[hbm4b:s12+s3] =	stream.linear.scatter [tilespmem:s25], [sflag:$0x3], $0x800, $0x38;
	[tilespmem:$0x1F880] =	vst v63  }
0xbd: {  	s26 =	simm.s32 $0x1E800  }
0xbe: {  	[hbm4b:s13+s3] =	stream.linear.scatter [tilespmem:s26], [sflag:$0x3], $0x48, $0x38;
	[tilespmem:$0x1F880] =	vst v63  }
0xbf: {  	_ =	swait.ge [sflag:s20], $0x800  }
0xc0: {  	[sflag:s20] =	ssyncset.done $0x0  }
0xc1: {  	[sflag:s20] =	ssyncadd.s32 $0xFFFFF800  }
0xc2: {  	_ =	swait.ge [sflag:s20], $0x800  }
0xc3: {  	[sflag:s20] =	ssyncset.done $0x0  }
0xc4: {  	[sflag:s20] =	ssyncadd.s32 $0xFFFFF800  }
0xc5: {  	_ =	swait.ge [sflag:s20], $0x800  }
0xc6: {  	[sflag:s20] =	ssyncset.done $0x0  }
0xc7: {  	[sflag:s20] =	ssyncadd.s32 $0xFFFFF800  }
0xc8: {  	_ =	swait.ge [sflag:s20], $0x800  }
0xc9: {  	[sflag:s20] =	ssyncset.done $0x0  }
0xca: {  	[sflag:s20] =	ssyncadd.s32 $0xFFFFF800  }
0xcb: {  	_ =	swait.ge [sflag:s20], $0x800  }
0xcc: {  	[sflag:s20] =	ssyncset.done $0x0  }
0xcd: {  	[sflag:s20] =	ssyncadd.s32 $0xFFFFF800  }
0xce: {  	_ =	swait.ge [sflag:s20], $0x800  }
0xcf: {  	[sflag:s20] =	ssyncset.done $0x0  }
0xd0: {  	[sflag:s20] =	ssyncadd.s32 $0xFFFFF800  }
0xd1: {  	_ =	swait.ge [sflag:s20], $0x800  }
0xd2: {  	[sflag:s20] =	ssyncset.done $0x0  }
0xd3: {  	[sflag:s20] =	ssyncadd.s32 $0xFFFFF800  }
0xd4: {  	_ =	swait.ge [sflag:s20], $0x800  }
0xd5: {  	[sflag:s20] =	ssyncset.done $0x0  }
0xd6: {  	[sflag:s20] =	ssyncadd.s32 $0xFFFFF800  }
0xd7: {  	_ =	swait.ge [sflag:s20], $0x800  }
0xd8: {  	[sflag:s20] =	ssyncset.done $0x0  }
0xd9: {  	[sflag:s20] =	ssyncadd.s32 $0xFFFFF800  }
0xda: {  	_ =	swait.ge [sflag:s20], $0x800  }
0xdb: {  	[sflag:s20] =	ssyncset.done $0x0  }
0xdc: {  	[sflag:s20] =	ssyncadd.s32 $0xFFFFF800  }
0xdd: {  	_ =	swait.ge [sflag:s20], $0x800  }
0xde: {  	[sflag:s20] =	ssyncset.done $0x0  }
0xdf: {  	[sflag:s20] =	ssyncadd.s32 $0xFFFFF800  }
0xe0: {  	_ =	swait.ge [sflag:s20], $0x800  }
0xe1: {  	[sflag:s20] =	ssyncset.done $0x0  }
0xe2: {  	[sflag:s20] =	ssyncadd.s32 $0xFFFFF800  }
0xe3: {  	_ =	swait.ge [sflag:s20], $0x800  }
0xe4: {  	[sflag:s20] =	ssyncset.done $0x0  }
0xe5: {  	[sflag:s20] =	ssyncadd.s32 $0xFFFFF800  }
0xe6: {  	_ =	swait.ge [sflag:s20], $0x800  }
0xe7: {  	[sflag:s20] =	ssyncset.done $0x0  }
0xe8: {  	[sflag:s20] =	ssyncadd.s32 $0xFFFFF800  }
0xe9: {  	_ =	swait.ge [sflag:s20], $0x800  }
0xea: {  	[sflag:s20] =	ssyncset.done $0x0  }
0xeb: {  	[sflag:s20] =	ssyncadd.s32 $0xFFFFF800  }
0xec: {  	_ =	swait.ge [sflag:s20], $0x800  }
0xed: {  	[sflag:s20] =	ssyncset.done $0x0  }
0xee: {  	[sflag:s20] =	ssyncadd.s32 $0xFFFFF800  }
0xef: {  	_ =	swait.ge [sflag:s20], $0x800  }
0xf0: {  	[sflag:s20] =	ssyncset.done $0x0  }
0xf1: {  	[sflag:s20] =	ssyncadd.s32 $0xFFFFF800  }
0xf2: {  	_ =	swait.ge [sflag:s20], $0x800  }
0xf3: {  	[sflag:s20] =	ssyncset.done $0x0  }
0xf4: {  	[sflag:s20] =	ssyncadd.s32 $0xFFFFF800  }
0xf5: {  	_ =	swait.ge [sflag:s20], $0x800  }
0xf6: {  	[sflag:s20] =	ssyncset.done $0x0  }
0xf7: {  	[sflag:s20] =	ssyncadd.s32 $0xFFFFF800  }
0xf8: {  	_ =	swait.ge [sflag:s20], $0x800  }
0xf9: {  	[sflag:s20] =	ssyncset.done $0x0  }
0xfa: {  	[sflag:s20] =	ssyncadd.s32 $0xFFFFF800  }
0xfb: {  	_ =	swait.ge [sflag:s20], $0x800  }
0xfc: {  	[sflag:s20] =	ssyncset.done $0x0  }
0xfd: {  	[sflag:s20] =	ssyncadd.s32 $0xFFFFF800  }
0xfe: {  	_ =	swait.ge [sflag:s20], $0x800  }
0xff: {  	[sflag:s20] =	ssyncset.done $0x0  }
0x100: {  	[sflag:s20] =	ssyncadd.s32 $0xFFFFF800  }
0x101: {  	_ =	swait.ge [sflag:s20], $0x800  }
0x102: {  	[sflag:s20] =	ssyncset.done $0x0  }
0x103: {  	[sflag:s20] =	ssyncadd.s32 $0xFFFFF800  }
0x104: {  	_ =	swait.ge [sflag:s20], $0x800  }
0x105: {  	[sflag:s20] =	ssyncset.done $0x0  }
0x106: {  	[sflag:s20] =	ssyncadd.s32 $0xFFFFF800  }
0x107: {  	_ =	swait.ge [sflag:s20], $0x800  }
0x108: {  	[sflag:s20] =	ssyncset.done $0x0  }
0x109: {  	[sflag:s20] =	ssyncadd.s32 $0xFFFFF800  }
0x10a: {  	_ =	swait.ge [sflag:s20], $0x800  }
0x10b: {  	[sflag:s20] =	ssyncset.done $0x0  }
0x10c: {  	[sflag:s20] =	ssyncadd.s32 $0xFFFFF800  }
0x10d: {  	_ =	swait.ge [sflag:s20], $0x800  }
0x10e: {  	[sflag:s20] =	ssyncset.done $0x0  }
0x10f: {  	[sflag:s20] =	ssyncadd.s32 $0xFFFFF800  }
0x110: {  	_ =	swait.ge [sflag:s20], $0x800  }
0x111: {  	[sflag:s20] =	ssyncset.done $0x0  }
0x112: {  	[sflag:s20] =	ssyncadd.s32 $0xFFFFF800  }
0x113: {  	_ =	swait.ge [sflag:s20], $0x800  }
0x114: {  	[sflag:s20] =	ssyncset.done $0x0  }
0x115: {  	[sflag:s20] =	ssyncadd.s32 $0xFFFFF800  }
0x116: {  	_ =	swait.ge [sflag:s20], $0x800  }
0x117: {  	[sflag:s20] =	ssyncset.done $0x0  }
0x118: {  	[sflag:s20] =	ssyncadd.s32 $0xFFFFF800  }
0x119: {  	_ =	swait.ge [sflag:s20], $0x800  }
0x11a: {  	[sflag:s20] =	ssyncset.done $0x0  }
0x11b: {  	[sflag:s20] =	ssyncadd.s32 $0xFFFFF800  }
0x11c: {  	_ =	swait.ge [sflag:s20], $0x800  }
0x11d: {  	[sflag:s20] =	ssyncset.done $0x0  }
0x11e: {  	[sflag:s20] =	ssyncadd.s32 $0xFFFFF800  }
0x11f: {  	_ =	swait.ge [sflag:s20], $0x800  }
0x120: {  	[sflag:s20] =	ssyncset.done $0x0  }
0x121: {  	[sflag:s20] =	ssyncadd.s32 $0xFFFFF800  }
0x122: {  	_ =	swait.ge [sflag:s20], $0x800  }
0x123: {  	[sflag:s20] =	ssyncset.done $0x0  }
0x124: {  	[sflag:s20] =	ssyncadd.s32 $0xFFFFF800  }
0x125: {  	_ =	swait.ge [sflag:s20], $0x800  }
0x126: {  	[sflag:s20] =	ssyncset.done $0x0  }
0x127: {  	[sflag:s20] =	ssyncadd.s32 $0xFFFFF800  }
0x128: {  	_ =	swait.ge [sflag:s20], $0x800  }
0x129: {  	[sflag:s20] =	ssyncset.done $0x0  }
0x12a: {  	[sflag:s20] =	ssyncadd.s32 $0xFFFFF800  }
0x12b: {  	_ =	swait.ge [sflag:s20], $0x800  }
0x12c: {  	[sflag:s20] =	ssyncset.done $0x0  }
0x12d: {  	[sflag:s20] =	ssyncadd.s32 $0xFFFFF800  }
0x12e: {  	_ =	swait.ge [sflag:s20], $0x800  }
0x12f: {  	[sflag:s20] =	ssyncset.done $0x0  }
0x130: {  	[sflag:s20] =	ssyncadd.s32 $0xFFFFF800  }
0x131: {  	_ =	swait.ge [sflag:s20], $0x800  }
0x132: {  	[sflag:s20] =	ssyncset.done $0x0  }
0x133: {  	[sflag:s20] =	ssyncadd.s32 $0xFFFFF800  }
0x134: {  	_ =	swait.ge [sflag:s20], $0x800  }
0x135: {  	[sflag:s20] =	ssyncset.done $0x0  }
0x136: {  	[sflag:s20] =	ssyncadd.s32 $0xFFFFF800  }
0x137: {  	_ =	swait.ge [sflag:s20], $0x800  }
0x138: {  	[sflag:s20] =	ssyncset.done $0x0  }
0x139: {  	[sflag:s20] =	ssyncadd.s32 $0xFFFFF800  }
0x13a: {  	_ =	swait.ge [sflag:s20], $0x800  }
0x13b: {  	[sflag:s20] =	ssyncset.done $0x0  }
0x13c: {  	[sflag:s20] =	ssyncadd.s32 $0xFFFFF800  }
0x13d: {  	_ =	swait.ge [sflag:s20], $0x800  }
0x13e: {  	[sflag:s20] =	ssyncset.done $0x0  }
0x13f: {  	[sflag:s20] =	ssyncadd.s32 $0xFFFFF800  }
0x140: {  	_ =	swait.ge [sflag:s20], $0x800  }
0x141: {  	[sflag:s20] =	ssyncset.done $0x0  }
0x142: {  	[sflag:s20] =	ssyncadd.s32 $0xFFFFF800  }
0x143: {  	_ =	swait.ge [sflag:s20], $0x800  }
0x144: {  	[sflag:s20] =	ssyncset.done $0x0  }
0x145: {  	[sflag:s20] =	ssyncadd.s32 $0xFFFFF800  }
0x146: {  	_ =	swait.ge [sflag:s20], $0x800  }
0x147: {  	[sflag:s20] =	ssyncset.done $0x0  }
0x148: {  	[sflag:s20] =	ssyncadd.s32 $0xFFFFF800  }
0x149: {  	_ =	swait.ge [sflag:s20], $0x800  }
0x14a: {  	[sflag:s20] =	ssyncset.done $0x0  }
0x14b: {  	[sflag:s20] =	ssyncadd.s32 $0xFFFFF800  }
0x14c: {  	_ =	swait.ge [sflag:s20], $0x800  }
0x14d: {  	[sflag:s20] =	ssyncset.done $0x0  }
0x14e: {  	[sflag:s20] =	ssyncadd.s32 $0xFFFFF800  }
0x14f: {  	_ =	swait.ge [sflag:s20], $0x800  }
0x150: {  	[sflag:s20] =	ssyncset.done $0x0  }
0x151: {  	[sflag:s20] =	ssyncadd.s32 $0xFFFFF800  }
0x152: {  	_ =	swait.ge [sflag:s20], $0x800  }
0x153: {  	[sflag:s20] =	ssyncset.done $0x0  }
0x154: {  	[sflag:s20] =	ssyncadd.s32 $0xFFFFF800  }
0x155: {  	_ =	swait.ge [sflag:s20], $0x800  }
0x156: {  	[sflag:s20] =	ssyncset.done $0x0  }
0x157: {  	[sflag:s20] =	ssyncadd.s32 $0xFFFFF800  }
0x158: {  	_ =	swait.ge [sflag:s20], $0x800  }
0x159: {  	[sflag:s20] =	ssyncset.done $0x0  }
0x15a: {  	[sflag:s20] =	ssyncadd.s32 $0xFFFFF800  }
0x15b: {  	_ =	swait.ge [sflag:s20], $0x800  }
0x15c: {  	[sflag:s20] =	ssyncset.done $0x0  }
0x15d: {  	[sflag:s20] =	ssyncadd.s32 $0xFFFFF800  }
0x15e: {  	_ =	swait.ge [sflag:s20], $0x800  }
0x15f: {  	[sflag:s20] =	ssyncset.done $0x0  }
0x160: {  	[sflag:s20] =	ssyncadd.s32 $0xFFFFF800  }
0x161: {  	_ =	swait.ge [sflag:s20], $0x800  }
0x162: {  	[sflag:s20] =	ssyncset.done $0x0  }
0x163: {  	[sflag:s20] =	ssyncadd.s32 $0xFFFFF800  }
0x164: {  	_ =	swait.ge [sflag:s20], $0x800  }
0x165: {  	[sflag:s20] =	ssyncset.done $0x0  }
0x166: {  	[sflag:s20] =	ssyncadd.s32 $0xFFFFF800  }
0x167: {  	_ =	swait.ge [sflag:s20], $0x800  }
0x168: {  	[sflag:s20] =	ssyncset.done $0x0  }
0x169: {  	[sflag:s20] =	ssyncadd.s32 $0xFFFFF800  }
0x16a: {  	_ =	swait.ge [sflag:s20], $0x800  }
0x16b: {  	[sflag:s20] =	ssyncset.done $0x0  }
0x16c: {  	[sflag:s20] =	ssyncadd.s32 $0xFFFFF800  }
0x16d: {  	_ =	swait.ge [sflag:s20], $0x800  }
0x16e: {  	[sflag:s20] =	ssyncset.done $0x0  }
0x16f: {  	[sflag:s20] =	ssyncadd.s32 $0xFFFFF800  }
0x170: {  	_ =	swait.ge [sflag:s20], $0x800  }
0x171: {  	[sflag:s20] =	ssyncset.done $0x0  }
0x172: {  	s21 =	sadd.s32 $0x1, s21;
	[sflag:s20] =	ssyncadd.s32 $0xFFFFF800  }
0x173: {  	p0 =	sne.s32 s21, s15;
	_ =	swait.ge [sflag:s20], $0x800  }
.Ltmp2:
0x174: {  	[sflag:s20] =	ssyncset.done $0x0;
	(pc) =	sbr.rel @!p0 .LBB2_12-.Ltmp2, $4  }
0x175: {  	[sflag:s20] =	ssyncadd.s32 $0xFFFFF800  }
0x176: {  	_ =	swait.ge [sflag:s20], $0x48  }
0x177: {  	[sflag:s20] =	ssyncset.done $0x0  }
0x178: {  	[sflag:s20] =	ssyncadd.s32 $0xFFFFFFB8  }
.LBB2_2:
0x179: {  	s22 =	simm.s32 $0x1E880  }
0x17a: {  	[tilespmem:s22], [sflag:$0x1] =	stream.linear.gather [hbm4b:s14+s3], $0x800, $0x38;
	[tilespmem:$0x1F880] =	vst v63  }
0x17b: {  	s22 =	simm.s32 $0x40  }
0x17c: {  	[tilespmem:s17], [sflag:$0x2] =	stream.linear.gather [hbm4b:s16+s3], $0x800, $0x38;
	[tilespmem:$0x1F880] =	vst v63  }
0x17d: {  	[tilespmem:s22+$0xFFFFFFC0] =	vst v0  }
0x17e: {  	[tilespmem:s22+$0x30] =	vst v0  }
0x17f: {  	[tilespmem:s22+$0x20] =	vst v0  }
0x180: {  	[tilespmem:s22+$0x10] =	vst v0  }
0x181: {  	[tilespmem:s22+$0x0] =	vst v0  }
0x182: {  	[tilespmem:s22+$0xFFFFFFF0] =	vst v0  }
0x183: {  	s23 =	simm.s32 $0x0;
	[tilespmem:s22+$0xFFFFFFE0] =	vst v0  }
.LBB2_3:
0x184: {  	s23 =	sadd.s32 $0x8, s23;
	[tilespmem:s22+$0xFFFFFFD0] =	vst v0;
	s22 =	sadd.s32 $0x80, s22  }
0x185: {  	[tilespmem:s22+$0xFFFFFFC0] =	vst v0;
	p0 =	slt.u32 s23, $0x1E78  }
0x186: {  	[tilespmem:s22+$0x30] =	vst v0  }
.Ltmp3:
0x187: {  	[tilespmem:s22+$0x20] =	vst v0;
	(pc) =	sbr.rel @p0 .LBB2_3-.Ltmp3, $4  }
0x188: {  	[tilespmem:s22+$0x10] =	vst v0  }
0x189: {  	[tilespmem:s22+$0x0] =	vst v0  }
0x18a: {  	[tilespmem:s22+$0xFFFFFFF0] =	vst v0  }
0x18b: {  	[tilespmem:s22+$0xFFFFFFE0] =	vst v0  }
0x18c: {  	[tilespmem:s22+$0xFFFFFFD0] =	vst v0  }
0x18d: {  	[tilespmem:$0x1E800] =	vst v0  }
0x18e: {  	[tilespmem:$0x1E810] =	vst v0  }
0x18f: {  	[tilespmem:$0x1E820] =	vst v0  }
0x190: {  	[tilespmem:$0x1E830] =	vst v0  }
0x191: {  	s22 =	simm.s32 $0x0;
	[tilespmem:$0x1E840] =	vst v0  }
.LBB2_5:
0x192: {  	_ =	swait.ge [sflag:s18], $0x800  }
0x193: {  	[sflag:s18] =	ssyncset.done $0x0  }
0x194: {  	s23 =	simm.s32 $0xFFFFFFF8;
	s24 =	simm.s32 $0x1E8C0;
	[sflag:s18] =	ssyncadd.s32 $0xFFFFF800  }
.LBB2_6:
0x195: {  	v2 =	vld [tilespmem:s24+$0xFFFFFFC0];
	_ =	sdelay $0x4  }
0x196: {  	vm0 =	vgt.s32 v2, $0xFFFFFFFF;
	_ =	sdelay $0x5  }
0x197: {  	[tilespmem:v2+s3+$0x0] =	vst.idx.msk vm0, v1  }
0x198: {  	v2 =	vld [tilespmem:s24+$0xFFFFFFD0];
	_ =	sdelay $0x4  }
0x199: {  	vm9 =	vgt.s32 v2, $0xFFFFFFFF;
	_ =	sdelay $0x5  }
0x19a: {  	[tilespmem:v2+s3+$0x0] =	vst.idx.msk vm9, v1  }
0x19b: {  	v2 =	vld [tilespmem:s24+$0xFFFFFFE0];
	_ =	sdelay $0x4  }
0x19c: {  	vm10 =	vgt.s32 v2, $0xFFFFFFFF;
	_ =	sdelay $0x5  }
0x19d: {  	[tilespmem:v2+s3+$0x0] =	vst.idx.msk vm10, v1  }
0x19e: {  	v2 =	vld [tilespmem:s24+$0xFFFFFFF0];
	_ =	sdelay $0x4  }
0x19f: {  	vm11 =	vgt.s32 v2, $0xFFFFFFFF;
	_ =	sdelay $0x5  }
0x1a0: {  	[tilespmem:v2+s3+$0x0] =	vst.idx.msk vm11, v1  }
0x1a1: {  	v2 =	vld [tilespmem:s24+$0x0];
	_ =	sdelay $0x4  }
0x1a2: {  	vm12 =	vgt.s32 v2, $0xFFFFFFFF;
	_ =	sdelay $0x5  }
0x1a3: {  	[tilespmem:v2+s3+$0x0] =	vst.idx.msk vm12, v1  }
0x1a4: {  	v2 =	vld [tilespmem:s24+$0x10];
	_ =	sdelay $0x4  }
0x1a5: {  	vm13 =	vgt.s32 v2, $0xFFFFFFFF;
	_ =	sdelay $0x5  }
0x1a6: {  	[tilespmem:v2+s3+$0x0] =	vst.idx.msk vm13, v1  }
0x1a7: {  	v2 =	vld [tilespmem:s24+$0x20];
	_ =	sdelay $0x4  }
0x1a8: {  	vm14 =	vgt.s32 v2, $0xFFFFFFFF;
	_ =	sdelay $0x5  }
0x1a9: {  	[tilespmem:v2+s3+$0x0] =	vst.idx.msk vm14, v1  }
0x1aa: {  	v2 =	vld [tilespmem:s24+$0x30];
	_ =	sdelay $0x4  }
0x1ab: {  	s23 =	sadd.s32 $0x8, s23;
	vm15 =	vgt.s32 v2, $0xFFFFFFFF  }
0x1ac: {  	p0 =	slt.u32 s23, $0x78  }
.Ltmp4:
0x1ad: {  	_ = 	snop;
	(pc) =	sbr.rel @p0 .LBB2_6-.Ltmp4, $2  }
0x1ae: {  	_ =	sdelay $0x2  }
0x1af: {  	s24 =	sadd.s32 $0x80, s24;
	[tilespmem:v2+s3+$0x0] =	vst.idx.msk vm15, v1  }
0x1b0: {  	s23 =	sshll.u32 s22, $0xC;
	p0 =	seq.s32 s22, $0x1F  }
0x1b1: {  	s24 =	sadd.s32 @!p0 s23, s4  }
0x1b2: {  	s24 =	sshrl.u32 @!p0 s24, $0x3  }
0x1b3: {  	s25 =	simm.s32 @!p0 $0x0;
	s26 =	simm.s32 @!p0 $0x1E880;
	s24 =	sadd.s32 @!p0 s2, s24  }
0x1b4: {  	[tilespmem:s26], [sflag:$0x1] =	stream.linear.gather @!p0 [hbm4b:s24+s25], $0x800, $0x38;
	[tilespmem:$0x1F880] =	vst v63  }
0x1b5: {  	_ =	swait.ge [sflag:s19], $0x800  }
0x1b6: {  	[sflag:s19] =	ssyncset.done $0x0  }
0x1b7: {  	s24 =	simm.s32 $0xFFFFFFF8;
	s25 =	simm.s32 $0x1F0F0;
	[sflag:s19] =	ssyncadd.s32 $0xFFFFF800  }
.LBB2_8:
0x1b8: {  	v2 =	vld [tilespmem:s25+$0xFFFFFF90];
	_ =	sdelay $0x4  }
0x1b9: {  	vm0 =	vgt.s32 v2, $0xFFFFFFFF;
	_ =	sdelay $0x5  }
0x1ba: {  	[tilespmem:v2+s3+$0x0] =	vst.idx.msk vm0, v1  }
0x1bb: {  	v2 =	vld [tilespmem:s25+$0xFFFFFFA0];
	_ =	sdelay $0x4  }
0x1bc: {  	vm9 =	vgt.s32 v2, $0xFFFFFFFF;
	_ =	sdelay $0x5  }
0x1bd: {  	[tilespmem:v2+s3+$0x0] =	vst.idx.msk vm9, v1  }
0x1be: {  	v2 =	vld [tilespmem:s25+$0xFFFFFFB0];
	_ =	sdelay $0x4  }
0x1bf: {  	vm10 =	vgt.s32 v2, $0xFFFFFFFF;
	_ =	sdelay $0x5  }
0x1c0: {  	[tilespmem:v2+s3+$0x0] =	vst.idx.msk vm10, v1  }
0x1c1: {  	v2 =	vld [tilespmem:s25+$0xFFFFFFC0];
	_ =	sdelay $0x4  }
0x1c2: {  	vm11 =	vgt.s32 v2, $0xFFFFFFFF;
	_ =	sdelay $0x5  }
0x1c3: {  	[tilespmem:v2+s3+$0x0] =	vst.idx.msk vm11, v1  }
0x1c4: {  	v2 =	vld [tilespmem:s25+$0xFFFFFFD0];
	_ =	sdelay $0x4  }
0x1c5: {  	vm12 =	vgt.s32 v2, $0xFFFFFFFF;
	_ =	sdelay $0x5  }
0x1c6: {  	[tilespmem:v2+s3+$0x0] =	vst.idx.msk vm12, v1  }
0x1c7: {  	v2 =	vld [tilespmem:s25+$0xFFFFFFE0];
	_ =	sdelay $0x4  }
0x1c8: {  	vm13 =	vgt.s32 v2, $0xFFFFFFFF;
	_ =	sdelay $0x5  }
0x1c9: {  	[tilespmem:v2+s3+$0x0] =	vst.idx.msk vm13, v1  }
0x1ca: {  	v2 =	vld [tilespmem:s25+$0xFFFFFFF0];
	_ =	sdelay $0x4  }
0x1cb: {  	vm14 =	vgt.s32 v2, $0xFFFFFFFF;
	_ =	sdelay $0x5  }
0x1cc: {  	[tilespmem:v2+s3+$0x0] =	vst.idx.msk vm14, v1  }
0x1cd: {  	v2 =	vld [tilespmem:s25+$0x0];
	_ =	sdelay $0x4  }
0x1ce: {  	s24 =	sadd.s32 $0x8, s24;
	vm15 =	vgt.s32 v2, $0xFFFFFFFF  }
0x1cf: {  	p1 =	slt.u32 s24, $0x78  }
.Ltmp5:
0x1d0: {  	_ = 	snop;
	(pc) =	sbr.rel @p1 .LBB2_8-.Ltmp5, $2  }
0x1d1: {  	_ =	sdelay $0x2  }
0x1d2: {  	s25 =	sadd.s32 $0x80, s25;
	[tilespmem:v2+s3+$0x0] =	vst.idx.msk vm15, v1  }
.Ltmp6:
0x1d3: {  	(pc) =	sbr.rel @p0 .LBB2_11-.Ltmp6, $1  }
0x1d4: {  	_ =	sdelay $0x3  }
.Ltmp7:
0x1d5: {  	(pc) =	sbr.rel .LBB2_5-.Ltmp7, $4  }
0x1d6: {  	s23 =	sadd.s32 s23, s5  }
0x1d7: {  	s23 =	sshrl.u32 s23, $0x3  }
0x1d8: {  	s22 =	sadd.s32 $0x1, s22;
	s23 =	sadd.s32 s2, s23  }
0x1d9: {  	[tilespmem:s17], [sflag:$0x2] =	stream.linear.gather [hbm4b:s23+s3], $0x800, $0x38;
	[tilespmem:$0x1F880] =	vst v63  }
.LBB2_12:
0x1da: {  	_ =	sfence.sel $0x180000  }
0x1db: {  	[bflag:$0x0] =	sbarrier.arrive $0xFFFF  }
0x1dc: {  	_ =	strace $0x90000047  }
0x1dd: {  	s0 =	stileid.u32;
	[bflag:$0x2] =	sbarrier.arrive $0xFFFF  }
0x1de: {  	p0 =	sne.s32 s0, $0x0;
	s0 =	rddreg [dreg:$0x2]  }
0x1df: {  	s0 =	sadd.s32 @!p0 $0x100000, s0  }
0x1e0: {  	[sflag:s0] =	ssyncadd.tile.s32 @!p0 $0x1;
	_ =	shalt  }
.Lfunc_end2:
_tile_overlayer_lowered:
.L_overlay_start_2:
0x1e1: {  	(tag) =	ssettag $0x2  }
0x1e2: {  	s0 =	rddreg [dreg:$0x0];
	s2 =	stileid.u32  }
0x1e3: {  	s1 =	rddreg [dreg:$0x1];
	p0 =	sne.s32 s2, $0x0  }
0x1e4: {  	s3 =	rddreg [dreg:$0x2];
	[bflag:$0x3] =	sbarrier.arrive $0xFFFF;
	s2 =	simm.s32 @!p0 $0x1C04  }
0x1e5: {  	[timem:s3], [sflag:s2] =	dma.local @!p0 [hbm:s0], s1  }
0x1e6: {  	s0 =	simm.s32 @!p0 $0x4  }
0x1e7: {  	_ =	swait.ge @!p0 [sflag:s0], s1  }
0x1e8: {  	s1 =	ssub.s32 @!p0 $0x0, s1;
	[sflag:s0] =	ssyncset.done @!p0 $0x0  }
0x1e9: {  	[sflag:s0] =	ssyncadd.s32 @!p0 s1  }
0x1ea: {  	[bflag:$0x3] =	sbarrier.arrive $0xFFFF  }
0x1eb: {  	_ =	shalt  }

</sc_bundles>
